<compile_context>
chip_gen: v7x
topology: tpu7x:2x2x1
jax: 0.10.2.dev20260603
libtpu: 0.0.44.dev20260713+nightly
codegen_flags: <defaults>
</compile_context>

<pallas_src>
import functools

import jax
import jax.numpy as jnp
from jax import lax
from jax.experimental import pallas as pl
from jax.experimental.pallas import tpu as pltpu
from jax.experimental.pallas import tpu_sc as plsc

N = 10000
E = 320000
F = 128
H = 4
DH = 64
QKV = H * DH

N_PAD = 10240
E_PAD = 327680
C = 128
NCH = E_PAD // C
C2 = 64
NCH2 = E_PAD // C2
NW = 32
DUMMY = N
BLK = 1024
NBLK = E_PAD // BLK
RPS = N_PAD // 16

_f32 = jnp.float32


def _sds(shape):
    return jax.ShapeDtypeStruct(shape, _f32)


def _sigmoid(z):
    return 1.0 / (1.0 + jnp.exp(-z))


def _silu(z):
    return z * _sigmoid(z)


def _dot(a, b):
    return jnp.dot(a, b, preferred_element_type=_f32)


def _mm3(a3, w3):
    return (a3[:, 0:1] * w3[0:1, :] + a3[:, 1:2] * w3[1:2, :]
            + a3[:, 2:3] * w3[2:3, :])



def _k1_body(hb, xp, qwt, qb, kwt, kb, vwt, vb, eat, exr, ect, exc, mrt, mct,
             o_s, o_d, o_bs, o_bd):
    hv = hb[...]
    xv = xp[...]
    xr3 = xv[:, 0:3]
    xn3 = xv[:, 3:6]
    zpad = jnp.zeros((hv.shape[0], 125), _f32)
    q = _dot(hv, qwt[...]) + qb[...]
    k = _dot(hv, kwt[...]) + kb[...]
    v = _dot(hv, vwt[...]) + vb[...]
    gr = _dot(hv, eat[...]) + _mm3(xn3, exr[...])
    gc = _dot(hv, ect[...]) + _mm3(xn3, exc[...])
    mr = _mm3(xn3, mrt[...])
    mc = _mm3(xn3, mct[...])
    o_s[...] = jnp.concatenate([q, gr, xr3, zpad], axis=1)
    o_d[...] = jnp.concatenate([k, gc, xr3, zpad], axis=1)
    o_bs[...] = mr
    o_bd[...] = jnp.concatenate([v, mc], axis=1)


def _node_tables(h_p, xpack, w):
    grid = (N_PAD // BLK,)
    row = lambda width: pl.BlockSpec((BLK, width), lambda i: (i, 0))
    full = lambda a: pl.BlockSpec(a.shape, lambda i: (0, 0))
    weights = [w['qwt'], w['qb'], w['kwt'], w['kb'], w['vwt'], w['vb'],
               w['eat'], w['exr'], w['ect'], w['exc'], w['mrt'], w['mct']]
    return pl.pallas_call(
        _k1_body,
        grid=grid,
        in_specs=[row(F), row(16)] + [full(a) for a in weights],
        out_specs=[row(512), row(512), row(128), row(384)],
        out_shape=[_sds((N_PAD, 512)), _sds((N_PAD, 512)), _sds((N_PAD, 128)),
                   _sds((N_PAD, 384))],
    )(h_p, xpack, *weights)



_MESH = plsc.VectorSubcoreMesh(core_axis_name="c", subcore_axis_name="s")


@functools.partial(
    pl.kernel,
    out_type=[_sds((E_PAD, 512)), _sds((E_PAD, 512))],
    mesh=_MESH,
    scratch_types=[pltpu.VMEM((C2,), jnp.int32), pltpu.VMEM((C2,), jnp.int32),
                   pltpu.VMEM((C2, 512), _f32), pltpu.VMEM((C2, 512), _f32),
                   pltpu.SemaphoreType.DMA, pltpu.SemaphoreType.DMA],
)
def _k2_gather_a(ta_src, ta_dst, row2, col2, ga_src, ga_dst,
                 i_r, i_c, b_s, b_d, sem, sem2):
    wid = lax.axis_index("s") * 2 + lax.axis_index("c")
    per_w = NCH2 // NW

    def body(i, carry):
        ch = wid * per_w + i
        e0 = ch * C2
        pltpu.sync_copy(row2.at[ch], i_r)
        pltpu.sync_copy(col2.at[ch], i_c)
        d0 = pltpu.async_copy(ta_src.at[i_r], b_s, sem)
        d1 = pltpu.async_copy(ta_dst.at[i_c], b_d, sem2)
        d0.wait()
        d1.wait()
        pltpu.sync_copy(b_s, ga_src.at[pl.ds(e0, C2)])
        pltpu.sync_copy(b_d, ga_dst.at[pl.ds(e0, C2)])
        return carry

    lax.fori_loop(0, per_w, body, 0)



def _k3_body(gs_ref, gd_ref, edw, em0b, em1t, em1b, ewt, ewb, pw, pb, pm1t,
             pm1b, o_ef, o_extra):
    gs = gs_ref[...]
    gd = gd_ref[...]
    q = gs[:, 0:QKV]
    gr = gs[:, QKV:QKV + F]
    xr = gs[:, QKV + F:QKV + F + 3]
    k = gd[:, 0:QKV]
    gc = gd[:, QKV:QKV + F]
    xc = gd[:, QKV + F:QKV + F + 3]
    rp = xr - xc
    dist = jnp.sum(rp * rp, axis=1, keepdims=True)
    pre = gr + gc + dist * edw[...] + em0b[...]
    ef = _dot(_silu(pre), em1t[...]) + em1b[...]
    ew = _dot(ef, ewt[...]) + ewb[...]
    pe = _dot(_silu(dist * pw[...] + pb[...]), pm1t[...]) + pm1b[...]
    qks = []
    for hh in range(H):
        sl = slice(hh * DH, (hh + 1) * DH)
        qks.append(jnp.sum(q[:, sl] * k[:, sl], axis=1, keepdims=True))
    qk = jnp.concatenate(qks, axis=1)
    exps = jnp.exp(qk + pe + ew)
    nb = gs.shape[0]
    o_ef[...] = ef
    o_extra[...] = jnp.concatenate([exps, rp, xc, jnp.zeros((nb, 118), _f32)],
                                   axis=1)


def _edge_pass_a(ga_src, ga_dst, w):
    grid = (NBLK,)
    row = lambda width: pl.BlockSpec((BLK, width), lambda i: (i, 0))
    full = lambda a: pl.BlockSpec(a.shape, lambda i: (0, 0))
    weights = [w['edw'], w['em0b'], w['em1t'], w['em1b'], w['ewt'], w['ewb'],
               w['pw'], w['pb'], w['pm1t'], w['pm1b']]
    return pl.pallas_call(
        _k3_body,
        grid=grid,
        in_specs=[row(512), row(512)] + [full(a) for a in weights],
        out_specs=[row(128), row(128)],
        out_shape=[_sds((E_PAD, 128)), _sds((E_PAD, 128))],
    )(ga_src, ga_dst, *weights)



@functools.partial(
    pl.kernel,
    out_type=[_sds((2, N_PAD, 128))],
    mesh=_MESH,
    scratch_types=[pltpu.VMEM((C,), jnp.int32), pltpu.VMEM((C, 128), _f32),
                   pltpu.VMEM_SHARED((N_PAD, 128), _f32)],
)
def _k4_scatter_exps(extra, row2, z128, out, idx, buf, acc):
    c = lax.axis_index("c")
    s = lax.axis_index("s")
    r0 = s * RPS
    pltpu.sync_copy(z128.at[pl.ds(r0, RPS)], acc.at[pl.ds(r0, RPS)])
    plsc.subcore_barrier()

    def body(i, carry):
        ch = c * (NCH // 2) + s * (NCH // NW) + i
        pltpu.sync_copy(row2.at[ch], idx)
        pltpu.sync_copy(extra.at[pl.ds(ch * C, C)], buf)
        pltpu.sync_copy(buf, acc.at[idx], add=True)
        return carry

    lax.fori_loop(0, NCH // NW, body, 0)
    plsc.subcore_barrier()
    pltpu.sync_copy(acc.at[pl.ds(r0, RPS)], out.at[c, pl.ds(r0, RPS)])



def _k45_body(mr_ref, a0_ref, a1_ref, o_tb2):
    o_tb2[...] = jnp.concatenate([mr_ref[...], a0_ref[...] + a1_ref[...]],
                                 axis=1)


def _combine_sums(tb_src, a0, a1):
    grid = (N_PAD // BLK,)
    row = lambda width: pl.BlockSpec((BLK, width), lambda i: (i, 0))
    return pl.pallas_call(
        _k45_body,
        grid=grid,
        in_specs=[row(128), row(128), row(128)],
        out_specs=[row(256)],
        out_shape=[_sds((N_PAD, 256))],
    )(tb_src, a0, a1)



@functools.partial(
    pl.kernel,
    out_type=[_sds((E_PAD, 256)), _sds((E_PAD, 384))],
    mesh=_MESH,
    scratch_types=[pltpu.VMEM((C,), jnp.int32), pltpu.VMEM((C,), jnp.int32),
                   pltpu.VMEM((C, 256), _f32), pltpu.VMEM((C, 384), _f32),
                   pltpu.SemaphoreType.DMA, pltpu.SemaphoreType.DMA],
)
def _k5_gather_b(tb2, tb_dst, row2, col2, gb_src, gb_dst,
                 i_r, i_c, b_m, b_d, sem, sem2):
    wid = lax.axis_index("s") * 2 + lax.axis_index("c")
    per_w = NCH // NW

    def body(i, carry):
        ch = wid * per_w + i
        e0 = ch * C
        pltpu.sync_copy(row2.at[ch], i_r)
        pltpu.sync_copy(col2.at[ch], i_c)
        d0 = pltpu.async_copy(tb2.at[i_r], b_m, sem)
        d1 = pltpu.async_copy(tb_dst.at[i_c], b_d, sem2)
        d0.wait()
        d1.wait()
        pltpu.sync_copy(b_m, gb_src.at[pl.ds(e0, C)])
        pltpu.sync_copy(b_d, gb_dst.at[pl.ds(e0, C)])
        return carry

    lax.fori_loop(0, per_w, body, 0)



def _k6_body(gbs_ref, gbd_ref, ef_ref, ex_ref, exp_ref,
             mm0eft, amw, rpt, mm0b, mm1t, mm1b, gmt, gmb, cm0t, cm0b, cm1t,
             cm1b, xm0t, xm0b, xm1t, xm1b, cwv_ref,
             o_wvc0, o_wvc1, o_scat3):
    pid = pl.program_id(0)
    gbs = gbs_ref[...]
    mr = gbs[:, 0:F]
    asum = gbs[:, F:F + H]
    ex = ex_ref[...]
    exps = ex[:, 0:H]
    rp = ex[:, 4:7]
    xc = ex[:, 7:10]
    attn = exps / (asum + 1e-08)
    am = jnp.sum(attn, axis=1, keepdims=True) * (1.0 / H)
    pp = exp_ref[...]
    first = jnp.where(pid == 0, pp[511:512, 4:7], pp[BLK - 1:BLK, 4:7])
    rpp = jnp.concatenate([first, rp[0:BLK - 1, :]], axis=0)
    cv = jnp.concatenate([
        rp[:, 1:2] * rpp[:, 2:3] - rp[:, 2:3] * rpp[:, 1:2],
        rp[:, 2:3] * rpp[:, 0:1] - rp[:, 0:1] * rpp[:, 2:3],
        rp[:, 0:1] * rpp[:, 1:2] - rp[:, 1:2] * rpp[:, 0:1],
    ], axis=1)
    gd = gbd_ref[...]
    v = gd[:, 0:QKV]
    mc = gd[:, QKV:QKV + F]
    ef = ef_ref[...]
    mpre = (_dot(ef, mm0eft[...]) + am * amw[...] + _mm3(rp, rpt[...])
            + mr + mc + mm0b[...])
    msg = _dot(_silu(mpre), mm1t[...]) + mm1b[...]
    gates = _sigmoid(_dot(msg, gmt[...]) + gmb[...])
    cw = _dot(_silu(_dot(msg, cm0t[...]) + cm0b[...]), cm1t[...]) + cm1b[...]
    hw = jnp.sum(gates * cw * cwv_ref[...], axis=1, keepdims=True)
    cg = jnp.sum(_dot(_silu(_dot(msg, xm0t[...]) + xm0b[...]), xm1t[...])
                 + xm1b[...], axis=1, keepdims=True)
    scat3 = hw * (0.9 * rp + 0.1 * xc) + cg * cv
    nb = mr.shape[0]
    o_wvc0[...] = jnp.concatenate(
        [attn[:, 0:1] * v[:, 0:DH], attn[:, 1:2] * v[:, DH:2 * DH]], axis=1)
    o_wvc1[...] = jnp.concatenate(
        [attn[:, 2:3] * v[:, 2 * DH:3 * DH], attn[:, 3:4] * v[:, 3 * DH:4 * DH]],
        axis=1)
    o_scat3[...] = jnp.concatenate([scat3, jnp.zeros((nb, 125), _f32)], axis=1)


def _edge_pass_b(gb_src, gb_dst, ef, extra, w):
    grid = (NBLK,)
    row = lambda width: pl.BlockSpec((BLK, width), lambda i: (i, 0))
    full = lambda a: pl.BlockSpec(a.shape, lambda i: (0, 0))

    def prev_map(i):
        return (jnp.where(i == 0, (E - 1) // BLK, i - 1), 0)

    weights = [w['mm0eft'], w['amw'], w['rpt'], w['mm0b'], w['mm1t'],
               w['mm1b'], w['gmt'], w['gmb'], w['cm0t'], w['cm0b'], w['cm1t'],
               w['cm1b'], w['xm0t'], w['xm0b'], w['xm1t'], w['xm1b'], w['cwv']]
    return pl.pallas_call(
        _k6_body,
        grid=grid,
        in_specs=[row(256), row(384), row(128), row(128),
                  pl.BlockSpec((BLK, 128), prev_map)]
        + [full(a) for a in weights],
        out_specs=[row(128), row(128), row(128)],
        out_shape=[_sds((E_PAD, 128)), _sds((E_PAD, 128)), _sds((E_PAD, 128))],
    )(gb_src, gb_dst, ef, extra, extra, *weights)



@functools.partial(
    pl.kernel,
    out_type=[_sds((2, N_PAD, 128))],
    mesh=_MESH,
    scratch_types=[pltpu.VMEM((C,), jnp.int32), pltpu.VMEM((C, 128), _f32),
                   pltpu.VMEM_SHARED((N_PAD, 128), _f32)],
)
def _k7a_scatter_wv(wvc0, wvc1, row2, z128, o_wv, idx, buf, acc):
    c = lax.axis_index("c")
    s = lax.axis_index("s")
    r0 = s * RPS
    pltpu.sync_copy(z128.at[pl.ds(r0, RPS)], acc.at[pl.ds(r0, RPS)])
    plsc.subcore_barrier()
    per_s = NCH // 16

    def make_body(src):
        def body(i, carry):
            ch = s * per_s + i
            pltpu.sync_copy(row2.at[ch], idx)
            pltpu.sync_copy(src.at[pl.ds(ch * C, C)], buf)
            pltpu.sync_copy(buf, acc.at[idx], add=True)
            return carry
        return body

    @pl.when(c == 0)
    def _():
        lax.fori_loop(0, per_s, make_body(wvc0), 0)

    @pl.when(c == 1)
    def _():
        lax.fori_loop(0, per_s, make_body(wvc1), 0)

    plsc.subcore_barrier()
    pltpu.sync_copy(acc.at[pl.ds(r0, RPS)], o_wv.at[c, pl.ds(r0, RPS)])


@functools.partial(
    pl.kernel,
    out_type=[_sds((2, N_PAD, 128))],
    mesh=_MESH,
    scratch_types=[pltpu.VMEM((C,), jnp.int32), pltpu.VMEM((C, 128), _f32),
                   pltpu.VMEM_SHARED((N_PAD, 128), _f32)],
)
def _k7b_scatter_s3(scat3, row2, z128, o_s3, idx, buf, acc):
    c = lax.axis_index("c")
    s = lax.axis_index("s")
    r0 = s * RPS
    pltpu.sync_copy(z128.at[pl.ds(r0, RPS)], acc.at[pl.ds(r0, RPS)])
    plsc.subcore_barrier()

    def body(i, carry):
        ch = c * (NCH // 2) + s * (NCH // NW) + i
        pltpu.sync_copy(row2.at[ch], idx)
        pltpu.sync_copy(scat3.at[pl.ds(ch * C, C)], buf)
        pltpu.sync_copy(buf, acc.at[idx], add=True)
        return carry

    lax.fori_loop(0, NCH // NW, body, 0)
    plsc.subcore_barrier()
    pltpu.sync_copy(acc.at[pl.ds(r0, RPS)], o_s3.at[c, pl.ds(r0, RPS)])



def _k8_body(wv0_ref, wv1_ref, s30_ref, s31_ref, ot0, ot1, ob,
             o_feat, o_coord):
    o_feat[...] = (_dot(wv0_ref[...], ot0[...]) + _dot(wv1_ref[...], ot1[...])
                   + ob[...])
    o_coord[...] = (s30_ref[...] + s31_ref[...]) * (1.0 / (N - 1))


def _finalize(wv0, wv1, s30, s31, w):
    grid = (N_PAD // BLK,)
    row = lambda width: pl.BlockSpec((BLK, width), lambda i: (i, 0))
    full = lambda a: pl.BlockSpec(a.shape, lambda i: (0, 0))
    return pl.pallas_call(
        _k8_body,
        grid=grid,
        in_specs=[row(128), row(128), row(128), row(128), full(w['ot0']),
                  full(w['ot1']), full(w['ob'])],
        out_specs=[row(128), row(128)],
        out_shape=[_sds((N_PAD, 128)), _sds((N_PAD, 128))],
    )(wv0, wv1, s30, s31, w['ot0'], w['ot1'], w['ob'])



def _prep_weights(p):
    scale = 1.0 / (DH ** 0.5)
    r1 = lambda a: a.reshape(1, -1).astype(_f32)
    w = {}
    w['qwt'] = p['q_w'].T * scale
    w['qb'] = r1(p['q_b'] * scale)
    w['kwt'] = p['k_w'].T
    w['kb'] = r1(p['k_b'])
    w['vwt'] = p['v_w'].T
    w['vb'] = r1(p['v_b'])
    w['eat'] = p['em0_w'][:, 0:128].T
    w['ect'] = p['em0_w'][:, 128:256].T
    w['edw'] = r1(p['em0_w'][:, 256])
    w['exr'] = p['em0_w'][:, 257:260].T
    w['exc'] = p['em0_w'][:, 260:263].T
    w['em0b'] = r1(p['em0_b'])
    w['em1t'] = p['em1_w'].T
    w['em1b'] = r1(p['em1_b'])
    w['ewt'] = p['ew_w'].T
    w['ewb'] = r1(p['ew_b'])
    w['pw'] = r1(p['pm0_w'][:, 0])
    w['pb'] = r1(p['pm0_b'])
    w['pm1t'] = p['pm1_w'].T
    w['pm1b'] = r1(p['pm1_b'])
    w['mm0eft'] = p['mm0_w'][:, 0:128].T
    w['amw'] = r1(p['mm0_w'][:, 128])
    w['rpt'] = p['mm0_w'][:, 129:132].T
    w['mrt'] = p['mm0_w'][:, 132:135].T
    w['mct'] = p['mm0_w'][:, 135:138].T
    w['mm0b'] = r1(p['mm0_b'])
    w['mm1t'] = p['mm1_w'].T
    w['mm1b'] = r1(p['mm1_b'])
    w['gmt'] = p['gm_w'].T
    w['gmb'] = r1(p['gm_b'])
    w['cm0t'] = p['cm0_w'].T
    w['cm0b'] = r1(p['cm0_b'])
    w['cm1t'] = p['cm1_w'].T
    w['cm1b'] = r1(p['cm1_b'])
    w['xm0t'] = p['xm0_w'].T
    w['xm0b'] = r1(p['xm0_b'])
    w['xm1t'] = p['xm1_w'].T
    w['xm1b'] = r1(p['xm1_b'])
    w['cwv'] = r1(p['coord_weights'])
    w['ot0'] = p['out_w'][:, 0:128].T
    w['ot1'] = p['out_w'][:, 128:256].T
    w['ob'] = r1(p['out_b'])
    return {k: v.astype(_f32) for k, v in w.items()}


def kernel(h, x, edge_index, params):
    w = _prep_weights(params)

    row = edge_index[0].astype(jnp.int32)
    col = edge_index[1].astype(jnp.int32)
    padi = jnp.full((E_PAD - E,), DUMMY, jnp.int32)
    row_p = jnp.concatenate([row, padi])
    col_p = jnp.concatenate([col, padi])
    ROW2 = row_p.reshape(NCH, C)
    COL2 = col_p.reshape(NCH, C)
    ROW2A = row_p.reshape(NCH2, C2)
    COL2A = col_p.reshape(NCH2, C2)

    xm = x.mean(axis=0, keepdims=True)
    xs = jnp.std(x, axis=0, keepdims=True, ddof=1) + 1e-08
    xn = (x - xm) / xs
    h_p = jnp.zeros((N_PAD, F), _f32).at[:N].set(h)
    xpack = jnp.zeros((N_PAD, 16), _f32).at[:N, 0:3].set(x).at[:N, 3:6].set(xn)

    ta_src, ta_dst, tb_src, tb_dst = _node_tables(h_p, xpack, w)
    ga_src, ga_dst = _k2_gather_a(ta_src, ta_dst, ROW2A, COL2A)
    ef, extra = _edge_pass_a(ga_src, ga_dst, w)

    z128 = jnp.zeros((N_PAD, 128), _f32)
    (acca,) = _k4_scatter_exps(extra, ROW2, z128)
    (tb2,) = _combine_sums(tb_src, acca[0], acca[1])
    gb_src, gb_dst = _k5_gather_b(tb2, tb_dst, ROW2, COL2)
    wvc0, wvc1, scat3 = _edge_pass_b(gb_src, gb_dst, ef, extra, w)
    (o_wv,) = _k7a_scatter_wv(wvc0, wvc1, ROW2, z128)
    (o_s3,) = _k7b_scatter_s3(scat3, ROW2, z128)
    feat, coord = _finalize(o_wv[0], o_wv[1], o_s3[0], o_s3[1], w)
    return feat[:N], coord[:N, 0:3]

# --- scband reference (transcript-rebuilt; emitter-appended) ---
"""Pipeline reference for scband-en-attention-18270790877647 (READ-ONLY COPY).

The authoritative reference and input builder live on the scoring server;
editing this copy changes nothing except your own understanding.
"""

import jax, jax.numpy as jnp
import numpy as np

N_NODES = 10000
N_EDGES = 320000
INPUT_NF = 128
HIDDEN_NF = 128
OUTPUT_NF = 128
N_HEADS = 4
DIM_HEAD = 64

def _lin(z, w, b):
    return z @ w.T + b

def _make_linear(key, out_f, in_f):
    k1, k2 = jax.random.split(key)
    s = 1.0 / np.sqrt(in_f)
    w = jax.random.uniform(k1, (out_f, in_f), minval=-s, maxval=s, dtype=jnp.float32)
    b = jax.random.uniform(k2, (out_f,), minval=-s, maxval=s, dtype=jnp.float32)
    return w, b

def _make_params(key):
    ks = jax.random.split(key, 16)
    p = {}
    p['q_w'], p['q_b'] = _make_linear(ks[0], N_HEADS * DIM_HEAD, INPUT_NF)
    p['k_w'], p['k_b'] = _make_linear(ks[1], N_HEADS * DIM_HEAD, INPUT_NF)
    p['v_w'], p['v_b'] = _make_linear(ks[2], N_HEADS * DIM_HEAD, INPUT_NF)
    p['out_w'], p['out_b'] = _make_linear(ks[3], OUTPUT_NF, N_HEADS * DIM_HEAD)
    p['pm0_w'], p['pm0_b'] = _make_linear(ks[4], HIDDEN_NF // 2, 1)
    p['pm1_w'], p['pm1_b'] = _make_linear(ks[5], N_HEADS, HIDDEN_NF // 2)
    edge_in = INPUT_NF * 2 + 1 + 6
    p['em0_w'], p['em0_b'] = _make_linear(ks[6], HIDDEN_NF, edge_in)
    p['em1_w'], p['em1_b'] = _make_linear(ks[7], HIDDEN_NF, HIDDEN_NF)
    p['ew_w'], p['ew_b'] = _make_linear(ks[8], N_HEADS, HIDDEN_NF)
    msg_in = HIDDEN_NF + 1 + 3 + 6
    p['mm0_w'], p['mm0_b'] = _make_linear(ks[9], HIDDEN_NF, msg_in)
    p['mm1_w'], p['mm1_b'] = _make_linear(ks[10], HIDDEN_NF, HIDDEN_NF)
    p['gm_w'], p['gm_b'] = _make_linear(ks[11], N_HEADS, HIDDEN_NF)
    p['cm0_w'], p['cm0_b'] = _make_linear(ks[12], HIDDEN_NF, HIDDEN_NF)
    p['cm1_w'], p['cm1_b'] = _make_linear(ks[13], N_HEADS, HIDDEN_NF)
    p['xm0_w'], p['xm0_b'] = _make_linear(ks[14], HIDDEN_NF, HIDDEN_NF)
    p['xm1_w'], p['xm1_b'] = _make_linear(ks[15], N_HEADS, HIDDEN_NF)
    p['coord_weights'] = jnp.ones((N_HEADS,), dtype=jnp.float32)
    return p

def setup_inputs(seed: int = 0):
    key = jax.random.key(seed)
    kp, kh, kx, ke = jax.random.split(key, 4)
    params = _make_params(kp)
    h = jax.random.normal(kh, (N_NODES, INPUT_NF), dtype=jnp.float32)
    x = jax.random.normal(kx, (N_NODES, 3), dtype=jnp.float32)
    edge_index = jax.random.randint(ke, (2, N_EDGES), 0, N_NODES)
    return {'h': h, 'x': x, 'edge_index': edge_index, 'params': params}

def _forward(h, x, edge_index, params):
    row = edge_index[0]
    col = edge_index[1]
    n = h.shape[0]
    q = _lin(h, params['q_w'], params['q_b']).reshape(-1, N_HEADS, DIM_HEAD)
    k = _lin(h, params['k_w'], params['k_b']).reshape(-1, N_HEADS, DIM_HEAD)
    v = _lin(h, params['v_w'], params['v_b']).reshape(-1, N_HEADS, DIM_HEAD)
    rel_pos = x[row] - x[col]
    rel_dist = jnp.sum(rel_pos ** 2, axis=-1, keepdims=True)
    pos_encoding = _lin(jax.nn.silu(_lin(rel_dist, params['pm0_w'], params['pm0_b'])), params['pm1_w'], params['pm1_b'])
    x_normalized = (x - x.mean(axis=0, keepdims=True)) / (jnp.std(x, axis=0, keepdims=True, ddof=1) + 1e-08)
    edge_attr = jnp.concatenate([h[row], h[col], rel_dist, x_normalized[row], x_normalized[col]], axis=-1)
    edge_features = _lin(jax.nn.silu(_lin(edge_attr, params['em0_w'], params['em0_b'])), params['em1_w'], params['em1_b'])
    edge_weights = _lin(edge_features, params['ew_w'], params['ew_b'])
    attn_score = jnp.sum(q[row] * k[col], axis=-1) / (DIM_HEAD ** 0.5) + pos_encoding + edge_weights
    attn_max = jax.ops.segment_max(attn_score, row, num_segments=n)
    attn_max = jnp.where(jnp.isfinite(attn_max), attn_max, 0.0)
    attn_score = jnp.exp(attn_score - attn_max[row])
    attn_sum = jax.ops.segment_sum(attn_score, row, num_segments=n)
    attn_score = attn_score / (attn_sum[row] + 1e-08)
    msg_input = jnp.concatenate([edge_features, attn_score.mean(axis=1, keepdims=True), rel_pos, x_normalized[row], x_normalized[col]], axis=-1)
    messages = _lin(jax.nn.silu(_lin(msg_input, params['mm0_w'], params['mm0_b'])), params['mm1_w'], params['mm1_b'])
    gates = jax.nn.sigmoid(_lin(messages, params['gm_w'], params['gm_b']))
    coord_w = _lin(jax.nn.silu(_lin(messages, params['cm0_w'], params['cm0_b'])), params['cm1_w'], params['cm1_b'])
    head_weight = jnp.sum(gates * coord_w * params['coord_weights'][None, :], axis=-1, keepdims=True)
    coord_update = jax.ops.segment_sum(head_weight * (0.9 * rel_pos + 0.1 * x[col]), row, num_segments=n) / (n - 1)
    cross_vectors = jnp.cross(rel_pos, jnp.roll(rel_pos, 1, axis=0))
    cross_gates = _lin(jax.nn.silu(_lin(messages, params['xm0_w'], params['xm0_b'])), params['xm1_w'], params['xm1_b'])
    cross_update = jax.ops.segment_sum(jnp.sum(cross_gates, axis=-1, keepdims=True) * cross_vectors, row, num_segments=n) / (n - 1)
    coord_update = coord_update + cross_update
    weighted_values = jax.ops.segment_sum(attn_score[:, :, None] * v[col], row, num_segments=n)
    output_features = _lin(weighted_values.reshape(n, -1), params['out_w'], params['out_b'])
    return output_features, coord_update

def reference(h, x, edge_index, params):
    return _forward(h, x, edge_index, params)

if __name__ == "__main__":
    import jax
    _d = setup_inputs()
    print(jax.jit(kernel)(*tuple(_d.values())))

</pallas_src>

<mosaic_0001>
#map = affine_map<(d0, d1) -> (0, 0)>
module attributes {stable_mosaic.version = 14 : i64} {
  func.func @_k5_gather_b(%arg0: i32, %arg1: i32, %arg2: memref<10240x256xf32, #tpu.memory_space<hbm>>, %arg3: memref<10240x384xf32, #tpu.memory_space<hbm>>, %arg4: memref<2560x128xi32, #tpu.memory_space<hbm>>, %arg5: memref<2560x128xi32, #tpu.memory_space<hbm>>, %arg6: memref<327680x256xf32, #tpu.memory_space<hbm>>, %arg7: memref<327680x384xf32, #tpu.memory_space<hbm>>, %arg8: memref<128xi32, #tpu.memory_space<vmem>>, %arg9: memref<128xi32, #tpu.memory_space<vmem>>, %arg10: memref<128x256xf32, #tpu.memory_space<vmem>>, %arg11: memref<128x384xf32, #tpu.memory_space<vmem>>, %arg12: memref<!tpu.dma_semaphore, #tpu.memory_space<semaphore_mem>>, %arg13: memref<!tpu.dma_semaphore, #tpu.memory_space<semaphore_mem>>) attributes {dimension_semantics = [#tpu.dimension_semantics<core_parallel>, #tpu.dimension_semantics<subcore_parallel>], iteration_bounds = array<i64: 2, 16>, scalar_prefetch = 0 : i64, scratch_operands = 6 : i64, tpu.core_type = #tpu.core_type<sc_vector_subcore>, window_params = [{transform_indices = #map}, {transform_indices = #map}, {transform_indices = #map}, {transform_indices = #map}, {transform_indices = #map}, {transform_indices = #map}]} {
    %mul3A = arith.constant 2 : i32
    %mul3A_0 = arith.muli %arg1, %mul3A : i32
    %add3A = arith.addi %mul3A_0, %arg0 : i32
    %scan3A = arith.constant 0 : i32
    %scan3A_1 = arith.constant 0 : i32
    %scan3A_2 = arith.constant 80 : i32
    %scan3A_3 = arith.addi %scan3A_1, %scan3A_2 : i32
    %scan3A_4 = arith.constant 1 : i32
    scf.for %scan3A_6 = %scan3A_1 to %scan3A_3 step %scan3A_4  : i32 {
      %mul3A_7 = arith.constant 80 : i32
      %mul3A_8 = arith.muli %add3A, %mul3A_7 : i32
      %add3A_9 = arith.addi %mul3A_8, %scan3A_6 : i32
      %mul3A_10 = arith.constant 128 : i32
      %mul3A_11 = arith.muli %add3A_9, %mul3A_10 : i32
      "tpu.region"() ({
        %run_scoped3A = tpu.sem_alloc : memref<!tpu.dma_semaphore, #tpu.memory_space<semaphore_mem>>
        %dma_start3A_22 = arith.constant 0 : i32
        %dma_start3A_23 = tpu.memref_slice %arg4[%add3A_9, %dma_start3A_22] : memref<2560x128xi32, #tpu.memory_space<hbm>> -> memref<1x128xi32, #tpu.memory_space<hbm>>
        %dma_start3A_24 = tpu.memref_squeeze %dma_start3A_23 : memref<1x128xi32, #tpu.memory_space<hbm>> -> memref<128xi32, #tpu.memory_space<hbm>>
        %dma_start3A_25 = arith.constant 0 : i32
        %dma_start3A_26 = tpu.memref_slice %arg4[%add3A_9, %dma_start3A_25] : memref<2560x128xi32, #tpu.memory_space<hbm>> -> memref<1x128xi32, #tpu.memory_space<hbm>>
        %dma_start3A_27 = tpu.memref_squeeze %dma_start3A_26 : memref<1x128xi32, #tpu.memory_space<hbm>> -> memref<128xi32, #tpu.memory_space<hbm>>
        tpu.enqueue_dma source(%dma_start3A_27 : memref<128xi32, #tpu.memory_space<hbm>>) target(%arg8 : memref<128xi32, #tpu.memory_space<vmem>>) target_semaphore(%run_scoped3A : memref<!tpu.dma_semaphore, #tpu.memory_space<semaphore_mem>>)
        %dma_wait3A_28 = arith.constant 0 : i32
        %dma_wait3A_29 = tpu.memref_slice %arg4[%add3A_9, %dma_wait3A_28] : memref<2560x128xi32, #tpu.memory_space<hbm>> -> memref<1x128xi32, #tpu.memory_space<hbm>>
        %dma_wait3A_30 = tpu.memref_squeeze %dma_wait3A_29 : memref<1x128xi32, #tpu.memory_space<hbm>> -> memref<128xi32, #tpu.memory_space<hbm>>
        %dma_wait3A_31 = arith.constant 0 : i32
        %dma_wait3A_32 = tpu.memref_slice %arg4[%add3A_9, %dma_wait3A_31] : memref<2560x128xi32, #tpu.memory_space<hbm>> -> memref<1x128xi32, #tpu.memory_space<hbm>>
        %dma_wait3A_33 = tpu.memref_squeeze %dma_wait3A_32 : memref<1x128xi32, #tpu.memory_space<hbm>> -> memref<128xi32, #tpu.memory_space<hbm>>
        tpu.wait_dma2 semaphore(%run_scoped3A : memref<!tpu.dma_semaphore, #tpu.memory_space<semaphore_mem>>) src(%dma_wait3A_33 : memref<128xi32, #tpu.memory_space<hbm>>) dst(%arg8 : memref<128xi32, #tpu.memory_space<vmem>>)
        tpu.yield
      }) : () -> ()
      "tpu.region"() ({
        %run_scoped3A = tpu.sem_alloc : memref<!tpu.dma_semaphore, #tpu.memory_space<semaphore_mem>>
        %dma_start3A_22 = arith.constant 0 : i32
        %dma_start3A_23 = tpu.memref_slice %arg5[%add3A_9, %dma_start3A_22] : memref<2560x128xi32, #tpu.memory_space<hbm>> -> memref<1x128xi32, #tpu.memory_space<hbm>>
        %dma_start3A_24 = tpu.memref_squeeze %dma_start3A_23 : memref<1x128xi32, #tpu.memory_space<hbm>> -> memref<128xi32, #tpu.memory_space<hbm>>
        %dma_start3A_25 = arith.constant 0 : i32
        %dma_start3A_26 = tpu.memref_slice %arg5[%add3A_9, %dma_start3A_25] : memref<2560x128xi32, #tpu.memory_space<hbm>> -> memref<1x128xi32, #tpu.memory_space<hbm>>
        %dma_start3A_27 = tpu.memref_squeeze %dma_start3A_26 : memref<1x128xi32, #tpu.memory_space<hbm>> -> memref<128xi32, #tpu.memory_space<hbm>>
        tpu.enqueue_dma source(%dma_start3A_27 : memref<128xi32, #tpu.memory_space<hbm>>) target(%arg9 : memref<128xi32, #tpu.memory_space<vmem>>) target_semaphore(%run_scoped3A : memref<!tpu.dma_semaphore, #tpu.memory_space<semaphore_mem>>)
        %dma_wait3A_28 = arith.constant 0 : i32
        %dma_wait3A_29 = tpu.memref_slice %arg5[%add3A_9, %dma_wait3A_28] : memref<2560x128xi32, #tpu.memory_space<hbm>> -> memref<1x128xi32, #tpu.memory_space<hbm>>
        %dma_wait3A_30 = tpu.memref_squeeze %dma_wait3A_29 : memref<1x128xi32, #tpu.memory_space<hbm>> -> memref<128xi32, #tpu.memory_space<hbm>>
        %dma_wait3A_31 = arith.constant 0 : i32
        %dma_wait3A_32 = tpu.memref_slice %arg5[%add3A_9, %dma_wait3A_31] : memref<2560x128xi32, #tpu.memory_space<hbm>> -> memref<1x128xi32, #tpu.memory_space<hbm>>
        %dma_wait3A_33 = tpu.memref_squeeze %dma_wait3A_32 : memref<1x128xi32, #tpu.memory_space<hbm>> -> memref<128xi32, #tpu.memory_space<hbm>>
        tpu.wait_dma2 semaphore(%run_scoped3A : memref<!tpu.dma_semaphore, #tpu.memory_space<semaphore_mem>>) src(%dma_wait3A_33 : memref<128xi32, #tpu.memory_space<hbm>>) dst(%arg9 : memref<128xi32, #tpu.memory_space<vmem>>)
        tpu.yield
      }) : () -> ()
      %dma_start3A = arith.constant 0 : i32
      %dma_start3A_12 = arith.constant 0 : i32
      %dma_start3A_13 = tpu.memref_slice %arg2[%dma_start3A, %dma_start3A_12] : memref<10240x256xf32, #tpu.memory_space<hbm>> -> memref<10240x256xf32, #tpu.memory_space<hbm>>
      tpu.enqueue_indirect_dma source(%dma_start3A_13 : memref<10240x256xf32, #tpu.memory_space<hbm>>) target(%arg10 : memref<128x256xf32, #tpu.memory_space<vmem>>) offsets(%arg8 : memref<128xi32, #tpu.memory_space<vmem>>) semaphore(%arg12 : memref<!tpu.dma_semaphore, #tpu.memory_space<semaphore_mem>>)
      %dma_start3A_14 = arith.constant 0 : i32
      %dma_start3A_15 = arith.constant 0 : i32
      %dma_start3A_16 = tpu.memref_slice %arg3[%dma_start3A_14, %dma_start3A_15] : memref<10240x384xf32, #tpu.memory_space<hbm>> -> memref<10240x384xf32, #tpu.memory_space<hbm>>
      tpu.enqueue_indirect_dma source(%dma_start3A_16 : memref<10240x384xf32, #tpu.memory_space<hbm>>) target(%arg11 : memref<128x384xf32, #tpu.memory_space<vmem>>) offsets(%arg9 : memref<128xi32, #tpu.memory_space<vmem>>) semaphore(%arg13 : memref<!tpu.dma_semaphore, #tpu.memory_space<semaphore_mem>>)
      %dma_wait3A = arith.constant 0 : i32
      %dma_wait3A_17 = arith.constant 0 : i32
      %dma_wait3A_18 = tpu.memref_slice %arg2[%dma_wait3A, %dma_wait3A_17] : memref<10240x256xf32, #tpu.memory_space<hbm>> -> memref<10240x256xf32, #tpu.memory_space<hbm>>
      tpu.wait_indirect_dma semaphore(%arg12 : memref<!tpu.dma_semaphore, #tpu.memory_space<semaphore_mem>>) src(%dma_wait3A_18 : memref<10240x256xf32, #tpu.memory_space<hbm>>) dst(%arg10 : memref<128x256xf32, #tpu.memory_space<vmem>>)
      %dma_wait3A_19 = arith.constant 0 : i32
      %dma_wait3A_20 = arith.constant 0 : i32
      %dma_wait3A_21 = tpu.memref_slice %arg3[%dma_wait3A_19, %dma_wait3A_20] : memref<10240x384xf32, #tpu.memory_space<hbm>> -> memref<10240x384xf32, #tpu.memory_space<hbm>>
      tpu.wait_indirect_dma semaphore(%arg13 : memref<!tpu.dma_semaphore, #tpu.memory_space<semaphore_mem>>) src(%dma_wait3A_21 : memref<10240x384xf32, #tpu.memory_space<hbm>>) dst(%arg11 : memref<128x384xf32, #tpu.memory_space<vmem>>)
      "tpu.region"() ({
        %run_scoped3A = tpu.sem_alloc : memref<!tpu.dma_semaphore, #tpu.memory_space<semaphore_mem>>
        %dma_start3A_22 = arith.constant 0 : i32
        %dma_start3A_23 = tpu.memref_slice %arg6[%mul3A_11, %dma_start3A_22] : memref<327680x256xf32, #tpu.memory_space<hbm>> -> memref<128x256xf32, #tpu.memory_space<hbm>>
        %dma_start3A_24 = arith.constant 0 : i32
        %dma_start3A_25 = tpu.memref_slice %arg6[%mul3A_11, %dma_start3A_24] : memref<327680x256xf32, #tpu.memory_space<hbm>> -> memref<128x256xf32, #tpu.memory_space<hbm>>
        tpu.enqueue_dma source(%arg10 : memref<128x256xf32, #tpu.memory_space<vmem>>) target(%dma_start3A_25 : memref<128x256xf32, #tpu.memory_space<hbm>>) target_semaphore(%run_scoped3A : memref<!tpu.dma_semaphore, #tpu.memory_space<semaphore_mem>>)
        %dma_wait3A_26 = arith.constant 0 : i32
        %dma_wait3A_27 = tpu.memref_slice %arg6[%mul3A_11, %dma_wait3A_26] : memref<327680x256xf32, #tpu.memory_space<hbm>> -> memref<128x256xf32, #tpu.memory_space<hbm>>
        %dma_wait3A_28 = arith.constant 0 : i32
        %dma_wait3A_29 = tpu.memref_slice %arg6[%mul3A_11, %dma_wait3A_28] : memref<327680x256xf32, #tpu.memory_space<hbm>> -> memref<128x256xf32, #tpu.memory_space<hbm>>
        tpu.wait_dma2 semaphore(%run_scoped3A : memref<!tpu.dma_semaphore, #tpu.memory_space<semaphore_mem>>) src(%arg10 : memref<128x256xf32, #tpu.memory_space<vmem>>) dst(%dma_wait3A_29 : memref<128x256xf32, #tpu.memory_space<hbm>>)
        tpu.yield
      }) : () -> ()
      "tpu.region"() ({
        %run_scoped3A = tpu.sem_alloc : memref<!tpu.dma_semaphore, #tpu.memory_space<semaphore_mem>>
        %dma_start3A_22 = arith.constant 0 : i32
        %dma_start3A_23 = tpu.memref_slice %arg7[%mul3A_11, %dma_start3A_22] : memref<327680x384xf32, #tpu.memory_space<hbm>> -> memref<128x384xf32, #tpu.memory_space<hbm>>
        %dma_start3A_24 = arith.constant 0 : i32
        %dma_start3A_25 = tpu.memref_slice %arg7[%mul3A_11, %dma_start3A_24] : memref<327680x384xf32, #tpu.memory_space<hbm>> -> memref<128x384xf32, #tpu.memory_space<hbm>>
        tpu.enqueue_dma source(%arg11 : memref<128x384xf32, #tpu.memory_space<vmem>>) target(%dma_start3A_25 : memref<128x384xf32, #tpu.memory_space<hbm>>) target_semaphore(%run_scoped3A : memref<!tpu.dma_semaphore, #tpu.memory_space<semaphore_mem>>)
        %dma_wait3A_26 = arith.constant 0 : i32
        %dma_wait3A_27 = tpu.memref_slice %arg7[%mul3A_11, %dma_wait3A_26] : memref<327680x384xf32, #tpu.memory_space<hbm>> -> memref<128x384xf32, #tpu.memory_space<hbm>>
        %dma_wait3A_28 = arith.constant 0 : i32
        %dma_wait3A_29 = tpu.memref_slice %arg7[%mul3A_11, %dma_wait3A_28] : memref<327680x384xf32, #tpu.memory_space<hbm>> -> memref<128x384xf32, #tpu.memory_space<hbm>>
        tpu.wait_dma2 semaphore(%run_scoped3A : memref<!tpu.dma_semaphore, #tpu.memory_space<semaphore_mem>>) src(%arg11 : memref<128x384xf32, #tpu.memory_space<vmem>>) dst(%dma_wait3A_29 : memref<128x384xf32, #tpu.memory_space<hbm>>)
        tpu.yield
      }) : () -> ()
    }
    %scan3A_5 = arith.constant 80 : i32
    return
  }
}

#map = affine_map<(d0, d1) -> (0, 0)>
#map1 = affine_map<(d0, d1) -> (0, 0, 0)>
module attributes {stable_mosaic.version = 14 : i64} {
  func.func @_k4_scatter_exps(%arg0: i32, %arg1: i32, %arg2: memref<327680x128xf32, #tpu.memory_space<hbm>>, %arg3: memref<2560x128xi32, #tpu.memory_space<hbm>>, %arg4: memref<10240x128xf32, #tpu.memory_space<hbm>>, %arg5: memref<2x10240x128xf32, #tpu.memory_space<hbm>>, %arg6: memref<128xi32, #tpu.memory_space<vmem>>, %arg7: memref<128x128xf32, #tpu.memory_space<vmem>>, %arg8: memref<10240x128xf32, #tpu.memory_space<vmem_shared>>) attributes {dimension_semantics = [#tpu.dimension_semantics<core_parallel>, #tpu.dimension_semantics<subcore_parallel>], iteration_bounds = array<i64: 2, 16>, scalar_prefetch = 0 : i64, scratch_operands = 3 : i64, tpu.core_type = #tpu.core_type<sc_vector_subcore>, window_params = [{transform_indices = #map}, {transform_indices = #map}, {transform_indices = #map}, {transform_indices = #map1}]} {
    %mul3A = arith.constant 640 : i32
    %mul3A_0 = arith.muli %arg1, %mul3A : i32
    "tpu.region"() ({
      %run_scoped3A = tpu.sem_alloc : memref<!tpu.dma_semaphore, #tpu.memory_space<semaphore_mem>>
      %dma_start3A = arith.constant 0 : i32
      %dma_start3A_7 = tpu.memref_slice %arg8[%mul3A_0, %dma_start3A] : memref<10240x128xf32, #tpu.memory_space<vmem_shared>> -> memref<640x128xf32, #tpu.memory_space<vmem_shared>>
      %dma_start3A_8 = arith.constant 0 : i32
      %dma_start3A_9 = tpu.memref_slice %arg4[%mul3A_0, %dma_start3A_8] : memref<10240x128xf32, #tpu.memory_space<hbm>> -> memref<640x128xf32, #tpu.memory_space<hbm>>
      tpu.enqueue_dma source(%dma_start3A_9 : memref<640x128xf32, #tpu.memory_space<hbm>>) target(%dma_start3A_7 : memref<640x128xf32, #tpu.memory_space<vmem_shared>>) target_semaphore(%run_scoped3A : memref<!tpu.dma_semaphore, #tpu.memory_space<semaphore_mem>>)
      %dma_wait3A = arith.constant 0 : i32
      %dma_wait3A_10 = tpu.memref_slice %arg8[%mul3A_0, %dma_wait3A] : memref<10240x128xf32, #tpu.memory_space<vmem_shared>> -> memref<640x128xf32, #tpu.memory_space<vmem_shared>>
      %dma_wait3A_11 = arith.constant 0 : i32
      %dma_wait3A_12 = tpu.memref_slice %arg4[%mul3A_0, %dma_wait3A_11] : memref<10240x128xf32, #tpu.memory_space<hbm>> -> memref<640x128xf32, #tpu.memory_space<hbm>>
      tpu.wait_dma2 semaphore(%run_scoped3A : memref<!tpu.dma_semaphore, #tpu.memory_space<semaphore_mem>>) src(%dma_wait3A_12 : memref<640x128xf32, #tpu.memory_space<hbm>>) dst(%dma_wait3A_10 : memref<640x128xf32, #tpu.memory_space<vmem_shared>>)
      tpu.yield
    }) : () -> ()
    %barrier3A = arith.constant 0 : index
    tpu.barrier barrier_id(%barrier3A)
    %scan3A = arith.constant 0 : i32
    %scan3A_1 = arith.constant 0 : i32
    %scan3A_2 = arith.constant 80 : i32
    %scan3A_3 = arith.addi %scan3A_1, %scan3A_2 : i32
    %scan3A_4 = arith.constant 1 : i32
    scf.for %scan3A_7 = %scan3A_1 to %scan3A_3 step %scan3A_4  : i32 {
      %mul3A_8 = arith.constant 1280 : i32
      %mul3A_9 = arith.muli %arg0, %mul3A_8 : i32
      %mul3A_10 = arith.constant 80 : i32
      %mul3A_11 = arith.muli %arg1, %mul3A_10 : i32
      %add3A = arith.addi %mul3A_9, %mul3A_11 : i32
      %add3A_12 = arith.addi %add3A, %scan3A_7 : i32
      "tpu.region"() ({
        %run_scoped3A = tpu.sem_alloc : memref<!tpu.dma_semaphore, #tpu.memory_space<semaphore_mem>>
        %dma_start3A = arith.constant 0 : i32
        %dma_start3A_15 = tpu.memref_slice %arg3[%add3A_12, %dma_start3A] : memref<2560x128xi32, #tpu.memory_space<hbm>> -> memref<1x128xi32, #tpu.memory_space<hbm>>
        %dma_start3A_16 = tpu.memref_squeeze %dma_start3A_15 : memref<1x128xi32, #tpu.memory_space<hbm>> -> memref<128xi32, #tpu.memory_space<hbm>>
        %dma_start3A_17 = arith.constant 0 : i32
        %dma_start3A_18 = tpu.memref_slice %arg3[%add3A_12, %dma_start3A_17] : memref<2560x128xi32, #tpu.memory_space<hbm>> -> memref<1x128xi32, #tpu.memory_space<hbm>>
        %dma_start3A_19 = tpu.memref_squeeze %dma_start3A_18 : memref<1x128xi32, #tpu.memory_space<hbm>> -> memref<128xi32, #tpu.memory_space<hbm>>
        tpu.enqueue_dma source(%dma_start3A_19 : memref<128xi32, #tpu.memory_space<hbm>>) target(%arg6 : memref<128xi32, #tpu.memory_space<vmem>>) target_semaphore(%run_scoped3A : memref<!tpu.dma_semaphore, #tpu.memory_space<semaphore_mem>>)
        %dma_wait3A = arith.constant 0 : i32
        %dma_wait3A_20 = tpu.memref_slice %arg3[%add3A_12, %dma_wait3A] : memref<2560x128xi32, #tpu.memory_space<hbm>> -> memref<1x128xi32, #tpu.memory_space<hbm>>
        %dma_wait3A_21 = tpu.memref_squeeze %dma_wait3A_20 : memref<1x128xi32, #tpu.memory_space<hbm>> -> memref<128xi32, #tpu.memory_space<hbm>>
        %dma_wait3A_22 = arith.constant 0 : i32
        %dma_wait3A_23 = tpu.memref_slice %arg3[%add3A_12, %dma_wait3A_22] : memref<2560x128xi32, #tpu.memory_space<hbm>> -> memref<1x128xi32, #tpu.memory_space<hbm>>
        %dma_wait3A_24 = tpu.memref_squeeze %dma_wait3A_23 : memref<1x128xi32, #tpu.memory_space<hbm>> -> memref<128xi32, #tpu.memory_space<hbm>>
        tpu.wait_dma2 semaphore(%run_scoped3A : memref<!tpu.dma_semaphore, #tpu.memory_space<semaphore_mem>>) src(%dma_wait3A_24 : memref<128xi32, #tpu.memory_space<hbm>>) dst(%arg6 : memref<128xi32, #tpu.memory_space<vmem>>)
        tpu.yield
      }) : () -> ()
      %mul3A_13 = arith.constant 128 : i32
      %mul3A_14 = arith.muli %add3A_12, %mul3A_13 : i32
      "tpu.region"() ({
        %run_scoped3A = tpu.sem_alloc : memref<!tpu.dma_semaphore, #tpu.memory_space<semaphore_mem>>
        %dma_start3A = arith.constant 0 : i32
        %dma_start3A_15 = tpu.memref_slice %arg2[%mul3A_14, %dma_start3A] : memref<327680x128xf32, #tpu.memory_space<hbm>> -> memref<128x128xf32, #tpu.memory_space<hbm>>
        %dma_start3A_16 = arith.constant 0 : i32
        %dma_start3A_17 = tpu.memref_slice %arg2[%mul3A_14, %dma_start3A_16] : memref<327680x128xf32, #tpu.memory_space<hbm>> -> memref<128x128xf32, #tpu.memory_space<hbm>>
        tpu.enqueue_dma source(%dma_start3A_17 : memref<128x128xf32, #tpu.memory_space<hbm>>) target(%arg7 : memref<128x128xf32, #tpu.memory_space<vmem>>) target_semaphore(%run_scoped3A : memref<!tpu.dma_semaphore, #tpu.memory_space<semaphore_mem>>)
        %dma_wait3A = arith.constant 0 : i32
        %dma_wait3A_18 = tpu.memref_slice %arg2[%mul3A_14, %dma_wait3A] : memref<327680x128xf32, #tpu.memory_space<hbm>> -> memref<128x128xf32, #tpu.memory_space<hbm>>
        %dma_wait3A_19 = arith.constant 0 : i32
        %dma_wait3A_20 = tpu.memref_slice %arg2[%mul3A_14, %dma_wait3A_19] : memref<327680x128xf32, #tpu.memory_space<hbm>> -> memref<128x128xf32, #tpu.memory_space<hbm>>
        tpu.wait_dma2 semaphore(%run_scoped3A : memref<!tpu.dma_semaphore, #tpu.memory_space<semaphore_mem>>) src(%dma_wait3A_20 : memref<128x128xf32, #tpu.memory_space<hbm>>) dst(%arg7 : memref<128x128xf32, #tpu.memory_space<vmem>>)
        tpu.yield
      }) : () -> ()
      "tpu.region"() ({
        %run_scoped3A = tpu.sem_alloc : memref<!tpu.dma_semaphore, #tpu.memory_space<semaphore_mem>>
        %dma_start3A = arith.constant 0 : i32
        %dma_start3A_15 = arith.constant 0 : i32
        %dma_start3A_16 = tpu.memref_slice %arg8[%dma_start3A, %dma_start3A_15] : memref<10240x128xf32, #tpu.memory_space<vmem_shared>> -> memref<10240x128xf32, #tpu.memory_space<vmem_shared>>
        tpu.enqueue_indirect_dma source(%arg7 : memref<128x128xf32, #tpu.memory_space<vmem>>) target(%dma_start3A_16 : memref<10240x128xf32, #tpu.memory_space<vmem_shared>>) offsets(%arg6 : memref<128xi32, #tpu.memory_space<vmem>>) semaphore(%run_scoped3A : memref<!tpu.dma_semaphore, #tpu.memory_space<semaphore_mem>>) {add = true}
        %dma_wait3A = arith.constant 0 : i32
        %dma_wait3A_17 = arith.constant 0 : i32
        %dma_wait3A_18 = tpu.memref_slice %arg8[%dma_wait3A, %dma_wait3A_17] : memref<10240x128xf32, #tpu.memory_space<vmem_shared>> -> memref<10240x128xf32, #tpu.memory_space<vmem_shared>>
        tpu.wait_indirect_dma semaphore(%run_scoped3A : memref<!tpu.dma_semaphore, #tpu.memory_space<semaphore_mem>>) src(%arg7 : memref<128x128xf32, #tpu.memory_space<vmem>>) dst(%dma_wait3A_18 : memref<10240x128xf32, #tpu.memory_space<vmem_shared>>)
        tpu.yield
      }) : () -> ()
    }
    %scan3A_5 = arith.constant 80 : i32
    %barrier3A_6 = arith.constant 0 : index
    tpu.barrier barrier_id(%barrier3A_6)
    "tpu.region"() ({
      %run_scoped3A = tpu.sem_alloc : memref<!tpu.dma_semaphore, #tpu.memory_space<semaphore_mem>>
      %dma_start3A = arith.constant 0 : i32
      %dma_start3A_7 = tpu.memref_slice %arg5[%arg0, %mul3A_0, %dma_start3A] : memref<2x10240x128xf32, #tpu.memory_space<hbm>> -> memref<1x640x128xf32, #tpu.memory_space<hbm>>
      %dma_start3A_8 = tpu.memref_squeeze %dma_start3A_7 : memref<1x640x128xf32, #tpu.memory_space<hbm>> -> memref<640x128xf32, #tpu.memory_space<hbm>>
      %dma_start3A_9 = arith.constant 0 : i32
      %dma_start3A_10 = tpu.memref_slice %arg8[%mul3A_0, %dma_start3A_9] : memref<10240x128xf32, #tpu.memory_space<vmem_shared>> -> memref<640x128xf32, #tpu.memory_space<vmem_shared>>
      tpu.enqueue_dma source(%dma_start3A_10 : memref<640x128xf32, #tpu.memory_space<vmem_shared>>) target(%dma_start3A_8 : memref<640x128xf32, #tpu.memory_space<hbm>>) target_semaphore(%run_scoped3A : memref<!tpu.dma_semaphore, #tpu.memory_space<semaphore_mem>>)
      %dma_wait3A = arith.constant 0 : i32
      %dma_wait3A_11 = tpu.memref_slice %arg5[%arg0, %mul3A_0, %dma_wait3A] : memref<2x10240x128xf32, #tpu.memory_space<hbm>> -> memref<1x640x128xf32, #tpu.memory_space<hbm>>
      %dma_wait3A_12 = tpu.memref_squeeze %dma_wait3A_11 : memref<1x640x128xf32, #tpu.memory_space<hbm>> -> memref<640x128xf32, #tpu.memory_space<hbm>>
      %dma_wait3A_13 = arith.constant 0 : i32
      %dma_wait3A_14 = tpu.memref_slice %arg8[%mul3A_0, %dma_wait3A_13] : memref<10240x128xf32, #tpu.memory_space<vmem_shared>> -> memref<640x128xf32, #tpu.memory_space<vmem_shared>>
      tpu.wait_dma2 semaphore(%run_scoped3A : memref<!tpu.dma_semaphore, #tpu.memory_space<semaphore_mem>>) src(%dma_wait3A_14 : memref<640x128xf32, #tpu.memory_space<vmem_shared>>) dst(%dma_wait3A_12 : memref<640x128xf32, #tpu.memory_space<hbm>>)
      tpu.yield
    }) : () -> ()
    return
  }
}

#map = affine_map<(d0, d1) -> (0, 0)>
#map1 = affine_map<(d0, d1) -> (0, 0, 0)>
module attributes {stable_mosaic.version = 14 : i64} {
  func.func @_k7b_scatter_s3(%arg0: i32, %arg1: i32, %arg2: memref<327680x128xf32, #tpu.memory_space<hbm>>, %arg3: memref<2560x128xi32, #tpu.memory_space<hbm>>, %arg4: memref<10240x128xf32, #tpu.memory_space<hbm>>, %arg5: memref<2x10240x128xf32, #tpu.memory_space<hbm>>, %arg6: memref<128xi32, #tpu.memory_space<vmem>>, %arg7: memref<128x128xf32, #tpu.memory_space<vmem>>, %arg8: memref<10240x128xf32, #tpu.memory_space<vmem_shared>>) attributes {dimension_semantics = [#tpu.dimension_semantics<core_parallel>, #tpu.dimension_semantics<subcore_parallel>], iteration_bounds = array<i64: 2, 16>, scalar_prefetch = 0 : i64, scratch_operands = 3 : i64, tpu.core_type = #tpu.core_type<sc_vector_subcore>, window_params = [{transform_indices = #map}, {transform_indices = #map}, {transform_indices = #map}, {transform_indices = #map1}]} {
    %mul3A = arith.constant 640 : i32
    %mul3A_0 = arith.muli %arg1, %mul3A : i32
    "tpu.region"() ({
      %run_scoped3A = tpu.sem_alloc : memref<!tpu.dma_semaphore, #tpu.memory_space<semaphore_mem>>
      %dma_start3A = arith.constant 0 : i32
      %dma_start3A_7 = tpu.memref_slice %arg8[%mul3A_0, %dma_start3A] : memref<10240x128xf32, #tpu.memory_space<vmem_shared>> -> memref<640x128xf32, #tpu.memory_space<vmem_shared>>
      %dma_start3A_8 = arith.constant 0 : i32
      %dma_start3A_9 = tpu.memref_slice %arg4[%mul3A_0, %dma_start3A_8] : memref<10240x128xf32, #tpu.memory_space<hbm>> -> memref<640x128xf32, #tpu.memory_space<hbm>>
      tpu.enqueue_dma source(%dma_start3A_9 : memref<640x128xf32, #tpu.memory_space<hbm>>) target(%dma_start3A_7 : memref<640x128xf32, #tpu.memory_space<vmem_shared>>) target_semaphore(%run_scoped3A : memref<!tpu.dma_semaphore, #tpu.memory_space<semaphore_mem>>)
      %dma_wait3A = arith.constant 0 : i32
      %dma_wait3A_10 = tpu.memref_slice %arg8[%mul3A_0, %dma_wait3A] : memref<10240x128xf32, #tpu.memory_space<vmem_shared>> -> memref<640x128xf32, #tpu.memory_space<vmem_shared>>
      %dma_wait3A_11 = arith.constant 0 : i32
      %dma_wait3A_12 = tpu.memref_slice %arg4[%mul3A_0, %dma_wait3A_11] : memref<10240x128xf32, #tpu.memory_space<hbm>> -> memref<640x128xf32, #tpu.memory_space<hbm>>
      tpu.wait_dma2 semaphore(%run_scoped3A : memref<!tpu.dma_semaphore, #tpu.memory_space<semaphore_mem>>) src(%dma_wait3A_12 : memref<640x128xf32, #tpu.memory_space<hbm>>) dst(%dma_wait3A_10 : memref<640x128xf32, #tpu.memory_space<vmem_shared>>)
      tpu.yield
    }) : () -> ()
    %barrier3A = arith.constant 0 : index
    tpu.barrier barrier_id(%barrier3A)
    %scan3A = arith.constant 0 : i32
    %scan3A_1 = arith.constant 0 : i32
    %scan3A_2 = arith.constant 80 : i32
    %scan3A_3 = arith.addi %scan3A_1, %scan3A_2 : i32
    %scan3A_4 = arith.constant 1 : i32
    scf.for %scan3A_7 = %scan3A_1 to %scan3A_3 step %scan3A_4  : i32 {
      %mul3A_8 = arith.constant 1280 : i32
      %mul3A_9 = arith.muli %arg0, %mul3A_8 : i32
      %mul3A_10 = arith.constant 80 : i32
      %mul3A_11 = arith.muli %arg1, %mul3A_10 : i32
      %add3A = arith.addi %mul3A_9, %mul3A_11 : i32
      %add3A_12 = arith.addi %add3A, %scan3A_7 : i32
      "tpu.region"() ({
        %run_scoped3A = tpu.sem_alloc : memref<!tpu.dma_semaphore, #tpu.memory_space<semaphore_mem>>
        %dma_start3A = arith.constant 0 : i32
        %dma_start3A_15 = tpu.memref_slice %arg3[%add3A_12, %dma_start3A] : memref<2560x128xi32, #tpu.memory_space<hbm>> -> memref<1x128xi32, #tpu.memory_space<hbm>>
        %dma_start3A_16 = tpu.memref_squeeze %dma_start3A_15 : memref<1x128xi32, #tpu.memory_space<hbm>> -> memref<128xi32, #tpu.memory_space<hbm>>
        %dma_start3A_17 = arith.constant 0 : i32
        %dma_start3A_18 = tpu.memref_slice %arg3[%add3A_12, %dma_start3A_17] : memref<2560x128xi32, #tpu.memory_space<hbm>> -> memref<1x128xi32, #tpu.memory_space<hbm>>
        %dma_start3A_19 = tpu.memref_squeeze %dma_start3A_18 : memref<1x128xi32, #tpu.memory_space<hbm>> -> memref<128xi32, #tpu.memory_space<hbm>>
        tpu.enqueue_dma source(%dma_start3A_19 : memref<128xi32, #tpu.memory_space<hbm>>) target(%arg6 : memref<128xi32, #tpu.memory_space<vmem>>) target_semaphore(%run_scoped3A : memref<!tpu.dma_semaphore, #tpu.memory_space<semaphore_mem>>)
        %dma_wait3A = arith.constant 0 : i32
        %dma_wait3A_20 = tpu.memref_slice %arg3[%add3A_12, %dma_wait3A] : memref<2560x128xi32, #tpu.memory_space<hbm>> -> memref<1x128xi32, #tpu.memory_space<hbm>>
        %dma_wait3A_21 = tpu.memref_squeeze %dma_wait3A_20 : memref<1x128xi32, #tpu.memory_space<hbm>> -> memref<128xi32, #tpu.memory_space<hbm>>
        %dma_wait3A_22 = arith.constant 0 : i32
        %dma_wait3A_23 = tpu.memref_slice %arg3[%add3A_12, %dma_wait3A_22] : memref<2560x128xi32, #tpu.memory_space<hbm>> -> memref<1x128xi32, #tpu.memory_space<hbm>>
        %dma_wait3A_24 = tpu.memref_squeeze %dma_wait3A_23 : memref<1x128xi32, #tpu.memory_space<hbm>> -> memref<128xi32, #tpu.memory_space<hbm>>
        tpu.wait_dma2 semaphore(%run_scoped3A : memref<!tpu.dma_semaphore, #tpu.memory_space<semaphore_mem>>) src(%dma_wait3A_24 : memref<128xi32, #tpu.memory_space<hbm>>) dst(%arg6 : memref<128xi32, #tpu.memory_space<vmem>>)
        tpu.yield
      }) : () -> ()
      %mul3A_13 = arith.constant 128 : i32
      %mul3A_14 = arith.muli %add3A_12, %mul3A_13 : i32
      "tpu.region"() ({
        %run_scoped3A = tpu.sem_alloc : memref<!tpu.dma_semaphore, #tpu.memory_space<semaphore_mem>>
        %dma_start3A = arith.constant 0 : i32
        %dma_start3A_15 = tpu.memref_slice %arg2[%mul3A_14, %dma_start3A] : memref<327680x128xf32, #tpu.memory_space<hbm>> -> memref<128x128xf32, #tpu.memory_space<hbm>>
        %dma_start3A_16 = arith.constant 0 : i32
        %dma_start3A_17 = tpu.memref_slice %arg2[%mul3A_14, %dma_start3A_16] : memref<327680x128xf32, #tpu.memory_space<hbm>> -> memref<128x128xf32, #tpu.memory_space<hbm>>
        tpu.enqueue_dma source(%dma_start3A_17 : memref<128x128xf32, #tpu.memory_space<hbm>>) target(%arg7 : memref<128x128xf32, #tpu.memory_space<vmem>>) target_semaphore(%run_scoped3A : memref<!tpu.dma_semaphore, #tpu.memory_space<semaphore_mem>>)
        %dma_wait3A = arith.constant 0 : i32
        %dma_wait3A_18 = tpu.memref_slice %arg2[%mul3A_14, %dma_wait3A] : memref<327680x128xf32, #tpu.memory_space<hbm>> -> memref<128x128xf32, #tpu.memory_space<hbm>>
        %dma_wait3A_19 = arith.constant 0 : i32
        %dma_wait3A_20 = tpu.memref_slice %arg2[%mul3A_14, %dma_wait3A_19] : memref<327680x128xf32, #tpu.memory_space<hbm>> -> memref<128x128xf32, #tpu.memory_space<hbm>>
        tpu.wait_dma2 semaphore(%run_scoped3A : memref<!tpu.dma_semaphore, #tpu.memory_space<semaphore_mem>>) src(%dma_wait3A_20 : memref<128x128xf32, #tpu.memory_space<hbm>>) dst(%arg7 : memref<128x128xf32, #tpu.memory_space<vmem>>)
        tpu.yield
      }) : () -> ()
      "tpu.region"() ({
        %run_scoped3A = tpu.sem_alloc : memref<!tpu.dma_semaphore, #tpu.memory_space<semaphore_mem>>
        %dma_start3A = arith.constant 0 : i32
        %dma_start3A_15 = arith.constant 0 : i32
        %dma_start3A_16 = tpu.memref_slice %arg8[%dma_start3A, %dma_start3A_15] : memref<10240x128xf32, #tpu.memory_space<vmem_shared>> -> memref<10240x128xf32, #tpu.memory_space<vmem_shared>>
        tpu.enqueue_indirect_dma source(%arg7 : memref<128x128xf32, #tpu.memory_space<vmem>>) target(%dma_start3A_16 : memref<10240x128xf32, #tpu.memory_space<vmem_shared>>) offsets(%arg6 : memref<128xi32, #tpu.memory_space<vmem>>) semaphore(%run_scoped3A : memref<!tpu.dma_semaphore, #tpu.memory_space<semaphore_mem>>) {add = true}
        %dma_wait3A = arith.constant 0 : i32
        %dma_wait3A_17 = arith.constant 0 : i32
        %dma_wait3A_18 = tpu.memref_slice %arg8[%dma_wait3A, %dma_wait3A_17] : memref<10240x128xf32, #tpu.memory_space<vmem_shared>> -> memref<10240x128xf32, #tpu.memory_space<vmem_shared>>
        tpu.wait_indirect_dma semaphore(%run_scoped3A : memref<!tpu.dma_semaphore, #tpu.memory_space<semaphore_mem>>) src(%arg7 : memref<128x128xf32, #tpu.memory_space<vmem>>) dst(%dma_wait3A_18 : memref<10240x128xf32, #tpu.memory_space<vmem_shared>>)
        tpu.yield
      }) : () -> ()
    }
    %scan3A_5 = arith.constant 80 : i32
    %barrier3A_6 = arith.constant 0 : index
    tpu.barrier barrier_id(%barrier3A_6)
    "tpu.region"() ({
      %run_scoped3A = tpu.sem_alloc : memref<!tpu.dma_semaphore, #tpu.memory_space<semaphore_mem>>
      %dma_start3A = arith.constant 0 : i32
      %dma_start3A_7 = tpu.memref_slice %arg5[%arg0, %mul3A_0, %dma_start3A] : memref<2x10240x128xf32, #tpu.memory_space<hbm>> -> memref<1x640x128xf32, #tpu.memory_space<hbm>>
      %dma_start3A_8 = tpu.memref_squeeze %dma_start3A_7 : memref<1x640x128xf32, #tpu.memory_space<hbm>> -> memref<640x128xf32, #tpu.memory_space<hbm>>
      %dma_start3A_9 = arith.constant 0 : i32
      %dma_start3A_10 = tpu.memref_slice %arg8[%mul3A_0, %dma_start3A_9] : memref<10240x128xf32, #tpu.memory_space<vmem_shared>> -> memref<640x128xf32, #tpu.memory_space<vmem_shared>>
      tpu.enqueue_dma source(%dma_start3A_10 : memref<640x128xf32, #tpu.memory_space<vmem_shared>>) target(%dma_start3A_8 : memref<640x128xf32, #tpu.memory_space<hbm>>) target_semaphore(%run_scoped3A : memref<!tpu.dma_semaphore, #tpu.memory_space<semaphore_mem>>)
      %dma_wait3A = arith.constant 0 : i32
      %dma_wait3A_11 = tpu.memref_slice %arg5[%arg0, %mul3A_0, %dma_wait3A] : memref<2x10240x128xf32, #tpu.memory_space<hbm>> -> memref<1x640x128xf32, #tpu.memory_space<hbm>>
      %dma_wait3A_12 = tpu.memref_squeeze %dma_wait3A_11 : memref<1x640x128xf32, #tpu.memory_space<hbm>> -> memref<640x128xf32, #tpu.memory_space<hbm>>
      %dma_wait3A_13 = arith.constant 0 : i32
      %dma_wait3A_14 = tpu.memref_slice %arg8[%mul3A_0, %dma_wait3A_13] : memref<10240x128xf32, #tpu.memory_space<vmem_shared>> -> memref<640x128xf32, #tpu.memory_space<vmem_shared>>
      tpu.wait_dma2 semaphore(%run_scoped3A : memref<!tpu.dma_semaphore, #tpu.memory_space<semaphore_mem>>) src(%dma_wait3A_14 : memref<640x128xf32, #tpu.memory_space<vmem_shared>>) dst(%dma_wait3A_12 : memref<640x128xf32, #tpu.memory_space<hbm>>)
      tpu.yield
    }) : () -> ()
    return
  }
}

#map = affine_map<(d0, d1) -> (0, 0)>
module attributes {stable_mosaic.version = 14 : i64} {
  func.func @_k2_gather_a(%arg0: i32, %arg1: i32, %arg2: memref<10240x512xf32, #tpu.memory_space<hbm>>, %arg3: memref<10240x512xf32, #tpu.memory_space<hbm>>, %arg4: memref<5120x64xi32, #tpu.memory_space<hbm>>, %arg5: memref<5120x64xi32, #tpu.memory_space<hbm>>, %arg6: memref<327680x512xf32, #tpu.memory_space<hbm>>, %arg7: memref<327680x512xf32, #tpu.memory_space<hbm>>, %arg8: memref<64xi32, #tpu.memory_space<vmem>>, %arg9: memref<64xi32, #tpu.memory_space<vmem>>, %arg10: memref<64x512xf32, #tpu.memory_space<vmem>>, %arg11: memref<64x512xf32, #tpu.memory_space<vmem>>, %arg12: memref<!tpu.dma_semaphore, #tpu.memory_space<semaphore_mem>>, %arg13: memref<!tpu.dma_semaphore, #tpu.memory_space<semaphore_mem>>) attributes {dimension_semantics = [#tpu.dimension_semantics<core_parallel>, #tpu.dimension_semantics<subcore_parallel>], iteration_bounds = array<i64: 2, 16>, scalar_prefetch = 0 : i64, scratch_operands = 6 : i64, tpu.core_type = #tpu.core_type<sc_vector_subcore>, window_params = [{transform_indices = #map}, {transform_indices = #map}, {transform_indices = #map}, {transform_indices = #map}, {transform_indices = #map}, {transform_indices = #map}]} {
    %mul3A = arith.constant 2 : i32
    %mul3A_0 = arith.muli %arg1, %mul3A : i32
    %add3A = arith.addi %mul3A_0, %arg0 : i32
    %scan3A = arith.constant 0 : i32
    %scan3A_1 = arith.constant 0 : i32
    %scan3A_2 = arith.constant 160 : i32
    %scan3A_3 = arith.addi %scan3A_1, %scan3A_2 : i32
    %scan3A_4 = arith.constant 1 : i32
    scf.for %scan3A_6 = %scan3A_1 to %scan3A_3 step %scan3A_4  : i32 {
      %mul3A_7 = arith.constant 160 : i32
      %mul3A_8 = arith.muli %add3A, %mul3A_7 : i32
      %add3A_9 = arith.addi %mul3A_8, %scan3A_6 : i32
      %mul3A_10 = arith.constant 64 : i32
      %mul3A_11 = arith.muli %add3A_9, %mul3A_10 : i32
      "tpu.region"() ({
        %run_scoped3A = tpu.sem_alloc : memref<!tpu.dma_semaphore, #tpu.memory_space<semaphore_mem>>
        %dma_start3A_22 = arith.constant 0 : i32
        %dma_start3A_23 = tpu.memref_slice %arg4[%add3A_9, %dma_start3A_22] : memref<5120x64xi32, #tpu.memory_space<hbm>> -> memref<1x64xi32, #tpu.memory_space<hbm>>
        %dma_start3A_24 = tpu.memref_squeeze %dma_start3A_23 : memref<1x64xi32, #tpu.memory_space<hbm>> -> memref<64xi32, #tpu.memory_space<hbm>>
        %dma_start3A_25 = arith.constant 0 : i32
        %dma_start3A_26 = tpu.memref_slice %arg4[%add3A_9, %dma_start3A_25] : memref<5120x64xi32, #tpu.memory_space<hbm>> -> memref<1x64xi32, #tpu.memory_space<hbm>>
        %dma_start3A_27 = tpu.memref_squeeze %dma_start3A_26 : memref<1x64xi32, #tpu.memory_space<hbm>> -> memref<64xi32, #tpu.memory_space<hbm>>
        tpu.enqueue_dma source(%dma_start3A_27 : memref<64xi32, #tpu.memory_space<hbm>>) target(%arg8 : memref<64xi32, #tpu.memory_space<vmem>>) target_semaphore(%run_scoped3A : memref<!tpu.dma_semaphore, #tpu.memory_space<semaphore_mem>>)
        %dma_wait3A_28 = arith.constant 0 : i32
        %dma_wait3A_29 = tpu.memref_slice %arg4[%add3A_9, %dma_wait3A_28] : memref<5120x64xi32, #tpu.memory_space<hbm>> -> memref<1x64xi32, #tpu.memory_space<hbm>>
        %dma_wait3A_30 = tpu.memref_squeeze %dma_wait3A_29 : memref<1x64xi32, #tpu.memory_space<hbm>> -> memref<64xi32, #tpu.memory_space<hbm>>
        %dma_wait3A_31 = arith.constant 0 : i32
        %dma_wait3A_32 = tpu.memref_slice %arg4[%add3A_9, %dma_wait3A_31] : memref<5120x64xi32, #tpu.memory_space<hbm>> -> memref<1x64xi32, #tpu.memory_space<hbm>>
        %dma_wait3A_33 = tpu.memref_squeeze %dma_wait3A_32 : memref<1x64xi32, #tpu.memory_space<hbm>> -> memref<64xi32, #tpu.memory_space<hbm>>
        tpu.wait_dma2 semaphore(%run_scoped3A : memref<!tpu.dma_semaphore, #tpu.memory_space<semaphore_mem>>) src(%dma_wait3A_33 : memref<64xi32, #tpu.memory_space<hbm>>) dst(%arg8 : memref<64xi32, #tpu.memory_space<vmem>>)
        tpu.yield
      }) : () -> ()
      "tpu.region"() ({
        %run_scoped3A = tpu.sem_alloc : memref<!tpu.dma_semaphore, #tpu.memory_space<semaphore_mem>>
        %dma_start3A_22 = arith.constant 0 : i32
        %dma_start3A_23 = tpu.memref_slice %arg5[%add3A_9, %dma_start3A_22] : memref<5120x64xi32, #tpu.memory_space<hbm>> -> memref<1x64xi32, #tpu.memory_space<hbm>>
        %dma_start3A_24 = tpu.memref_squeeze %dma_start3A_23 : memref<1x64xi32, #tpu.memory_space<hbm>> -> memref<64xi32, #tpu.memory_space<hbm>>
        %dma_start3A_25 = arith.constant 0 : i32
        %dma_start3A_26 = tpu.memref_slice %arg5[%add3A_9, %dma_start3A_25] : memref<5120x64xi32, #tpu.memory_space<hbm>> -> memref<1x64xi32, #tpu.memory_space<hbm>>
        %dma_start3A_27 = tpu.memref_squeeze %dma_start3A_26 : memref<1x64xi32, #tpu.memory_space<hbm>> -> memref<64xi32, #tpu.memory_space<hbm>>
        tpu.enqueue_dma source(%dma_start3A_27 : memref<64xi32, #tpu.memory_space<hbm>>) target(%arg9 : memref<64xi32, #tpu.memory_space<vmem>>) target_semaphore(%run_scoped3A : memref<!tpu.dma_semaphore, #tpu.memory_space<semaphore_mem>>)
        %dma_wait3A_28 = arith.constant 0 : i32
        %dma_wait3A_29 = tpu.memref_slice %arg5[%add3A_9, %dma_wait3A_28] : memref<5120x64xi32, #tpu.memory_space<hbm>> -> memref<1x64xi32, #tpu.memory_space<hbm>>
        %dma_wait3A_30 = tpu.memref_squeeze %dma_wait3A_29 : memref<1x64xi32, #tpu.memory_space<hbm>> -> memref<64xi32, #tpu.memory_space<hbm>>
        %dma_wait3A_31 = arith.constant 0 : i32
        %dma_wait3A_32 = tpu.memref_slice %arg5[%add3A_9, %dma_wait3A_31] : memref<5120x64xi32, #tpu.memory_space<hbm>> -> memref<1x64xi32, #tpu.memory_space<hbm>>
        %dma_wait3A_33 = tpu.memref_squeeze %dma_wait3A_32 : memref<1x64xi32, #tpu.memory_space<hbm>> -> memref<64xi32, #tpu.memory_space<hbm>>
        tpu.wait_dma2 semaphore(%run_scoped3A : memref<!tpu.dma_semaphore, #tpu.memory_space<semaphore_mem>>) src(%dma_wait3A_33 : memref<64xi32, #tpu.memory_space<hbm>>) dst(%arg9 : memref<64xi32, #tpu.memory_space<vmem>>)
        tpu.yield
      }) : () -> ()
      %dma_start3A = arith.constant 0 : i32
      %dma_start3A_12 = arith.constant 0 : i32
      %dma_start3A_13 = tpu.memref_slice %arg2[%dma_start3A, %dma_start3A_12] : memref<10240x512xf32, #tpu.memory_space<hbm>> -> memref<10240x512xf32, #tpu.memory_space<hbm>>
      tpu.enqueue_indirect_dma source(%dma_start3A_13 : memref<10240x512xf32, #tpu.memory_space<hbm>>) target(%arg10 : memref<64x512xf32, #tpu.memory_space<vmem>>) offsets(%arg8 : memref<64xi32, #tpu.memory_space<vmem>>) semaphore(%arg12 : memref<!tpu.dma_semaphore, #tpu.memory_space<semaphore_mem>>)
      %dma_start3A_14 = arith.constant 0 : i32
      %dma_start3A_15 = arith.constant 0 : i32
      %dma_start3A_16 = tpu.memref_slice %arg3[%dma_start3A_14, %dma_start3A_15] : memref<10240x512xf32, #tpu.memory_space<hbm>> -> memref<10240x512xf32, #tpu.memory_space<hbm>>
      tpu.enqueue_indirect_dma source(%dma_start3A_16 : memref<10240x512xf32, #tpu.memory_space<hbm>>) target(%arg11 : memref<64x512xf32, #tpu.memory_space<vmem>>) offsets(%arg9 : memref<64xi32, #tpu.memory_space<vmem>>) semaphore(%arg13 : memref<!tpu.dma_semaphore, #tpu.memory_space<semaphore_mem>>)
      %dma_wait3A = arith.constant 0 : i32
      %dma_wait3A_17 = arith.constant 0 : i32
      %dma_wait3A_18 = tpu.memref_slice %arg2[%dma_wait3A, %dma_wait3A_17] : memref<10240x512xf32, #tpu.memory_space<hbm>> -> memref<10240x512xf32, #tpu.memory_space<hbm>>
      tpu.wait_indirect_dma semaphore(%arg12 : memref<!tpu.dma_semaphore, #tpu.memory_space<semaphore_mem>>) src(%dma_wait3A_18 : memref<10240x512xf32, #tpu.memory_space<hbm>>) dst(%arg10 : memref<64x512xf32, #tpu.memory_space<vmem>>)
      %dma_wait3A_19 = arith.constant 0 : i32
      %dma_wait3A_20 = arith.constant 0 : i32
      %dma_wait3A_21 = tpu.memref_slice %arg3[%dma_wait3A_19, %dma_wait3A_20] : memref<10240x512xf32, #tpu.memory_space<hbm>> -> memref<10240x512xf32, #tpu.memory_space<hbm>>
      tpu.wait_indirect_dma semaphore(%arg13 : memref<!tpu.dma_semaphore, #tpu.memory_space<semaphore_mem>>) src(%dma_wait3A_21 : memref<10240x512xf32, #tpu.memory_space<hbm>>) dst(%arg11 : memref<64x512xf32, #tpu.memory_space<vmem>>)
      "tpu.region"() ({
        %run_scoped3A = tpu.sem_alloc : memref<!tpu.dma_semaphore, #tpu.memory_space<semaphore_mem>>
        %dma_start3A_22 = arith.constant 0 : i32
        %dma_start3A_23 = tpu.memref_slice %arg6[%mul3A_11, %dma_start3A_22] : memref<327680x512xf32, #tpu.memory_space<hbm>> -> memref<64x512xf32, #tpu.memory_space<hbm>>
        %dma_start3A_24 = arith.constant 0 : i32
        %dma_start3A_25 = tpu.memref_slice %arg6[%mul3A_11, %dma_start3A_24] : memref<327680x512xf32, #tpu.memory_space<hbm>> -> memref<64x512xf32, #tpu.memory_space<hbm>>
        tpu.enqueue_dma source(%arg10 : memref<64x512xf32, #tpu.memory_space<vmem>>) target(%dma_start3A_25 : memref<64x512xf32, #tpu.memory_space<hbm>>) target_semaphore(%run_scoped3A : memref<!tpu.dma_semaphore, #tpu.memory_space<semaphore_mem>>)
        %dma_wait3A_26 = arith.constant 0 : i32
        %dma_wait3A_27 = tpu.memref_slice %arg6[%mul3A_11, %dma_wait3A_26] : memref<327680x512xf32, #tpu.memory_space<hbm>> -> memref<64x512xf32, #tpu.memory_space<hbm>>
        %dma_wait3A_28 = arith.constant 0 : i32
        %dma_wait3A_29 = tpu.memref_slice %arg6[%mul3A_11, %dma_wait3A_28] : memref<327680x512xf32, #tpu.memory_space<hbm>> -> memref<64x512xf32, #tpu.memory_space<hbm>>
        tpu.wait_dma2 semaphore(%run_scoped3A : memref<!tpu.dma_semaphore, #tpu.memory_space<semaphore_mem>>) src(%arg10 : memref<64x512xf32, #tpu.memory_space<vmem>>) dst(%dma_wait3A_29 : memref<64x512xf32, #tpu.memory_space<hbm>>)
        tpu.yield
      }) : () -> ()
      "tpu.region"() ({
        %run_scoped3A = tpu.sem_alloc : memref<!tpu.dma_semaphore, #tpu.memory_space<semaphore_mem>>
        %dma_start3A_22 = arith.constant 0 : i32
        %dma_start3A_23 = tpu.memref_slice %arg7[%mul3A_11, %dma_start3A_22] : memref<327680x512xf32, #tpu.memory_space<hbm>> -> memref<64x512xf32, #tpu.memory_space<hbm>>
        %dma_start3A_24 = arith.constant 0 : i32
        %dma_start3A_25 = tpu.memref_slice %arg7[%mul3A_11, %dma_start3A_24] : memref<327680x512xf32, #tpu.memory_space<hbm>> -> memref<64x512xf32, #tpu.memory_space<hbm>>
        tpu.enqueue_dma source(%arg11 : memref<64x512xf32, #tpu.memory_space<vmem>>) target(%dma_start3A_25 : memref<64x512xf32, #tpu.memory_space<hbm>>) target_semaphore(%run_scoped3A : memref<!tpu.dma_semaphore, #tpu.memory_space<semaphore_mem>>)
        %dma_wait3A_26 = arith.constant 0 : i32
        %dma_wait3A_27 = tpu.memref_slice %arg7[%mul3A_11, %dma_wait3A_26] : memref<327680x512xf32, #tpu.memory_space<hbm>> -> memref<64x512xf32, #tpu.memory_space<hbm>>
        %dma_wait3A_28 = arith.constant 0 : i32
        %dma_wait3A_29 = tpu.memref_slice %arg7[%mul3A_11, %dma_wait3A_28] : memref<327680x512xf32, #tpu.memory_space<hbm>> -> memref<64x512xf32, #tpu.memory_space<hbm>>
        tpu.wait_dma2 semaphore(%run_scoped3A : memref<!tpu.dma_semaphore, #tpu.memory_space<semaphore_mem>>) src(%arg11 : memref<64x512xf32, #tpu.memory_space<vmem>>) dst(%dma_wait3A_29 : memref<64x512xf32, #tpu.memory_space<hbm>>)
        tpu.yield
      }) : () -> ()
    }
    %scan3A_5 = arith.constant 160 : i32
    return
  }
}

#map = affine_map<(d0, d1) -> (0, 0)>
#map1 = affine_map<(d0, d1) -> (0, 0, 0)>
module attributes {stable_mosaic.version = 14 : i64} {
  func.func @_k7a_scatter_wv(%arg0: i32, %arg1: i32, %arg2: memref<327680x128xf32, #tpu.memory_space<hbm>>, %arg3: memref<327680x128xf32, #tpu.memory_space<hbm>>, %arg4: memref<2560x128xi32, #tpu.memory_space<hbm>>, %arg5: memref<10240x128xf32, #tpu.memory_space<hbm>>, %arg6: memref<2x10240x128xf32, #tpu.memory_space<hbm>>, %arg7: memref<128xi32, #tpu.memory_space<vmem>>, %arg8: memref<128x128xf32, #tpu.memory_space<vmem>>, %arg9: memref<10240x128xf32, #tpu.memory_space<vmem_shared>>) attributes {dimension_semantics = [#tpu.dimension_semantics<core_parallel>, #tpu.dimension_semantics<subcore_parallel>], iteration_bounds = array<i64: 2, 16>, scalar_prefetch = 0 : i64, scratch_operands = 3 : i64, tpu.core_type = #tpu.core_type<sc_vector_subcore>, window_params = [{transform_indices = #map}, {transform_indices = #map}, {transform_indices = #map}, {transform_indices = #map}, {transform_indices = #map1}]} {
    %mul3A = arith.constant 640 : i32
    %mul3A_0 = arith.muli %arg1, %mul3A : i32
    "tpu.region"() ({
      %run_scoped3A = tpu.sem_alloc : memref<!tpu.dma_semaphore, #tpu.memory_space<semaphore_mem>>
      %dma_start3A = arith.constant 0 : i32
      %dma_start3A_9 = tpu.memref_slice %arg9[%mul3A_0, %dma_start3A] : memref<10240x128xf32, #tpu.memory_space<vmem_shared>> -> memref<640x128xf32, #tpu.memory_space<vmem_shared>>
      %dma_start3A_10 = arith.constant 0 : i32
      %dma_start3A_11 = tpu.memref_slice %arg5[%mul3A_0, %dma_start3A_10] : memref<10240x128xf32, #tpu.memory_space<hbm>> -> memref<640x128xf32, #tpu.memory_space<hbm>>
      tpu.enqueue_dma source(%dma_start3A_11 : memref<640x128xf32, #tpu.memory_space<hbm>>) target(%dma_start3A_9 : memref<640x128xf32, #tpu.memory_space<vmem_shared>>) target_semaphore(%run_scoped3A : memref<!tpu.dma_semaphore, #tpu.memory_space<semaphore_mem>>)
      %dma_wait3A = arith.constant 0 : i32
      %dma_wait3A_12 = tpu.memref_slice %arg9[%mul3A_0, %dma_wait3A] : memref<10240x128xf32, #tpu.memory_space<vmem_shared>> -> memref<640x128xf32, #tpu.memory_space<vmem_shared>>
      %dma_wait3A_13 = arith.constant 0 : i32
      %dma_wait3A_14 = tpu.memref_slice %arg5[%mul3A_0, %dma_wait3A_13] : memref<10240x128xf32, #tpu.memory_space<hbm>> -> memref<640x128xf32, #tpu.memory_space<hbm>>
      tpu.wait_dma2 semaphore(%run_scoped3A : memref<!tpu.dma_semaphore, #tpu.memory_space<semaphore_mem>>) src(%dma_wait3A_14 : memref<640x128xf32, #tpu.memory_space<hbm>>) dst(%dma_wait3A_12 : memref<640x128xf32, #tpu.memory_space<vmem_shared>>)
      tpu.yield
    }) : () -> ()
    %barrier3A = arith.constant 0 : index
    tpu.barrier barrier_id(%barrier3A)
    %eq3A = arith.constant 0 : i32
    %eq3A_1 = arith.cmpi eq, %arg0, %eq3A : i32
    %convert_element_type3A = arith.extui %eq3A_1 : i1 to i32
    %cond3A = arith.constant 0 : i32
    %cond3A_2 = arith.cmpi ne, %convert_element_type3A, %cond3A : i32
    scf.if %cond3A_2 {
      %scan3A = arith.constant 0 : i32
      %scan3A_9 = arith.constant 0 : i32
      %scan3A_10 = arith.constant 160 : i32
      %scan3A_11 = arith.addi %scan3A_9, %scan3A_10 : i32
      %scan3A_12 = arith.constant 1 : i32
      scf.for %scan3A_14 = %scan3A_9 to %scan3A_11 step %scan3A_12  : i32 {
        %mul3A_15 = arith.constant 160 : i32
        %mul3A_16 = arith.muli %arg1, %mul3A_15 : i32
        %add3A = arith.addi %mul3A_16, %scan3A_14 : i32
        "tpu.region"() ({
          %run_scoped3A = tpu.sem_alloc : memref<!tpu.dma_semaphore, #tpu.memory_space<semaphore_mem>>
          %dma_start3A = arith.constant 0 : i32
          %dma_start3A_19 = tpu.memref_slice %arg4[%add3A, %dma_start3A] : memref<2560x128xi32, #tpu.memory_space<hbm>> -> memref<1x128xi32, #tpu.memory_space<hbm>>
          %dma_start3A_20 = tpu.memref_squeeze %dma_start3A_19 : memref<1x128xi32, #tpu.memory_space<hbm>> -> memref<128xi32, #tpu.memory_space<hbm>>
          %dma_start3A_21 = arith.constant 0 : i32
          %dma_start3A_22 = tpu.memref_slice %arg4[%add3A, %dma_start3A_21] : memref<2560x128xi32, #tpu.memory_space<hbm>> -> memref<1x128xi32, #tpu.memory_space<hbm>>
          %dma_start3A_23 = tpu.memref_squeeze %dma_start3A_22 : memref<1x128xi32, #tpu.memory_space<hbm>> -> memref<128xi32, #tpu.memory_space<hbm>>
          tpu.enqueue_dma source(%dma_start3A_23 : memref<128xi32, #tpu.memory_space<hbm>>) target(%arg7 : memref<128xi32, #tpu.memory_space<vmem>>) target_semaphore(%run_scoped3A : memref<!tpu.dma_semaphore, #tpu.memory_space<semaphore_mem>>)
          %dma_wait3A = arith.constant 0 : i32
          %dma_wait3A_24 = tpu.memref_slice %arg4[%add3A, %dma_wait3A] : memref<2560x128xi32, #tpu.memory_space<hbm>> -> memref<1x128xi32, #tpu.memory_space<hbm>>
          %dma_wait3A_25 = tpu.memref_squeeze %dma_wait3A_24 : memref<1x128xi32, #tpu.memory_space<hbm>> -> memref<128xi32, #tpu.memory_space<hbm>>
          %dma_wait3A_26 = arith.constant 0 : i32
          %dma_wait3A_27 = tpu.memref_slice %arg4[%add3A, %dma_wait3A_26] : memref<2560x128xi32, #tpu.memory_space<hbm>> -> memref<1x128xi32, #tpu.memory_space<hbm>>
          %dma_wait3A_28 = tpu.memref_squeeze %dma_wait3A_27 : memref<1x128xi32, #tpu.memory_space<hbm>> -> memref<128xi32, #tpu.memory_space<hbm>>
          tpu.wait_dma2 semaphore(%run_scoped3A : memref<!tpu.dma_semaphore, #tpu.memory_space<semaphore_mem>>) src(%dma_wait3A_28 : memref<128xi32, #tpu.memory_space<hbm>>) dst(%arg7 : memref<128xi32, #tpu.memory_space<vmem>>)
          tpu.yield
        }) : () -> ()
        %mul3A_17 = arith.constant 128 : i32
        %mul3A_18 = arith.muli %add3A, %mul3A_17 : i32
        "tpu.region"() ({
          %run_scoped3A = tpu.sem_alloc : memref<!tpu.dma_semaphore, #tpu.memory_space<semaphore_mem>>
          %dma_start3A = arith.constant 0 : i32
          %dma_start3A_19 = tpu.memref_slice %arg2[%mul3A_18, %dma_start3A] : memref<327680x128xf32, #tpu.memory_space<hbm>> -> memref<128x128xf32, #tpu.memory_space<hbm>>
          %dma_start3A_20 = arith.constant 0 : i32
          %dma_start3A_21 = tpu.memref_slice %arg2[%mul3A_18, %dma_start3A_20] : memref<327680x128xf32, #tpu.memory_space<hbm>> -> memref<128x128xf32, #tpu.memory_space<hbm>>
          tpu.enqueue_dma source(%dma_start3A_21 : memref<128x128xf32, #tpu.memory_space<hbm>>) target(%arg8 : memref<128x128xf32, #tpu.memory_space<vmem>>) target_semaphore(%run_scoped3A : memref<!tpu.dma_semaphore, #tpu.memory_space<semaphore_mem>>)
          %dma_wait3A = arith.constant 0 : i32
          %dma_wait3A_22 = tpu.memref_slice %arg2[%mul3A_18, %dma_wait3A] : memref<327680x128xf32, #tpu.memory_space<hbm>> -> memref<128x128xf32, #tpu.memory_space<hbm>>
          %dma_wait3A_23 = arith.constant 0 : i32
          %dma_wait3A_24 = tpu.memref_slice %arg2[%mul3A_18, %dma_wait3A_23] : memref<327680x128xf32, #tpu.memory_space<hbm>> -> memref<128x128xf32, #tpu.memory_space<hbm>>
          tpu.wait_dma2 semaphore(%run_scoped3A : memref<!tpu.dma_semaphore, #tpu.memory_space<semaphore_mem>>) src(%dma_wait3A_24 : memref<128x128xf32, #tpu.memory_space<hbm>>) dst(%arg8 : memref<128x128xf32, #tpu.memory_space<vmem>>)
          tpu.yield
        }) : () -> ()
        "tpu.region"() ({
          %run_scoped3A = tpu.sem_alloc : memref<!tpu.dma_semaphore, #tpu.memory_space<semaphore_mem>>
          %dma_start3A = arith.constant 0 : i32
          %dma_start3A_19 = arith.constant 0 : i32
          %dma_start3A_20 = tpu.memref_slice %arg9[%dma_start3A, %dma_start3A_19] : memref<10240x128xf32, #tpu.memory_space<vmem_shared>> -> memref<10240x128xf32, #tpu.memory_space<vmem_shared>>
          tpu.enqueue_indirect_dma source(%arg8 : memref<128x128xf32, #tpu.memory_space<vmem>>) target(%dma_start3A_20 : memref<10240x128xf32, #tpu.memory_space<vmem_shared>>) offsets(%arg7 : memref<128xi32, #tpu.memory_space<vmem>>) semaphore(%run_scoped3A : memref<!tpu.dma_semaphore, #tpu.memory_space<semaphore_mem>>) {add = true}
          %dma_wait3A = arith.constant 0 : i32
          %dma_wait3A_21 = arith.constant 0 : i32
          %dma_wait3A_22 = tpu.memref_slice %arg9[%dma_wait3A, %dma_wait3A_21] : memref<10240x128xf32, #tpu.memory_space<vmem_shared>> -> memref<10240x128xf32, #tpu.memory_space<vmem_shared>>
          tpu.wait_indirect_dma semaphore(%run_scoped3A : memref<!tpu.dma_semaphore, #tpu.memory_space<semaphore_mem>>) src(%arg8 : memref<128x128xf32, #tpu.memory_space<vmem>>) dst(%dma_wait3A_22 : memref<10240x128xf32, #tpu.memory_space<vmem_shared>>)
          tpu.yield
        }) : () -> ()
      }
      %scan3A_13 = arith.constant 160 : i32
    } else {
    }
    %eq3A_3 = arith.constant 1 : i32
    %eq3A_4 = arith.cmpi eq, %arg0, %eq3A_3 : i32
    %convert_element_type3A_5 = arith.extui %eq3A_4 : i1 to i32
    %cond3A_6 = arith.constant 0 : i32
    %cond3A_7 = arith.cmpi ne, %convert_element_type3A_5, %cond3A_6 : i32
    scf.if %cond3A_7 {
      %scan3A = arith.constant 0 : i32
      %scan3A_9 = arith.constant 0 : i32
      %scan3A_10 = arith.constant 160 : i32
      %scan3A_11 = arith.addi %scan3A_9, %scan3A_10 : i32
      %scan3A_12 = arith.constant 1 : i32
      scf.for %scan3A_14 = %scan3A_9 to %scan3A_11 step %scan3A_12  : i32 {
        %mul3A_15 = arith.constant 160 : i32
        %mul3A_16 = arith.muli %arg1, %mul3A_15 : i32
        %add3A = arith.addi %mul3A_16, %scan3A_14 : i32
        "tpu.region"() ({
          %run_scoped3A = tpu.sem_alloc : memref<!tpu.dma_semaphore, #tpu.memory_space<semaphore_mem>>
          %dma_start3A = arith.constant 0 : i32
          %dma_start3A_19 = tpu.memref_slice %arg4[%add3A, %dma_start3A] : memref<2560x128xi32, #tpu.memory_space<hbm>> -> memref<1x128xi32, #tpu.memory_space<hbm>>
          %dma_start3A_20 = tpu.memref_squeeze %dma_start3A_19 : memref<1x128xi32, #tpu.memory_space<hbm>> -> memref<128xi32, #tpu.memory_space<hbm>>
          %dma_start3A_21 = arith.constant 0 : i32
          %dma_start3A_22 = tpu.memref_slice %arg4[%add3A, %dma_start3A_21] : memref<2560x128xi32, #tpu.memory_space<hbm>> -> memref<1x128xi32, #tpu.memory_space<hbm>>
          %dma_start3A_23 = tpu.memref_squeeze %dma_start3A_22 : memref<1x128xi32, #tpu.memory_space<hbm>> -> memref<128xi32, #tpu.memory_space<hbm>>
          tpu.enqueue_dma source(%dma_start3A_23 : memref<128xi32, #tpu.memory_space<hbm>>) target(%arg7 : memref<128xi32, #tpu.memory_space<vmem>>) target_semaphore(%run_scoped3A : memref<!tpu.dma_semaphore, #tpu.memory_space<semaphore_mem>>)
          %dma_wait3A = arith.constant 0 : i32
          %dma_wait3A_24 = tpu.memref_slice %arg4[%add3A, %dma_wait3A] : memref<2560x128xi32, #tpu.memory_space<hbm>> -> memref<1x128xi32, #tpu.memory_space<hbm>>
          %dma_wait3A_25 = tpu.memref_squeeze %dma_wait3A_24 : memref<1x128xi32, #tpu.memory_space<hbm>> -> memref<128xi32, #tpu.memory_space<hbm>>
          %dma_wait3A_26 = arith.constant 0 : i32
          %dma_wait3A_27 = tpu.memref_slice %arg4[%add3A, %dma_wait3A_26] : memref<2560x128xi32, #tpu.memory_space<hbm>> -> memref<1x128xi32, #tpu.memory_space<hbm>>
          %dma_wait3A_28 = tpu.memref_squeeze %dma_wait3A_27 : memref<1x128xi32, #tpu.memory_space<hbm>> -> memref<128xi32, #tpu.memory_space<hbm>>
          tpu.wait_dma2 semaphore(%run_scoped3A : memref<!tpu.dma_semaphore, #tpu.memory_space<semaphore_mem>>) src(%dma_wait3A_28 : memref<128xi32, #tpu.memory_space<hbm>>) dst(%arg7 : memref<128xi32, #tpu.memory_space<vmem>>)
          tpu.yield
        }) : () -> ()
        %mul3A_17 = arith.constant 128 : i32
        %mul3A_18 = arith.muli %add3A, %mul3A_17 : i32
        "tpu.region"() ({
          %run_scoped3A = tpu.sem_alloc : memref<!tpu.dma_semaphore, #tpu.memory_space<semaphore_mem>>
          %dma_start3A = arith.constant 0 : i32
          %dma_start3A_19 = tpu.memref_slice %arg3[%mul3A_18, %dma_start3A] : memref<327680x128xf32, #tpu.memory_space<hbm>> -> memref<128x128xf32, #tpu.memory_space<hbm>>
          %dma_start3A_20 = arith.constant 0 : i32
          %dma_start3A_21 = tpu.memref_slice %arg3[%mul3A_18, %dma_start3A_20] : memref<327680x128xf32, #tpu.memory_space<hbm>> -> memref<128x128xf32, #tpu.memory_space<hbm>>
          tpu.enqueue_dma source(%dma_start3A_21 : memref<128x128xf32, #tpu.memory_space<hbm>>) target(%arg8 : memref<128x128xf32, #tpu.memory_space<vmem>>) target_semaphore(%run_scoped3A : memref<!tpu.dma_semaphore, #tpu.memory_space<semaphore_mem>>)
          %dma_wait3A = arith.constant 0 : i32
          %dma_wait3A_22 = tpu.memref_slice %arg3[%mul3A_18, %dma_wait3A] : memref<327680x128xf32, #tpu.memory_space<hbm>> -> memref<128x128xf32, #tpu.memory_space<hbm>>
          %dma_wait3A_23 = arith.constant 0 : i32
          %dma_wait3A_24 = tpu.memref_slice %arg3[%mul3A_18, %dma_wait3A_23] : memref<327680x128xf32, #tpu.memory_space<hbm>> -> memref<128x128xf32, #tpu.memory_space<hbm>>
          tpu.wait_dma2 semaphore(%run_scoped3A : memref<!tpu.dma_semaphore, #tpu.memory_space<semaphore_mem>>) src(%dma_wait3A_24 : memref<128x128xf32, #tpu.memory_space<hbm>>) dst(%arg8 : memref<128x128xf32, #tpu.memory_space<vmem>>)
          tpu.yield
        }) : () -> ()
        "tpu.region"() ({
          %run_scoped3A = tpu.sem_alloc : memref<!tpu.dma_semaphore, #tpu.memory_space<semaphore_mem>>
          %dma_start3A = arith.constant 0 : i32
          %dma_start3A_19 = arith.constant 0 : i32
          %dma_start3A_20 = tpu.memref_slice %arg9[%dma_start3A, %dma_start3A_19] : memref<10240x128xf32, #tpu.memory_space<vmem_shared>> -> memref<10240x128xf32, #tpu.memory_space<vmem_shared>>
          tpu.enqueue_indirect_dma source(%arg8 : memref<128x128xf32, #tpu.memory_space<vmem>>) target(%dma_start3A_20 : memref<10240x128xf32, #tpu.memory_space<vmem_shared>>) offsets(%arg7 : memref<128xi32, #tpu.memory_space<vmem>>) semaphore(%run_scoped3A : memref<!tpu.dma_semaphore, #tpu.memory_space<semaphore_mem>>) {add = true}
          %dma_wait3A = arith.constant 0 : i32
          %dma_wait3A_21 = arith.constant 0 : i32
          %dma_wait3A_22 = tpu.memref_slice %arg9[%dma_wait3A, %dma_wait3A_21] : memref<10240x128xf32, #tpu.memory_space<vmem_shared>> -> memref<10240x128xf32, #tpu.memory_space<vmem_shared>>
          tpu.wait_indirect_dma semaphore(%run_scoped3A : memref<!tpu.dma_semaphore, #tpu.memory_space<semaphore_mem>>) src(%arg8 : memref<128x128xf32, #tpu.memory_space<vmem>>) dst(%dma_wait3A_22 : memref<10240x128xf32, #tpu.memory_space<vmem_shared>>)
          tpu.yield
        }) : () -> ()
      }
      %scan3A_13 = arith.constant 160 : i32
    } else {
    }
    %barrier3A_8 = arith.constant 0 : index
    tpu.barrier barrier_id(%barrier3A_8)
    "tpu.region"() ({
      %run_scoped3A = tpu.sem_alloc : memref<!tpu.dma_semaphore, #tpu.memory_space<semaphore_mem>>
      %dma_start3A = arith.constant 0 : i32
      %dma_start3A_9 = tpu.memref_slice %arg6[%arg0, %mul3A_0, %dma_start3A] : memref<2x10240x128xf32, #tpu.memory_space<hbm>> -> memref<1x640x128xf32, #tpu.memory_space<hbm>>
      %dma_start3A_10 = tpu.memref_squeeze %dma_start3A_9 : memref<1x640x128xf32, #tpu.memory_space<hbm>> -> memref<640x128xf32, #tpu.memory_space<hbm>>
      %dma_start3A_11 = arith.constant 0 : i32
      %dma_start3A_12 = tpu.memref_slice %arg9[%mul3A_0, %dma_start3A_11] : memref<10240x128xf32, #tpu.memory_space<vmem_shared>> -> memref<640x128xf32, #tpu.memory_space<vmem_shared>>
      tpu.enqueue_dma source(%dma_start3A_12 : memref<640x128xf32, #tpu.memory_space<vmem_shared>>) target(%dma_start3A_10 : memref<640x128xf32, #tpu.memory_space<hbm>>) target_semaphore(%run_scoped3A : memref<!tpu.dma_semaphore, #tpu.memory_space<semaphore_mem>>)
      %dma_wait3A = arith.constant 0 : i32
      %dma_wait3A_13 = tpu.memref_slice %arg6[%arg0, %mul3A_0, %dma_wait3A] : memref<2x10240x128xf32, #tpu.memory_space<hbm>> -> memref<1x640x128xf32, #tpu.memory_space<hbm>>
      %dma_wait3A_14 = tpu.memref_squeeze %dma_wait3A_13 : memref<1x640x128xf32, #tpu.memory_space<hbm>> -> memref<640x128xf32, #tpu.memory_space<hbm>>
      %dma_wait3A_15 = arith.constant 0 : i32
      %dma_wait3A_16 = tpu.memref_slice %arg9[%mul3A_0, %dma_wait3A_15] : memref<10240x128xf32, #tpu.memory_space<vmem_shared>> -> memref<640x128xf32, #tpu.memory_space<vmem_shared>>
      tpu.wait_dma2 semaphore(%run_scoped3A : memref<!tpu.dma_semaphore, #tpu.memory_space<semaphore_mem>>) src(%dma_wait3A_16 : memref<640x128xf32, #tpu.memory_space<vmem_shared>>) dst(%dma_wait3A_14 : memref<640x128xf32, #tpu.memory_space<hbm>>)
      tpu.yield
    }) : () -> ()
    return
  }
}

module attributes {stable_mosaic.version = 14 : i64} {
  func.func @_k1_body(%arg0: i32, %arg1: memref<1024x128xf32, #tpu.memory_space<vmem>>, %arg2: memref<1024x16xf32, #tpu.memory_space<vmem>>, %arg3: memref<128x256xf32, #tpu.memory_space<vmem>>, %arg4: memref<1x256xf32, #tpu.memory_space<vmem>>, %arg5: memref<128x256xf32, #tpu.memory_space<vmem>>, %arg6: memref<1x256xf32, #tpu.memory_space<vmem>>, %arg7: memref<128x256xf32, #tpu.memory_space<vmem>>, %arg8: memref<1x256xf32, #tpu.memory_space<vmem>>, %arg9: memref<128x128xf32, #tpu.memory_space<vmem>>, %arg10: memref<3x128xf32, #tpu.memory_space<vmem>>, %arg11: memref<128x128xf32, #tpu.memory_space<vmem>>, %arg12: memref<3x128xf32, #tpu.memory_space<vmem>>, %arg13: memref<3x128xf32, #tpu.memory_space<vmem>>, %arg14: memref<3x128xf32, #tpu.memory_space<vmem>>, %arg15: memref<1024x512xf32, #tpu.memory_space<vmem>>, %arg16: memref<1024x512xf32, #tpu.memory_space<vmem>>, %arg17: memref<1024x128xf32, #tpu.memory_space<vmem>>, %arg18: memref<1024x384xf32, #tpu.memory_space<vmem>>) attributes {dimension_semantics = [#tpu.dimension_semantics<arbitrary>], iteration_bounds = array<i64: 10>, scalar_prefetch = 0 : i64, scratch_operands = 0 : i64, tpu.core_type = #tpu.core_type<tc>, window_params = [{transform_indices = @transform_0, window_bounds = array<i64: 1024, 128>}, {transform_indices = @transform_1, window_bounds = array<i64: 1024, 16>}, {pipeline_mode = #tpu.pipeline_mode<synchronous>, transform_indices = @transform_2, window_bounds = array<i64: 128, 256>}, {pipeline_mode = #tpu.pipeline_mode<synchronous>, transform_indices = @transform_3, window_bounds = array<i64: 1, 256>}, {pipeline_mode = #tpu.pipeline_mode<synchronous>, transform_indices = @transform_4, window_bounds = array<i64: 128, 256>}, {pipeline_mode = #tpu.pipeline_mode<synchronous>, transform_indices = @transform_5, window_bounds = array<i64: 1, 256>}, {pipeline_mode = #tpu.pipeline_mode<synchronous>, transform_indices = @transform_6, window_bounds = array<i64: 128, 256>}, {pipeline_mode = #tpu.pipeline_mode<synchronous>, transform_indices = @transform_7, window_bounds = array<i64: 1, 256>}, {pipeline_mode = #tpu.pipeline_mode<synchronous>, transform_indices = @transform_8, window_bounds = array<i64: 128, 128>}, {pipeline_mode = #tpu.pipeline_mode<synchronous>, transform_indices = @transform_9, window_bounds = array<i64: 3, 128>}, {pipeline_mode = #tpu.pipeline_mode<synchronous>, transform_indices = @transform_10, window_bounds = array<i64: 128, 128>}, {pipeline_mode = #tpu.pipeline_mode<synchronous>, transform_indices = @transform_11, window_bounds = array<i64: 3, 128>}, {pipeline_mode = #tpu.pipeline_mode<synchronous>, transform_indices = @transform_12, window_bounds = array<i64: 3, 128>}, {pipeline_mode = #tpu.pipeline_mode<synchronous>, transform_indices = @transform_13, window_bounds = array<i64: 3, 128>}, {transform_indices = @transform_14, window_bounds = array<i64: 1024, 512>}, {transform_indices = @transform_15, window_bounds = array<i64: 1024, 512>}, {transform_indices = @transform_16, window_bounds = array<i64: 1024, 128>}, {transform_indices = @transform_17, window_bounds = array<i64: 1024, 384>}]} {
    %get3A = arith.constant 0 : index
    %get3A_0 = arith.constant 0 : index
    %get3A_1 = vector.load %arg1[%get3A, %get3A_0] : memref<1024x128xf32, #tpu.memory_space<vmem>>, vector<1024x128xf32>
    %get3A_2 = arith.constant 0 : index
    %get3A_3 = arith.constant 0 : index
    %get3A_4 = vector.load %arg2[%get3A_2, %get3A_3] : memref<1024x16xf32, #tpu.memory_space<vmem>>, vector<1024x16xf32>
    %slice3A = vector.extract_strided_slice %get3A_4 {offsets = [0, 0], sizes = [1024, 3], strides = [1, 1]} : vector<1024x16xf32> to vector<1024x3xf32>
    %slice3A_5 = vector.extract_strided_slice %get3A_4 {offsets = [0, 3], sizes = [1024, 3], strides = [1, 1]} : vector<1024x16xf32> to vector<1024x3xf32>
    %broadcast_in_dim3A = arith.constant 0.000000e+00 : f32
    %broadcast_in_dim3A_6 = vector.broadcast %broadcast_in_dim3A : f32 to vector<1024x125xf32>
    %get3A_7 = arith.constant 0 : index
    %get3A_8 = arith.constant 0 : index
    %get3A_9 = vector.load %arg3[%get3A_7, %get3A_8] : memref<128x256xf32, #tpu.memory_space<vmem>>, vector<128x256xf32>
    %dot_general3A = arith.constant dense<0.000000e+00> : vector<1024x256xf32>
    %dot_general3A_10 = tpu.matmul %get3A_1, %get3A_9, %dot_general3A {dimension_numbers = #tpu.dot_dimension_numbers<[1], [0], [0], [1], [0, 0, 1, 1], [], []>, transpose_lhs_hint = false} : vector<1024x128xf32>, vector<128x256xf32>, vector<1024x256xf32> -> vector<1024x256xf32>
    %get3A_11 = arith.constant 0 : index
    %get3A_12 = arith.constant 0 : index
    %get3A_13 = vector.load %arg4[%get3A_11, %get3A_12] : memref<1x256xf32, #tpu.memory_space<vmem>>, vector<1x256xf32>
    %add3A = vector.broadcast %get3A_13 : vector<1x256xf32> to vector<1024x256xf32>
    %add3A_14 = arith.addf %dot_general3A_10, %add3A : vector<1024x256xf32>
    %get3A_15 = arith.constant 0 : index
    %get3A_16 = arith.constant 0 : index
    %get3A_17 = vector.load %arg5[%get3A_15, %get3A_16] : memref<128x256xf32, #tpu.memory_space<vmem>>, vector<128x256xf32>
    %dot_general3A_18 = arith.constant dense<0.000000e+00> : vector<1024x256xf32>
    %dot_general3A_19 = tpu.matmul %get3A_1, %get3A_17, %dot_general3A_18 {dimension_numbers = #tpu.dot_dimension_numbers<[1], [0], [0], [1], [0, 0, 1, 1], [], []>, transpose_lhs_hint = false} : vector<1024x128xf32>, vector<128x256xf32>, vector<1024x256xf32> -> vector<1024x256xf32>
    %get3A_20 = arith.constant 0 : index
    %get3A_21 = arith.constant 0 : index
    %get3A_22 = vector.load %arg6[%get3A_20, %get3A_21] : memref<1x256xf32, #tpu.memory_space<vmem>>, vector<1x256xf32>
    %add3A_23 = vector.broadcast %get3A_22 : vector<1x256xf32> to vector<1024x256xf32>
    %add3A_24 = arith.addf %dot_general3A_19, %add3A_23 : vector<1024x256xf32>
    %get3A_25 = arith.constant 0 : index
    %get3A_26 = arith.constant 0 : index
    %get3A_27 = vector.load %arg7[%get3A_25, %get3A_26] : memref<128x256xf32, #tpu.memory_space<vmem>>, vector<128x256xf32>
    %dot_general3A_28 = arith.constant dense<0.000000e+00> : vector<1024x256xf32>
    %dot_general3A_29 = tpu.matmul %get3A_1, %get3A_27, %dot_general3A_28 {dimension_numbers = #tpu.dot_dimension_numbers<[1], [0], [0], [1], [0, 0, 1, 1], [], []>, transpose_lhs_hint = false} : vector<1024x128xf32>, vector<128x256xf32>, vector<1024x256xf32> -> vector<1024x256xf32>
    %get3A_30 = arith.constant 0 : index
    %get3A_31 = arith.constant 0 : index
    %get3A_32 = vector.load %arg8[%get3A_30, %get3A_31] : memref<1x256xf32, #tpu.memory_space<vmem>>, vector<1x256xf32>
    %add3A_33 = vector.broadcast %get3A_32 : vector<1x256xf32> to vector<1024x256xf32>
    %add3A_34 = arith.addf %dot_general3A_29, %add3A_33 : vector<1024x256xf32>
    %get3A_35 = arith.constant 0 : index
    %get3A_36 = arith.constant 0 : index
    %get3A_37 = vector.load %arg9[%get3A_35, %get3A_36] : memref<128x128xf32, #tpu.memory_space<vmem>>, vector<128x128xf32>
    %dot_general3A_38 = arith.constant dense<0.000000e+00> : vector<1024x128xf32>
    %dot_general3A_39 = tpu.matmul %get3A_1, %get3A_37, %dot_general3A_38 {dimension_numbers = #tpu.dot_dimension_numbers<[1], [0], [0], [1], [0, 0, 1, 1], [], []>, transpose_lhs_hint = false} : vector<1024x128xf32>, vector<128x128xf32>, vector<1024x128xf32> -> vector<1024x128xf32>
    %get3A_40 = arith.constant 0 : index
    %get3A_41 = arith.constant 0 : index
    %get3A_42 = vector.load %arg10[%get3A_40, %get3A_41] : memref<3x128xf32, #tpu.memory_space<vmem>>, vector<3x128xf32>
    %slice3A_43 = vector.extract_strided_slice %slice3A_5 {offsets = [0, 0], sizes = [1024, 1], strides = [1, 1]} : vector<1024x3xf32> to vector<1024x1xf32>
    %slice3A_44 = vector.extract_strided_slice %get3A_42 {offsets = [0, 0], sizes = [1, 128], strides = [1, 1]} : vector<3x128xf32> to vector<1x128xf32>
    %mul3A = vector.broadcast %slice3A_43 : vector<1024x1xf32> to vector<1024x128xf32>
    %mul3A_45 = vector.broadcast %slice3A_44 : vector<1x128xf32> to vector<1024x128xf32>
    %mul3A_46 = arith.mulf %mul3A, %mul3A_45 : vector<1024x128xf32>
    %slice3A_47 = vector.extract_strided_slice %slice3A_5 {offsets = [0, 1], sizes = [1024, 1], strides = [1, 1]} : vector<1024x3xf32> to vector<1024x1xf32>
    %slice3A_48 = vector.extract_strided_slice %get3A_42 {offsets = [1, 0], sizes = [1, 128], strides = [1, 1]} : vector<3x128xf32> to vector<1x128xf32>
    %mul3A_49 = vector.broadcast %slice3A_47 : vector<1024x1xf32> to vector<1024x128xf32>
    %mul3A_50 = vector.broadcast %slice3A_48 : vector<1x128xf32> to vector<1024x128xf32>
    %mul3A_51 = arith.mulf %mul3A_49, %mul3A_50 : vector<1024x128xf32>
    %add3A_52 = arith.addf %mul3A_46, %mul3A_51 : vector<1024x128xf32>
    %slice3A_53 = vector.extract_strided_slice %slice3A_5 {offsets = [0, 2], sizes = [1024, 1], strides = [1, 1]} : vector<1024x3xf32> to vector<1024x1xf32>
    %slice3A_54 = vector.extract_strided_slice %get3A_42 {offsets = [2, 0], sizes = [1, 128], strides = [1, 1]} : vector<3x128xf32> to vector<1x128xf32>
    %mul3A_55 = vector.broadcast %slice3A_53 : vector<1024x1xf32> to vector<1024x128xf32>
    %mul3A_56 = vector.broadcast %slice3A_54 : vector<1x128xf32> to vector<1024x128xf32>
    %mul3A_57 = arith.mulf %mul3A_55, %mul3A_56 : vector<1024x128xf32>
    %add3A_58 = arith.addf %add3A_52, %mul3A_57 : vector<1024x128xf32>
    %add3A_59 = arith.addf %dot_general3A_39, %add3A_58 : vector<1024x128xf32>
    %get3A_60 = arith.constant 0 : index
    %get3A_61 = arith.constant 0 : index
    %get3A_62 = vector.load %arg11[%get3A_60, %get3A_61] : memref<128x128xf32, #tpu.memory_space<vmem>>, vector<128x128xf32>
    %dot_general3A_63 = arith.constant dense<0.000000e+00> : vector<1024x128xf32>
    %dot_general3A_64 = tpu.matmul %get3A_1, %get3A_62, %dot_general3A_63 {dimension_numbers = #tpu.dot_dimension_numbers<[1], [0], [0], [1], [0, 0, 1, 1], [], []>, transpose_lhs_hint = false} : vector<1024x128xf32>, vector<128x128xf32>, vector<1024x128xf32> -> vector<1024x128xf32>
    %get3A_65 = arith.constant 0 : index
    %get3A_66 = arith.constant 0 : index
    %get3A_67 = vector.load %arg12[%get3A_65, %get3A_66] : memref<3x128xf32, #tpu.memory_space<vmem>>, vector<3x128xf32>
    %slice3A_68 = vector.extract_strided_slice %slice3A_5 {offsets = [0, 0], sizes = [1024, 1], strides = [1, 1]} : vector<1024x3xf32> to vector<1024x1xf32>
    %slice3A_69 = vector.extract_strided_slice %get3A_67 {offsets = [0, 0], sizes = [1, 128], strides = [1, 1]} : vector<3x128xf32> to vector<1x128xf32>
    %mul3A_70 = vector.broadcast %slice3A_68 : vector<1024x1xf32> to vector<1024x128xf32>
    %mul3A_71 = vector.broadcast %slice3A_69 : vector<1x128xf32> to vector<1024x128xf32>
    %mul3A_72 = arith.mulf %mul3A_70, %mul3A_71 : vector<1024x128xf32>
    %slice3A_73 = vector.extract_strided_slice %slice3A_5 {offsets = [0, 1], sizes = [1024, 1], strides = [1, 1]} : vector<1024x3xf32> to vector<1024x1xf32>
    %slice3A_74 = vector.extract_strided_slice %get3A_67 {offsets = [1, 0], sizes = [1, 128], strides = [1, 1]} : vector<3x128xf32> to vector<1x128xf32>
    %mul3A_75 = vector.broadcast %slice3A_73 : vector<1024x1xf32> to vector<1024x128xf32>
    %mul3A_76 = vector.broadcast %slice3A_74 : vector<1x128xf32> to vector<1024x128xf32>
    %mul3A_77 = arith.mulf %mul3A_75, %mul3A_76 : vector<1024x128xf32>
    %add3A_78 = arith.addf %mul3A_72, %mul3A_77 : vector<1024x128xf32>
    %slice3A_79 = vector.extract_strided_slice %slice3A_5 {offsets = [0, 2], sizes = [1024, 1], strides = [1, 1]} : vector<1024x3xf32> to vector<1024x1xf32>
    %slice3A_80 = vector.extract_strided_slice %get3A_67 {offsets = [2, 0], sizes = [1, 128], strides = [1, 1]} : vector<3x128xf32> to vector<1x128xf32>
    %mul3A_81 = vector.broadcast %slice3A_79 : vector<1024x1xf32> to vector<1024x128xf32>
    %mul3A_82 = vector.broadcast %slice3A_80 : vector<1x128xf32> to vector<1024x128xf32>
    %mul3A_83 = arith.mulf %mul3A_81, %mul3A_82 : vector<1024x128xf32>
    %add3A_84 = arith.addf %add3A_78, %mul3A_83 : vector<1024x128xf32>
    %add3A_85 = arith.addf %dot_general3A_64, %add3A_84 : vector<1024x128xf32>
    %get3A_86 = arith.constant 0 : index
    %get3A_87 = arith.constant 0 : index
    %get3A_88 = vector.load %arg13[%get3A_86, %get3A_87] : memref<3x128xf32, #tpu.memory_space<vmem>>, vector<3x128xf32>
    %slice3A_89 = vector.extract_strided_slice %slice3A_5 {offsets = [0, 0], sizes = [1024, 1], strides = [1, 1]} : vector<1024x3xf32> to vector<1024x1xf32>
    %slice3A_90 = vector.extract_strided_slice %get3A_88 {offsets = [0, 0], sizes = [1, 128], strides = [1, 1]} : vector<3x128xf32> to vector<1x128xf32>
    %mul3A_91 = vector.broadcast %slice3A_89 : vector<1024x1xf32> to vector<1024x128xf32>
    %mul3A_92 = vector.broadcast %slice3A_90 : vector<1x128xf32> to vector<1024x128xf32>
    %mul3A_93 = arith.mulf %mul3A_91, %mul3A_92 : vector<1024x128xf32>
    %slice3A_94 = vector.extract_strided_slice %slice3A_5 {offsets = [0, 1], sizes = [1024, 1], strides = [1, 1]} : vector<1024x3xf32> to vector<1024x1xf32>
    %slice3A_95 = vector.extract_strided_slice %get3A_88 {offsets = [1, 0], sizes = [1, 128], strides = [1, 1]} : vector<3x128xf32> to vector<1x128xf32>
    %mul3A_96 = vector.broadcast %slice3A_94 : vector<1024x1xf32> to vector<1024x128xf32>
    %mul3A_97 = vector.broadcast %slice3A_95 : vector<1x128xf32> to vector<1024x128xf32>
    %mul3A_98 = arith.mulf %mul3A_96, %mul3A_97 : vector<1024x128xf32>
    %add3A_99 = arith.addf %mul3A_93, %mul3A_98 : vector<1024x128xf32>
    %slice3A_100 = vector.extract_strided_slice %slice3A_5 {offsets = [0, 2], sizes = [1024, 1], strides = [1, 1]} : vector<1024x3xf32> to vector<1024x1xf32>
    %slice3A_101 = vector.extract_strided_slice %get3A_88 {offsets = [2, 0], sizes = [1, 128], strides = [1, 1]} : vector<3x128xf32> to vector<1x128xf32>
    %mul3A_102 = vector.broadcast %slice3A_100 : vector<1024x1xf32> to vector<1024x128xf32>
    %mul3A_103 = vector.broadcast %slice3A_101 : vector<1x128xf32> to vector<1024x128xf32>
    %mul3A_104 = arith.mulf %mul3A_102, %mul3A_103 : vector<1024x128xf32>
    %add3A_105 = arith.addf %add3A_99, %mul3A_104 : vector<1024x128xf32>
    %get3A_106 = arith.constant 0 : index
    %get3A_107 = arith.constant 0 : index
    %get3A_108 = vector.load %arg14[%get3A_106, %get3A_107] : memref<3x128xf32, #tpu.memory_space<vmem>>, vector<3x128xf32>
    %slice3A_109 = vector.extract_strided_slice %slice3A_5 {offsets = [0, 0], sizes = [1024, 1], strides = [1, 1]} : vector<1024x3xf32> to vector<1024x1xf32>
    %slice3A_110 = vector.extract_strided_slice %get3A_108 {offsets = [0, 0], sizes = [1, 128], strides = [1, 1]} : vector<3x128xf32> to vector<1x128xf32>
    %mul3A_111 = vector.broadcast %slice3A_109 : vector<1024x1xf32> to vector<1024x128xf32>
    %mul3A_112 = vector.broadcast %slice3A_110 : vector<1x128xf32> to vector<1024x128xf32>
    %mul3A_113 = arith.mulf %mul3A_111, %mul3A_112 : vector<1024x128xf32>
    %slice3A_114 = vector.extract_strided_slice %slice3A_5 {offsets = [0, 1], sizes = [1024, 1], strides = [1, 1]} : vector<1024x3xf32> to vector<1024x1xf32>
    %slice3A_115 = vector.extract_strided_slice %get3A_108 {offsets = [1, 0], sizes = [1, 128], strides = [1, 1]} : vector<3x128xf32> to vector<1x128xf32>
    %mul3A_116 = vector.broadcast %slice3A_114 : vector<1024x1xf32> to vector<1024x128xf32>
    %mul3A_117 = vector.broadcast %slice3A_115 : vector<1x128xf32> to vector<1024x128xf32>
    %mul3A_118 = arith.mulf %mul3A_116, %mul3A_117 : vector<1024x128xf32>
    %add3A_119 = arith.addf %mul3A_113, %mul3A_118 : vector<1024x128xf32>
    %slice3A_120 = vector.extract_strided_slice %slice3A_5 {offsets = [0, 2], sizes = [1024, 1], strides = [1, 1]} : vector<1024x3xf32> to vector<1024x1xf32>
    %slice3A_121 = vector.extract_strided_slice %get3A_108 {offsets = [2, 0], sizes = [1, 128], strides = [1, 1]} : vector<3x128xf32> to vector<1x128xf32>
    %mul3A_122 = vector.broadcast %slice3A_120 : vector<1024x1xf32> to vector<1024x128xf32>
    %mul3A_123 = vector.broadcast %slice3A_121 : vector<1x128xf32> to vector<1024x128xf32>
    %mul3A_124 = arith.mulf %mul3A_122, %mul3A_123 : vector<1024x128xf32>
    %add3A_125 = arith.addf %add3A_119, %mul3A_124 : vector<1024x128xf32>
    %concatenate3A = tpu.concatenate %add3A_14, %add3A_59, %slice3A, %broadcast_in_dim3A_6 in 1 : vector<1024x256xf32>, vector<1024x128xf32>, vector<1024x3xf32>, vector<1024x125xf32> -> vector<1024x512xf32>
    %swap3A = arith.constant 0 : index
    %swap3A_126 = arith.constant 0 : index
    %swap3A_127 = vector.load %arg15[%swap3A, %swap3A_126] : memref<1024x512xf32, #tpu.memory_space<vmem>>, vector<1024x512xf32>
    tpu.vector_store %arg15[%swap3A, %swap3A_126], %concatenate3A {strides = array<i32>} : memref<1024x512xf32, #tpu.memory_space<vmem>>, vector<1024x512xf32>,
    %concatenate3A_128 = tpu.concatenate %add3A_24, %add3A_85, %slice3A, %broadcast_in_dim3A_6 in 1 : vector<1024x256xf32>, vector<1024x128xf32>, vector<1024x3xf32>, vector<1024x125xf32> -> vector<1024x512xf32>
    %swap3A_129 = arith.constant 0 : index
    %swap3A_130 = arith.constant 0 : index
    %swap3A_131 = vector.load %arg16[%swap3A_129, %swap3A_130] : memref<1024x512xf32, #tpu.memory_space<vmem>>, vector<1024x512xf32>
    tpu.vector_store %arg16[%swap3A_129, %swap3A_130], %concatenate3A_128 {strides = array<i32>} : memref<1024x512xf32, #tpu.memory_space<vmem>>, vector<1024x512xf32>,
    %swap3A_132 = arith.constant 0 : index
    %swap3A_133 = arith.constant 0 : index
    %swap3A_134 = vector.load %arg17[%swap3A_132, %swap3A_133] : memref<1024x128xf32, #tpu.memory_space<vmem>>, vector<1024x128xf32>
    tpu.vector_store %arg17[%swap3A_132, %swap3A_133], %add3A_105 {strides = array<i32>} : memref<1024x128xf32, #tpu.memory_space<vmem>>, vector<1024x128xf32>,
    %concatenate3A_135 = tpu.concatenate %add3A_34, %add3A_125 in 1 : vector<1024x256xf32>, vector<1024x128xf32> -> vector<1024x384xf32>
    %swap3A_136 = arith.constant 0 : index
    %swap3A_137 = arith.constant 0 : index
    %swap3A_138 = vector.load %arg18[%swap3A_136, %swap3A_137] : memref<1024x384xf32, #tpu.memory_space<vmem>>, vector<1024x384xf32>
    tpu.vector_store %arg18[%swap3A_136, %swap3A_137], %concatenate3A_135 {strides = array<i32>} : memref<1024x384xf32, #tpu.memory_space<vmem>>, vector<1024x384xf32>,
    return
  }
  func.func @transform_0(%arg0: i32) -> (i32, i32) {
    %c0_i32 = arith.constant 0 : i32
    %c0_i32_0 = arith.constant 0 : i32
    return %arg0, %c0_i32 : i32, i32
  }
  func.func @transform_1(%arg0: i32) -> (i32, i32) {
    %c0_i32 = arith.constant 0 : i32
    %c0_i32_0 = arith.constant 0 : i32
    return %arg0, %c0_i32 : i32, i32
  }
  func.func @transform_2(%arg0: i32) -> (i32, i32) {
    %c0_i32 = arith.constant 0 : i32
    %c0_i32_0 = arith.constant 0 : i32
    %c0_i32_1 = arith.constant 0 : i32
    return %c0_i32, %c0_i32_0 : i32, i32
  }
  func.func @transform_3(%arg0: i32) -> (i32, i32) {
    %c0_i32 = arith.constant 0 : i32
    %c0_i32_0 = arith.constant 0 : i32
    %c0_i32_1 = arith.constant 0 : i32
    return %c0_i32, %c0_i32_0 : i32, i32
  }
  func.func @transform_4(%arg0: i32) -> (i32, i32) {
    %c0_i32 = arith.constant 0 : i32
    %c0_i32_0 = arith.constant 0 : i32
    %c0_i32_1 = arith.constant 0 : i32
    return %c0_i32, %c0_i32_0 : i32, i32
  }
  func.func @transform_5(%arg0: i32) -> (i32, i32) {
    %c0_i32 = arith.constant 0 : i32
    %c0_i32_0 = arith.constant 0 : i32
    %c0_i32_1 = arith.constant 0 : i32
    return %c0_i32, %c0_i32_0 : i32, i32
  }
  func.func @transform_6(%arg0: i32) -> (i32, i32) {
    %c0_i32 = arith.constant 0 : i32
    %c0_i32_0 = arith.constant 0 : i32
    %c0_i32_1 = arith.constant 0 : i32
    return %c0_i32, %c0_i32_0 : i32, i32
  }
  func.func @transform_7(%arg0: i32) -> (i32, i32) {
    %c0_i32 = arith.constant 0 : i32
    %c0_i32_0 = arith.constant 0 : i32
    %c0_i32_1 = arith.constant 0 : i32
    return %c0_i32, %c0_i32_0 : i32, i32
  }
  func.func @transform_8(%arg0: i32) -> (i32, i32) {
    %c0_i32 = arith.constant 0 : i32
    %c0_i32_0 = arith.constant 0 : i32
    %c0_i32_1 = arith.constant 0 : i32
    return %c0_i32, %c0_i32_0 : i32, i32
  }
  func.func @transform_9(%arg0: i32) -> (i32, i32) {
    %c0_i32 = arith.constant 0 : i32
    %c0_i32_0 = arith.constant 0 : i32
    %c0_i32_1 = arith.constant 0 : i32
    return %c0_i32, %c0_i32_0 : i32, i32
  }
  func.func @transform_10(%arg0: i32) -> (i32, i32) {
    %c0_i32 = arith.constant 0 : i32
    %c0_i32_0 = arith.constant 0 : i32
    %c0_i32_1 = arith.constant 0 : i32
    return %c0_i32, %c0_i32_0 : i32, i32
  }
  func.func @transform_11(%arg0: i32) -> (i32, i32) {
    %c0_i32 = arith.constant 0 : i32
    %c0_i32_0 = arith.constant 0 : i32
    %c0_i32_1 = arith.constant 0 : i32
    return %c0_i32, %c0_i32_0 : i32, i32
  }
  func.func @transform_12(%arg0: i32) -> (i32, i32) {
    %c0_i32 = arith.constant 0 : i32
    %c0_i32_0 = arith.constant 0 : i32
    %c0_i32_1 = arith.constant 0 : i32
    return %c0_i32, %c0_i32_0 : i32, i32
  }
  func.func @transform_13(%arg0: i32) -> (i32, i32) {
    %c0_i32 = arith.constant 0 : i32
    %c0_i32_0 = arith.constant 0 : i32
    %c0_i32_1 = arith.constant 0 : i32
    return %c0_i32, %c0_i32_0 : i32, i32
  }
  func.func @transform_14(%arg0: i32) -> (i32, i32) {
    %c0_i32 = arith.constant 0 : i32
    %c0_i32_0 = arith.constant 0 : i32
    return %arg0, %c0_i32 : i32, i32
  }
  func.func @transform_15(%arg0: i32) -> (i32, i32) {
    %c0_i32 = arith.constant 0 : i32
    %c0_i32_0 = arith.constant 0 : i32
    return %arg0, %c0_i32 : i32, i32
  }
  func.func @transform_16(%arg0: i32) -> (i32, i32) {
    %c0_i32 = arith.constant 0 : i32
    %c0_i32_0 = arith.constant 0 : i32
    return %arg0, %c0_i32 : i32, i32
  }
  func.func @transform_17(%arg0: i32) -> (i32, i32) {
    %c0_i32 = arith.constant 0 : i32
    %c0_i32_0 = arith.constant 0 : i32
    return %arg0, %c0_i32 : i32, i32
  }
}

module attributes {stable_mosaic.version = 14 : i64} {
  func.func @_k3_body(%arg0: i32, %arg1: memref<1024x512xf32, #tpu.memory_space<vmem>>, %arg2: memref<1024x512xf32, #tpu.memory_space<vmem>>, %arg3: memref<1x128xf32, #tpu.memory_space<vmem>>, %arg4: memref<1x128xf32, #tpu.memory_space<vmem>>, %arg5: memref<128x128xf32, #tpu.memory_space<vmem>>, %arg6: memref<1x128xf32, #tpu.memory_space<vmem>>, %arg7: memref<128x4xf32, #tpu.memory_space<vmem>>, %arg8: memref<1x4xf32, #tpu.memory_space<vmem>>, %arg9: memref<1x64xf32, #tpu.memory_space<vmem>>, %arg10: memref<1x64xf32, #tpu.memory_space<vmem>>, %arg11: memref<64x4xf32, #tpu.memory_space<vmem>>, %arg12: memref<1x4xf32, #tpu.memory_space<vmem>>, %arg13: memref<1024x128xf32, #tpu.memory_space<vmem>>, %arg14: memref<1024x128xf32, #tpu.memory_space<vmem>>) attributes {dimension_semantics = [#tpu.dimension_semantics<arbitrary>], iteration_bounds = array<i64: 320>, scalar_prefetch = 0 : i64, scratch_operands = 0 : i64, tpu.core_type = #tpu.core_type<tc>, window_params = [{transform_indices = @transform_0, window_bounds = array<i64: 1024, 512>}, {transform_indices = @transform_1, window_bounds = array<i64: 1024, 512>}, {pipeline_mode = #tpu.pipeline_mode<synchronous>, transform_indices = @transform_2, window_bounds = array<i64: 1, 128>}, {pipeline_mode = #tpu.pipeline_mode<synchronous>, transform_indices = @transform_3, window_bounds = array<i64: 1, 128>}, {pipeline_mode = #tpu.pipeline_mode<synchronous>, transform_indices = @transform_4, window_bounds = array<i64: 128, 128>}, {pipeline_mode = #tpu.pipeline_mode<synchronous>, transform_indices = @transform_5, window_bounds = array<i64: 1, 128>}, {pipeline_mode = #tpu.pipeline_mode<synchronous>, transform_indices = @transform_6, window_bounds = array<i64: 128, 4>}, {pipeline_mode = #tpu.pipeline_mode<synchronous>, transform_indices = @transform_7, window_bounds = array<i64: 1, 4>}, {pipeline_mode = #tpu.pipeline_mode<synchronous>, transform_indices = @transform_8, window_bounds = array<i64: 1, 64>}, {pipeline_mode = #tpu.pipeline_mode<synchronous>, transform_indices = @transform_9, window_bounds = array<i64: 1, 64>}, {pipeline_mode = #tpu.pipeline_mode<synchronous>, transform_indices = @transform_10, window_bounds = array<i64: 64, 4>}, {pipeline_mode = #tpu.pipeline_mode<synchronous>, transform_indices = @transform_11, window_bounds = array<i64: 1, 4>}, {transform_indices = @transform_12, window_bounds = array<i64: 1024, 128>}, {transform_indices = @transform_13, window_bounds = array<i64: 1024, 128>}]} {
    %get3A = arith.constant 0 : index
    %get3A_0 = arith.constant 0 : index
    %get3A_1 = vector.load %arg1[%get3A, %get3A_0] : memref<1024x512xf32, #tpu.memory_space<vmem>>, vector<1024x512xf32>
    %get3A_2 = arith.constant 0 : index
    %get3A_3 = arith.constant 0 : index
    %get3A_4 = vector.load %arg2[%get3A_2, %get3A_3] : memref<1024x512xf32, #tpu.memory_space<vmem>>, vector<1024x512xf32>
    %slice3A = vector.extract_strided_slice %get3A_1 {offsets = [0, 0], sizes = [1024, 256], strides = [1, 1]} : vector<1024x512xf32> to vector<1024x256xf32>
    %slice3A_5 = vector.extract_strided_slice %get3A_1 {offsets = [0, 256], sizes = [1024, 128], strides = [1, 1]} : vector<1024x512xf32> to vector<1024x128xf32>
    %slice3A_6 = vector.extract_strided_slice %get3A_1 {offsets = [0, 384], sizes = [1024, 3], strides = [1, 1]} : vector<1024x512xf32> to vector<1024x3xf32>
    %slice3A_7 = vector.extract_strided_slice %get3A_4 {offsets = [0, 0], sizes = [1024, 256], strides = [1, 1]} : vector<1024x512xf32> to vector<1024x256xf32>
    %slice3A_8 = vector.extract_strided_slice %get3A_4 {offsets = [0, 256], sizes = [1024, 128], strides = [1, 1]} : vector<1024x512xf32> to vector<1024x128xf32>
    %slice3A_9 = vector.extract_strided_slice %get3A_4 {offsets = [0, 384], sizes = [1024, 3], strides = [1, 1]} : vector<1024x512xf32> to vector<1024x3xf32>
    %sub3A = arith.subf %slice3A_6, %slice3A_9 : vector<1024x3xf32>
    %mul3A = arith.mulf %sub3A, %sub3A : vector<1024x3xf32>
    %reduce_sum3A = arith.constant dense<0.000000e+00> : vector<1024xf32>
    %reduce_sum3A_10 = vector.multi_reduction <add>, %mul3A, %reduce_sum3A [1] : vector<1024x3xf32> to vector<1024xf32>
    %broadcast_in_dim3A = vector.shape_cast %reduce_sum3A_10 : vector<1024xf32> to vector<1024x1xf32>
    %add3A = arith.addf %slice3A_5, %slice3A_8 : vector<1024x128xf32>
    %get3A_11 = arith.constant 0 : index
    %get3A_12 = arith.constant 0 : index
    %get3A_13 = vector.load %arg3[%get3A_11, %get3A_12] : memref<1x128xf32, #tpu.memory_space<vmem>>, vector<1x128xf32>
    %mul3A_14 = vector.broadcast %broadcast_in_dim3A : vector<1024x1xf32> to vector<1024x128xf32>
    %mul3A_15 = vector.broadcast %get3A_13 : vector<1x128xf32> to vector<1024x128xf32>
    %mul3A_16 = arith.mulf %mul3A_14, %mul3A_15 : vector<1024x128xf32>
    %add3A_17 = arith.addf %add3A, %mul3A_16 : vector<1024x128xf32>
    %get3A_18 = arith.constant 0 : index
    %get3A_19 = arith.constant 0 : index
    %get3A_20 = vector.load %arg4[%get3A_18, %get3A_19] : memref<1x128xf32, #tpu.memory_space<vmem>>, vector<1x128xf32>
    %add3A_21 = vector.broadcast %get3A_20 : vector<1x128xf32> to vector<1024x128xf32>
    %add3A_22 = arith.addf %add3A_17, %add3A_21 : vector<1024x128xf32>
    %neg3A = arith.constant 0.000000e+00 : f32
    %neg3A_23 = vector.broadcast %neg3A : f32 to vector<1024x128xf32>
    %neg3A_24 = arith.subf %neg3A_23, %add3A_22 : vector<1024x128xf32>
    %exp3A = math.exp %neg3A_24 : vector<1024x128xf32>
    %add3A_25 = arith.constant 1.000000e+00 : f32
    %add3A_26 = vector.broadcast %add3A_25 : f32 to vector<1024x128xf32>
    %add3A_27 = arith.addf %add3A_26, %exp3A : vector<1024x128xf32>
    %div3A = arith.constant 1.000000e+00 : f32
    %div3A_28 = vector.broadcast %div3A : f32 to vector<1024x128xf32>
    %div3A_29 = arith.divf %div3A_28, %add3A_27 : vector<1024x128xf32>
    %mul3A_30 = arith.mulf %add3A_22, %div3A_29 : vector<1024x128xf32>
    %get3A_31 = arith.constant 0 : index
    %get3A_32 = arith.constant 0 : index
    %get3A_33 = vector.load %arg5[%get3A_31, %get3A_32] : memref<128x128xf32, #tpu.memory_space<vmem>>, vector<128x128xf32>
    %dot_general3A = arith.constant dense<0.000000e+00> : vector<1024x128xf32>
    %dot_general3A_34 = tpu.matmul %mul3A_30, %get3A_33, %dot_general3A {dimension_numbers = #tpu.dot_dimension_numbers<[1], [0], [0], [1], [0, 0, 1, 1], [], []>, transpose_lhs_hint = false} : vector<1024x128xf32>, vector<128x128xf32>, vector<1024x128xf32> -> vector<1024x128xf32>
    %get3A_35 = arith.constant 0 : index
    %get3A_36 = arith.constant 0 : index
    %get3A_37 = vector.load %arg6[%get3A_35, %get3A_36] : memref<1x128xf32, #tpu.memory_space<vmem>>, vector<1x128xf32>
    %add3A_38 = vector.broadcast %get3A_37 : vector<1x128xf32> to vector<1024x128xf32>
    %add3A_39 = arith.addf %dot_general3A_34, %add3A_38 : vector<1024x128xf32>
    %get3A_40 = arith.constant 0 : index
    %get3A_41 = arith.constant 0 : index
    %get3A_42 = vector.load %arg7[%get3A_40, %get3A_41] : memref<128x4xf32, #tpu.memory_space<vmem>>, vector<128x4xf32>
    %dot_general3A_43 = arith.constant dense<0.000000e+00> : vector<1024x4xf32>
    %dot_general3A_44 = tpu.matmul %add3A_39, %get3A_42, %dot_general3A_43 {dimension_numbers = #tpu.dot_dimension_numbers<[1], [0], [0], [1], [0, 0, 1, 1], [], []>, transpose_lhs_hint = false} : vector<1024x128xf32>, vector<128x4xf32>, vector<1024x4xf32> -> vector<1024x4xf32>
    %get3A_45 = arith.constant 0 : index
    %get3A_46 = arith.constant 0 : index
    %get3A_47 = vector.load %arg8[%get3A_45, %get3A_46] : memref<1x4xf32, #tpu.memory_space<vmem>>, vector<1x4xf32>
    %add3A_48 = vector.broadcast %get3A_47 : vector<1x4xf32> to vector<1024x4xf32>
    %add3A_49 = arith.addf %dot_general3A_44, %add3A_48 : vector<1024x4xf32>
    %get3A_50 = arith.constant 0 : index
    %get3A_51 = arith.constant 0 : index
    %get3A_52 = vector.load %arg9[%get3A_50, %get3A_51] : memref<1x64xf32, #tpu.memory_space<vmem>>, vector<1x64xf32>
    %mul3A_53 = vector.broadcast %broadcast_in_dim3A : vector<1024x1xf32> to vector<1024x64xf32>
    %mul3A_54 = vector.broadcast %get3A_52 : vector<1x64xf32> to vector<1024x64xf32>
    %mul3A_55 = arith.mulf %mul3A_53, %mul3A_54 : vector<1024x64xf32>
    %get3A_56 = arith.constant 0 : index
    %get3A_57 = arith.constant 0 : index
    %get3A_58 = vector.load %arg10[%get3A_56, %get3A_57] : memref<1x64xf32, #tpu.memory_space<vmem>>, vector<1x64xf32>
    %add3A_59 = vector.broadcast %get3A_58 : vector<1x64xf32> to vector<1024x64xf32>
    %add3A_60 = arith.addf %mul3A_55, %add3A_59 : vector<1024x64xf32>
    %neg3A_61 = arith.constant 0.000000e+00 : f32
    %neg3A_62 = vector.broadcast %neg3A_61 : f32 to vector<1024x64xf32>
    %neg3A_63 = arith.subf %neg3A_62, %add3A_60 : vector<1024x64xf32>
    %exp3A_64 = math.exp %neg3A_63 : vector<1024x64xf32>
    %add3A_65 = arith.constant 1.000000e+00 : f32
    %add3A_66 = vector.broadcast %add3A_65 : f32 to vector<1024x64xf32>
    %add3A_67 = arith.addf %add3A_66, %exp3A_64 : vector<1024x64xf32>
    %div3A_68 = arith.constant 1.000000e+00 : f32
    %div3A_69 = vector.broadcast %div3A_68 : f32 to vector<1024x64xf32>
    %div3A_70 = arith.divf %div3A_69, %add3A_67 : vector<1024x64xf32>
    %mul3A_71 = arith.mulf %add3A_60, %div3A_70 : vector<1024x64xf32>
    %get3A_72 = arith.constant 0 : index
    %get3A_73 = arith.constant 0 : index
    %get3A_74 = vector.load %arg11[%get3A_72, %get3A_73] : memref<64x4xf32, #tpu.memory_space<vmem>>, vector<64x4xf32>
    %dot_general3A_75 = arith.constant dense<0.000000e+00> : vector<1024x4xf32>
    %dot_general3A_76 = tpu.matmul %mul3A_71, %get3A_74, %dot_general3A_75 {dimension_numbers = #tpu.dot_dimension_numbers<[1], [0], [0], [1], [0, 0, 1, 1], [], []>, transpose_lhs_hint = false} : vector<1024x64xf32>, vector<64x4xf32>, vector<1024x4xf32> -> vector<1024x4xf32>
    %get3A_77 = arith.constant 0 : index
    %get3A_78 = arith.constant 0 : index
    %get3A_79 = vector.load %arg12[%get3A_77, %get3A_78] : memref<1x4xf32, #tpu.memory_space<vmem>>, vector<1x4xf32>
    %add3A_80 = vector.broadcast %get3A_79 : vector<1x4xf32> to vector<1024x4xf32>
    %add3A_81 = arith.addf %dot_general3A_76, %add3A_80 : vector<1024x4xf32>
    %slice3A_82 = vector.extract_strided_slice %slice3A {offsets = [0, 0], sizes = [1024, 64], strides = [1, 1]} : vector<1024x256xf32> to vector<1024x64xf32>
    %slice3A_83 = vector.extract_strided_slice %slice3A_7 {offsets = [0, 0], sizes = [1024, 64], strides = [1, 1]} : vector<1024x256xf32> to vector<1024x64xf32>
    %mul3A_84 = arith.mulf %slice3A_82, %slice3A_83 : vector<1024x64xf32>
    %reduce_sum3A_85 = arith.constant dense<0.000000e+00> : vector<1024xf32>
    %reduce_sum3A_86 = vector.multi_reduction <add>, %mul3A_84, %reduce_sum3A_85 [1] : vector<1024x64xf32> to vector<1024xf32>
    %broadcast_in_dim3A_87 = vector.shape_cast %reduce_sum3A_86 : vector<1024xf32> to vector<1024x1xf32>
    %slice3A_88 = vector.extract_strided_slice %slice3A {offsets = [0, 64], sizes = [1024, 64], strides = [1, 1]} : vector<1024x256xf32> to vector<1024x64xf32>
    %slice3A_89 = vector.extract_strided_slice %slice3A_7 {offsets = [0, 64], sizes = [1024, 64], strides = [1, 1]} : vector<1024x256xf32> to vector<1024x64xf32>
    %mul3A_90 = arith.mulf %slice3A_88, %slice3A_89 : vector<1024x64xf32>
    %reduce_sum3A_91 = arith.constant dense<0.000000e+00> : vector<1024xf32>
    %reduce_sum3A_92 = vector.multi_reduction <add>, %mul3A_90, %reduce_sum3A_91 [1] : vector<1024x64xf32> to vector<1024xf32>
    %broadcast_in_dim3A_93 = vector.shape_cast %reduce_sum3A_92 : vector<1024xf32> to vector<1024x1xf32>
    %slice3A_94 = vector.extract_strided_slice %slice3A {offsets = [0, 128], sizes = [1024, 64], strides = [1, 1]} : vector<1024x256xf32> to vector<1024x64xf32>
    %slice3A_95 = vector.extract_strided_slice %slice3A_7 {offsets = [0, 128], sizes = [1024, 64], strides = [1, 1]} : vector<1024x256xf32> to vector<1024x64xf32>
    %mul3A_96 = arith.mulf %slice3A_94, %slice3A_95 : vector<1024x64xf32>
    %reduce_sum3A_97 = arith.constant dense<0.000000e+00> : vector<1024xf32>
    %reduce_sum3A_98 = vector.multi_reduction <add>, %mul3A_96, %reduce_sum3A_97 [1] : vector<1024x64xf32> to vector<1024xf32>
    %broadcast_in_dim3A_99 = vector.shape_cast %reduce_sum3A_98 : vector<1024xf32> to vector<1024x1xf32>
    %slice3A_100 = vector.extract_strided_slice %slice3A {offsets = [0, 192], sizes = [1024, 64], strides = [1, 1]} : vector<1024x256xf32> to vector<1024x64xf32>
    %slice3A_101 = vector.extract_strided_slice %slice3A_7 {offsets = [0, 192], sizes = [1024, 64], strides = [1, 1]} : vector<1024x256xf32> to vector<1024x64xf32>
    %mul3A_102 = arith.mulf %slice3A_100, %slice3A_101 : vector<1024x64xf32>
    %reduce_sum3A_103 = arith.constant dense<0.000000e+00> : vector<1024xf32>
    %reduce_sum3A_104 = vector.multi_reduction <add>, %mul3A_102, %reduce_sum3A_103 [1] : vector<1024x64xf32> to vector<1024xf32>
    %broadcast_in_dim3A_105 = vector.shape_cast %reduce_sum3A_104 : vector<1024xf32> to vector<1024x1xf32>
    %concatenate3A = tpu.concatenate %broadcast_in_dim3A_87, %broadcast_in_dim3A_93, %broadcast_in_dim3A_99, %broadcast_in_dim3A_105 in 1 : vector<1024x1xf32>, vector<1024x1xf32>, vector<1024x1xf32>, vector<1024x1xf32> -> vector<1024x4xf32>
    %add3A_106 = arith.addf %concatenate3A, %add3A_81 : vector<1024x4xf32>
    %add3A_107 = arith.addf %add3A_106, %add3A_49 : vector<1024x4xf32>
    %exp3A_108 = math.exp %add3A_107 : vector<1024x4xf32>
    %swap3A = arith.constant 0 : index
    %swap3A_109 = arith.constant 0 : index
    %swap3A_110 = vector.load %arg13[%swap3A, %swap3A_109] : memref<1024x128xf32, #tpu.memory_space<vmem>>, vector<1024x128xf32>
    tpu.vector_store %arg13[%swap3A, %swap3A_109], %add3A_39 {strides = array<i32>} : memref<1024x128xf32, #tpu.memory_space<vmem>>, vector<1024x128xf32>,
    %broadcast_in_dim3A_111 = arith.constant 0.000000e+00 : f32
    %broadcast_in_dim3A_112 = vector.broadcast %broadcast_in_dim3A_111 : f32 to vector<1024x118xf32>
    %concatenate3A_113 = tpu.concatenate %exp3A_108, %sub3A, %slice3A_9, %broadcast_in_dim3A_112 in 1 : vector<1024x4xf32>, vector<1024x3xf32>, vector<1024x3xf32>, vector<1024x118xf32> -> vector<1024x128xf32>
    %swap3A_114 = arith.constant 0 : index
    %swap3A_115 = arith.constant 0 : index
    %swap3A_116 = vector.load %arg14[%swap3A_114, %swap3A_115] : memref<1024x128xf32, #tpu.memory_space<vmem>>, vector<1024x128xf32>
    tpu.vector_store %arg14[%swap3A_114, %swap3A_115], %concatenate3A_113 {strides = array<i32>} : memref<1024x128xf32, #tpu.memory_space<vmem>>, vector<1024x128xf32>,
    return
  }
  func.func @transform_0(%arg0: i32) -> (i32, i32) {
    %c0_i32 = arith.constant 0 : i32
    %c0_i32_0 = arith.constant 0 : i32
    return %arg0, %c0_i32 : i32, i32
  }
  func.func @transform_1(%arg0: i32) -> (i32, i32) {
    %c0_i32 = arith.constant 0 : i32
    %c0_i32_0 = arith.constant 0 : i32
    return %arg0, %c0_i32 : i32, i32
  }
  func.func @transform_2(%arg0: i32) -> (i32, i32) {
    %c0_i32 = arith.constant 0 : i32
    %c0_i32_0 = arith.constant 0 : i32
    %c0_i32_1 = arith.constant 0 : i32
    return %c0_i32, %c0_i32_0 : i32, i32
  }
  func.func @transform_3(%arg0: i32) -> (i32, i32) {
    %c0_i32 = arith.constant 0 : i32
    %c0_i32_0 = arith.constant 0 : i32
    %c0_i32_1 = arith.constant 0 : i32
    return %c0_i32, %c0_i32_0 : i32, i32
  }
  func.func @transform_4(%arg0: i32) -> (i32, i32) {
    %c0_i32 = arith.constant 0 : i32
    %c0_i32_0 = arith.constant 0 : i32
    %c0_i32_1 = arith.constant 0 : i32
    return %c0_i32, %c0_i32_0 : i32, i32
  }
  func.func @transform_5(%arg0: i32) -> (i32, i32) {
    %c0_i32 = arith.constant 0 : i32
    %c0_i32_0 = arith.constant 0 : i32
    %c0_i32_1 = arith.constant 0 : i32
    return %c0_i32, %c0_i32_0 : i32, i32
  }
  func.func @transform_6(%arg0: i32) -> (i32, i32) {
    %c0_i32 = arith.constant 0 : i32
    %c0_i32_0 = arith.constant 0 : i32
    %c0_i32_1 = arith.constant 0 : i32
    return %c0_i32, %c0_i32_0 : i32, i32
  }
  func.func @transform_7(%arg0: i32) -> (i32, i32) {
    %c0_i32 = arith.constant 0 : i32
    %c0_i32_0 = arith.constant 0 : i32
    %c0_i32_1 = arith.constant 0 : i32
    return %c0_i32, %c0_i32_0 : i32, i32
  }
  func.func @transform_8(%arg0: i32) -> (i32, i32) {
    %c0_i32 = arith.constant 0 : i32
    %c0_i32_0 = arith.constant 0 : i32
    %c0_i32_1 = arith.constant 0 : i32
    return %c0_i32, %c0_i32_0 : i32, i32
  }
  func.func @transform_9(%arg0: i32) -> (i32, i32) {
    %c0_i32 = arith.constant 0 : i32
    %c0_i32_0 = arith.constant 0 : i32
    %c0_i32_1 = arith.constant 0 : i32
    return %c0_i32, %c0_i32_0 : i32, i32
  }
  func.func @transform_10(%arg0: i32) -> (i32, i32) {
    %c0_i32 = arith.constant 0 : i32
    %c0_i32_0 = arith.constant 0 : i32
    %c0_i32_1 = arith.constant 0 : i32
    return %c0_i32, %c0_i32_0 : i32, i32
  }
  func.func @transform_11(%arg0: i32) -> (i32, i32) {
    %c0_i32 = arith.constant 0 : i32
    %c0_i32_0 = arith.constant 0 : i32
    %c0_i32_1 = arith.constant 0 : i32
    return %c0_i32, %c0_i32_0 : i32, i32
  }
  func.func @transform_12(%arg0: i32) -> (i32, i32) {
    %c0_i32 = arith.constant 0 : i32
    %c0_i32_0 = arith.constant 0 : i32
    return %arg0, %c0_i32 : i32, i32
  }
  func.func @transform_13(%arg0: i32) -> (i32, i32) {
    %c0_i32 = arith.constant 0 : i32
    %c0_i32_0 = arith.constant 0 : i32
    return %arg0, %c0_i32 : i32, i32
  }
}

module attributes {stable_mosaic.version = 14 : i64} {
  func.func @_k45_body(%arg0: i32, %arg1: memref<1024x128xf32, #tpu.memory_space<vmem>>, %arg2: memref<1024x128xf32, #tpu.memory_space<vmem>>, %arg3: memref<1024x128xf32, #tpu.memory_space<vmem>>, %arg4: memref<1024x256xf32, #tpu.memory_space<vmem>>) attributes {dimension_semantics = [#tpu.dimension_semantics<arbitrary>], iteration_bounds = array<i64: 10>, scalar_prefetch = 0 : i64, scratch_operands = 0 : i64, tpu.core_type = #tpu.core_type<tc>, window_params = [{transform_indices = @transform_0, window_bounds = array<i64: 1024, 128>}, {transform_indices = @transform_1, window_bounds = array<i64: 1024, 128>}, {transform_indices = @transform_2, window_bounds = array<i64: 1024, 128>}, {transform_indices = @transform_3, window_bounds = array<i64: 1024, 256>}]} {
    %get3A = arith.constant 0 : index
    %get3A_0 = arith.constant 0 : index
    %get3A_1 = vector.load %arg1[%get3A, %get3A_0] : memref<1024x128xf32, #tpu.memory_space<vmem>>, vector<1024x128xf32>
    %get3A_2 = arith.constant 0 : index
    %get3A_3 = arith.constant 0 : index
    %get3A_4 = vector.load %arg2[%get3A_2, %get3A_3] : memref<1024x128xf32, #tpu.memory_space<vmem>>, vector<1024x128xf32>
    %get3A_5 = arith.constant 0 : index
    %get3A_6 = arith.constant 0 : index
    %get3A_7 = vector.load %arg3[%get3A_5, %get3A_6] : memref<1024x128xf32, #tpu.memory_space<vmem>>, vector<1024x128xf32>
    %add3A = arith.addf %get3A_4, %get3A_7 : vector<1024x128xf32>
    %concatenate3A = tpu.concatenate %get3A_1, %add3A in 1 : vector<1024x128xf32>, vector<1024x128xf32> -> vector<1024x256xf32>
    %swap3A = arith.constant 0 : index
    %swap3A_8 = arith.constant 0 : index
    %swap3A_9 = vector.load %arg4[%swap3A, %swap3A_8] : memref<1024x256xf32, #tpu.memory_space<vmem>>, vector<1024x256xf32>
    tpu.vector_store %arg4[%swap3A, %swap3A_8], %concatenate3A {strides = array<i32>} : memref<1024x256xf32, #tpu.memory_space<vmem>>, vector<1024x256xf32>,
    return
  }
  func.func @transform_0(%arg0: i32) -> (i32, i32) {
    %c0_i32 = arith.constant 0 : i32
    %c0_i32_0 = arith.constant 0 : i32
    return %arg0, %c0_i32 : i32, i32
  }
  func.func @transform_1(%arg0: i32) -> (i32, i32) {
    %c0_i32 = arith.constant 0 : i32
    %c0_i32_0 = arith.constant 0 : i32
    return %arg0, %c0_i32 : i32, i32
  }
  func.func @transform_2(%arg0: i32) -> (i32, i32) {
    %c0_i32 = arith.constant 0 : i32
    %c0_i32_0 = arith.constant 0 : i32
    return %arg0, %c0_i32 : i32, i32
  }
  func.func @transform_3(%arg0: i32) -> (i32, i32) {
    %c0_i32 = arith.constant 0 : i32
    %c0_i32_0 = arith.constant 0 : i32
    return %arg0, %c0_i32 : i32, i32
  }
}

module attributes {stable_mosaic.version = 14 : i64} {
  func.func @_k6_body(%arg0: i32, %arg1: memref<1024x256xf32, #tpu.memory_space<vmem>>, %arg2: memref<1024x384xf32, #tpu.memory_space<vmem>>, %arg3: memref<1024x128xf32, #tpu.memory_space<vmem>>, %arg4: memref<1024x128xf32, #tpu.memory_space<vmem>>, %arg5: memref<1024x128xf32, #tpu.memory_space<vmem>>, %arg6: memref<128x128xf32, #tpu.memory_space<vmem>>, %arg7: memref<1x128xf32, #tpu.memory_space<vmem>>, %arg8: memref<3x128xf32, #tpu.memory_space<vmem>>, %arg9: memref<1x128xf32, #tpu.memory_space<vmem>>, %arg10: memref<128x128xf32, #tpu.memory_space<vmem>>, %arg11: memref<1x128xf32, #tpu.memory_space<vmem>>, %arg12: memref<128x4xf32, #tpu.memory_space<vmem>>, %arg13: memref<1x4xf32, #tpu.memory_space<vmem>>, %arg14: memref<128x128xf32, #tpu.memory_space<vmem>>, %arg15: memref<1x128xf32, #tpu.memory_space<vmem>>, %arg16: memref<128x4xf32, #tpu.memory_space<vmem>>, %arg17: memref<1x4xf32, #tpu.memory_space<vmem>>, %arg18: memref<128x128xf32, #tpu.memory_space<vmem>>, %arg19: memref<1x128xf32, #tpu.memory_space<vmem>>, %arg20: memref<128x4xf32, #tpu.memory_space<vmem>>, %arg21: memref<1x4xf32, #tpu.memory_space<vmem>>, %arg22: memref<1x4xf32, #tpu.memory_space<vmem>>, %arg23: memref<1024x128xf32, #tpu.memory_space<vmem>>, %arg24: memref<1024x128xf32, #tpu.memory_space<vmem>>, %arg25: memref<1024x128xf32, #tpu.memory_space<vmem>>) attributes {dimension_semantics = [#tpu.dimension_semantics<arbitrary>], iteration_bounds = array<i64: 320>, scalar_prefetch = 0 : i64, scratch_operands = 0 : i64, tpu.core_type = #tpu.core_type<tc>, window_params = [{transform_indices = @transform_0, window_bounds = array<i64: 1024, 256>}, {transform_indices = @transform_1, window_bounds = array<i64: 1024, 384>}, {transform_indices = @transform_2, window_bounds = array<i64: 1024, 128>}, {transform_indices = @transform_3, window_bounds = array<i64: 1024, 128>}, {transform_indices = @transform_4, window_bounds = array<i64: 1024, 128>}, {pipeline_mode = #tpu.pipeline_mode<synchronous>, transform_indices = @transform_5, window_bounds = array<i64: 128, 128>}, {pipeline_mode = #tpu.pipeline_mode<synchronous>, transform_indices = @transform_6, window_bounds = array<i64: 1, 128>}, {pipeline_mode = #tpu.pipeline_mode<synchronous>, transform_indices = @transform_7, window_bounds = array<i64: 3, 128>}, {pipeline_mode = #tpu.pipeline_mode<synchronous>, transform_indices = @transform_8, window_bounds = array<i64: 1, 128>}, {pipeline_mode = #tpu.pipeline_mode<synchronous>, transform_indices = @transform_9, window_bounds = array<i64: 128, 128>}, {pipeline_mode = #tpu.pipeline_mode<synchronous>, transform_indices = @transform_10, window_bounds = array<i64: 1, 128>}, {pipeline_mode = #tpu.pipeline_mode<synchronous>, transform_indices = @transform_11, window_bounds = array<i64: 128, 4>}, {pipeline_mode = #tpu.pipeline_mode<synchronous>, transform_indices = @transform_12, window_bounds = array<i64: 1, 4>}, {pipeline_mode = #tpu.pipeline_mode<synchronous>, transform_indices = @transform_13, window_bounds = array<i64: 128, 128>}, {pipeline_mode = #tpu.pipeline_mode<synchronous>, transform_indices = @transform_14, window_bounds = array<i64: 1, 128>}, {pipeline_mode = #tpu.pipeline_mode<synchronous>, transform_indices = @transform_15, window_bounds = array<i64: 128, 4>}, {pipeline_mode = #tpu.pipeline_mode<synchronous>, transform_indices = @transform_16, window_bounds = array<i64: 1, 4>}, {pipeline_mode = #tpu.pipeline_mode<synchronous>, transform_indices = @transform_17, window_bounds = array<i64: 128, 128>}, {pipeline_mode = #tpu.pipeline_mode<synchronous>, transform_indices = @transform_18, window_bounds = array<i64: 1, 128>}, {pipeline_mode = #tpu.pipeline_mode<synchronous>, transform_indices = @transform_19, window_bounds = array<i64: 128, 4>}, {pipeline_mode = #tpu.pipeline_mode<synchronous>, transform_indices = @transform_20, window_bounds = array<i64: 1, 4>}, {pipeline_mode = #tpu.pipeline_mode<synchronous>, transform_indices = @transform_21, window_bounds = array<i64: 1, 4>}, {transform_indices = @transform_22, window_bounds = array<i64: 1024, 128>}, {transform_indices = @transform_23, window_bounds = array<i64: 1024, 128>}, {transform_indices = @transform_24, window_bounds = array<i64: 1024, 128>}]} {
    %get3A = arith.constant 0 : index
    %get3A_0 = arith.constant 0 : index
    %get3A_1 = vector.load %arg1[%get3A, %get3A_0] : memref<1024x256xf32, #tpu.memory_space<vmem>>, vector<1024x256xf32>
    %slice3A = vector.extract_strided_slice %get3A_1 {offsets = [0, 0], sizes = [1024, 128], strides = [1, 1]} : vector<1024x256xf32> to vector<1024x128xf32>
    %slice3A_2 = vector.extract_strided_slice %get3A_1 {offsets = [0, 128], sizes = [1024, 4], strides = [1, 1]} : vector<1024x256xf32> to vector<1024x4xf32>
    %get3A_3 = arith.constant 0 : index
    %get3A_4 = arith.constant 0 : index
    %get3A_5 = vector.load %arg4[%get3A_3, %get3A_4] : memref<1024x128xf32, #tpu.memory_space<vmem>>, vector<1024x128xf32>
    %slice3A_6 = vector.extract_strided_slice %get3A_5 {offsets = [0, 0], sizes = [1024, 4], strides = [1, 1]} : vector<1024x128xf32> to vector<1024x4xf32>
    %slice3A_7 = vector.extract_strided_slice %get3A_5 {offsets = [0, 4], sizes = [1024, 3], strides = [1, 1]} : vector<1024x128xf32> to vector<1024x3xf32>
    %slice3A_8 = vector.extract_strided_slice %get3A_5 {offsets = [0, 7], sizes = [1024, 3], strides = [1, 1]} : vector<1024x128xf32> to vector<1024x3xf32>
    %add3A = arith.constant 9.99999993E-9 : f32
    %add3A_9 = vector.broadcast %add3A : f32 to vector<1024x4xf32>
    %add3A_10 = arith.addf %slice3A_2, %add3A_9 : vector<1024x4xf32>
    %div3A = arith.divf %slice3A_6, %add3A_10 : vector<1024x4xf32>
    %reduce_sum3A = arith.constant dense<0.000000e+00> : vector<1024xf32>
    %reduce_sum3A_11 = vector.multi_reduction <add>, %div3A, %reduce_sum3A [1] : vector<1024x4xf32> to vector<1024xf32>
    %broadcast_in_dim3A = vector.shape_cast %reduce_sum3A_11 : vector<1024xf32> to vector<1024x1xf32>
    %mul3A = arith.constant 2.500000e-01 : f32
    %mul3A_12 = vector.broadcast %mul3A : f32 to vector<1024x1xf32>
    %mul3A_13 = arith.mulf %broadcast_in_dim3A, %mul3A_12 : vector<1024x1xf32>
    %get3A_14 = arith.constant 0 : index
    %get3A_15 = arith.constant 0 : index
    %get3A_16 = vector.load %arg5[%get3A_14, %get3A_15] : memref<1024x128xf32, #tpu.memory_space<vmem>>, vector<1024x128xf32>
    %eq3A = arith.constant 0 : i32
    %eq3A_17 = arith.cmpi eq, %arg0, %eq3A : i32
    %slice3A_18 = vector.extract_strided_slice %get3A_16 {offsets = [511, 4], sizes = [1, 3], strides = [1, 1]} : vector<1024x128xf32> to vector<1x3xf32>
    %slice3A_19 = vector.extract_strided_slice %get3A_16 {offsets = [1023, 4], sizes = [1, 3], strides = [1, 1]} : vector<1024x128xf32> to vector<1x3xf32>
    %select_n3A = arith.select %eq3A_17, %slice3A_18, %slice3A_19 : vector<1x3xf32>
    %slice3A_20 = vector.extract_strided_slice %slice3A_7 {offsets = [0, 0], sizes = [1023, 3], strides = [1, 1]} : vector<1024x3xf32> to vector<1023x3xf32>
    %concatenate3A = tpu.concatenate %select_n3A, %slice3A_20 in 0 : vector<1x3xf32>, vector<1023x3xf32> -> vector<1024x3xf32>
    %slice3A_21 = vector.extract_strided_slice %slice3A_7 {offsets = [0, 1], sizes = [1024, 1], strides = [1, 1]} : vector<1024x3xf32> to vector<1024x1xf32>
    %slice3A_22 = vector.extract_strided_slice %concatenate3A {offsets = [0, 2], sizes = [1024, 1], strides = [1, 1]} : vector<1024x3xf32> to vector<1024x1xf32>
    %mul3A_23 = arith.mulf %slice3A_21, %slice3A_22 : vector<1024x1xf32>
    %slice3A_24 = vector.extract_strided_slice %slice3A_7 {offsets = [0, 2], sizes = [1024, 1], strides = [1, 1]} : vector<1024x3xf32> to vector<1024x1xf32>
    %slice3A_25 = vector.extract_strided_slice %concatenate3A {offsets = [0, 1], sizes = [1024, 1], strides = [1, 1]} : vector<1024x3xf32> to vector<1024x1xf32>
    %mul3A_26 = arith.mulf %slice3A_24, %slice3A_25 : vector<1024x1xf32>
    %sub3A = arith.subf %mul3A_23, %mul3A_26 : vector<1024x1xf32>
    %slice3A_27 = vector.extract_strided_slice %slice3A_7 {offsets = [0, 2], sizes = [1024, 1], strides = [1, 1]} : vector<1024x3xf32> to vector<1024x1xf32>
    %slice3A_28 = vector.extract_strided_slice %concatenate3A {offsets = [0, 0], sizes = [1024, 1], strides = [1, 1]} : vector<1024x3xf32> to vector<1024x1xf32>
    %mul3A_29 = arith.mulf %slice3A_27, %slice3A_28 : vector<1024x1xf32>
    %slice3A_30 = vector.extract_strided_slice %slice3A_7 {offsets = [0, 0], sizes = [1024, 1], strides = [1, 1]} : vector<1024x3xf32> to vector<1024x1xf32>
    %slice3A_31 = vector.extract_strided_slice %concatenate3A {offsets = [0, 2], sizes = [1024, 1], strides = [1, 1]} : vector<1024x3xf32> to vector<1024x1xf32>
    %mul3A_32 = arith.mulf %slice3A_30, %slice3A_31 : vector<1024x1xf32>
    %sub3A_33 = arith.subf %mul3A_29, %mul3A_32 : vector<1024x1xf32>
    %slice3A_34 = vector.extract_strided_slice %slice3A_7 {offsets = [0, 0], sizes = [1024, 1], strides = [1, 1]} : vector<1024x3xf32> to vector<1024x1xf32>
    %slice3A_35 = vector.extract_strided_slice %concatenate3A {offsets = [0, 1], sizes = [1024, 1], strides = [1, 1]} : vector<1024x3xf32> to vector<1024x1xf32>
    %mul3A_36 = arith.mulf %slice3A_34, %slice3A_35 : vector<1024x1xf32>
    %slice3A_37 = vector.extract_strided_slice %slice3A_7 {offsets = [0, 1], sizes = [1024, 1], strides = [1, 1]} : vector<1024x3xf32> to vector<1024x1xf32>
    %slice3A_38 = vector.extract_strided_slice %concatenate3A {offsets = [0, 0], sizes = [1024, 1], strides = [1, 1]} : vector<1024x3xf32> to vector<1024x1xf32>
    %mul3A_39 = arith.mulf %slice3A_37, %slice3A_38 : vector<1024x1xf32>
    %sub3A_40 = arith.subf %mul3A_36, %mul3A_39 : vector<1024x1xf32>
    %concatenate3A_41 = tpu.concatenate %sub3A, %sub3A_33, %sub3A_40 in 1 : vector<1024x1xf32>, vector<1024x1xf32>, vector<1024x1xf32> -> vector<1024x3xf32>
    %get3A_42 = arith.constant 0 : index
    %get3A_43 = arith.constant 0 : index
    %get3A_44 = vector.load %arg2[%get3A_42, %get3A_43] : memref<1024x384xf32, #tpu.memory_space<vmem>>, vector<1024x384xf32>
    %slice3A_45 = vector.extract_strided_slice %get3A_44 {offsets = [0, 0], sizes = [1024, 256], strides = [1, 1]} : vector<1024x384xf32> to vector<1024x256xf32>
    %slice3A_46 = vector.extract_strided_slice %get3A_44 {offsets = [0, 256], sizes = [1024, 128], strides = [1, 1]} : vector<1024x384xf32> to vector<1024x128xf32>
    %get3A_47 = arith.constant 0 : index
    %get3A_48 = arith.constant 0 : index
    %get3A_49 = vector.load %arg3[%get3A_47, %get3A_48] : memref<1024x128xf32, #tpu.memory_space<vmem>>, vector<1024x128xf32>
    %get3A_50 = arith.constant 0 : index
    %get3A_51 = arith.constant 0 : index
    %get3A_52 = vector.load %arg6[%get3A_50, %get3A_51] : memref<128x128xf32, #tpu.memory_space<vmem>>, vector<128x128xf32>
    %dot_general3A = arith.constant dense<0.000000e+00> : vector<1024x128xf32>
    %dot_general3A_53 = tpu.matmul %get3A_49, %get3A_52, %dot_general3A {dimension_numbers = #tpu.dot_dimension_numbers<[1], [0], [0], [1], [0, 0, 1, 1], [], []>, transpose_lhs_hint = false} : vector<1024x128xf32>, vector<128x128xf32>, vector<1024x128xf32> -> vector<1024x128xf32>
    %get3A_54 = arith.constant 0 : index
    %get3A_55 = arith.constant 0 : index
    %get3A_56 = vector.load %arg7[%get3A_54, %get3A_55] : memref<1x128xf32, #tpu.memory_space<vmem>>, vector<1x128xf32>
    %mul3A_57 = vector.broadcast %mul3A_13 : vector<1024x1xf32> to vector<1024x128xf32>
    %mul3A_58 = vector.broadcast %get3A_56 : vector<1x128xf32> to vector<1024x128xf32>
    %mul3A_59 = arith.mulf %mul3A_57, %mul3A_58 : vector<1024x128xf32>
    %add3A_60 = arith.addf %dot_general3A_53, %mul3A_59 : vector<1024x128xf32>
    %get3A_61 = arith.constant 0 : index
    %get3A_62 = arith.constant 0 : index
    %get3A_63 = vector.load %arg8[%get3A_61, %get3A_62] : memref<3x128xf32, #tpu.memory_space<vmem>>, vector<3x128xf32>
    %slice3A_64 = vector.extract_strided_slice %slice3A_7 {offsets = [0, 0], sizes = [1024, 1], strides = [1, 1]} : vector<1024x3xf32> to vector<1024x1xf32>
    %slice3A_65 = vector.extract_strided_slice %get3A_63 {offsets = [0, 0], sizes = [1, 128], strides = [1, 1]} : vector<3x128xf32> to vector<1x128xf32>
    %mul3A_66 = vector.broadcast %slice3A_64 : vector<1024x1xf32> to vector<1024x128xf32>
    %mul3A_67 = vector.broadcast %slice3A_65 : vector<1x128xf32> to vector<1024x128xf32>
    %mul3A_68 = arith.mulf %mul3A_66, %mul3A_67 : vector<1024x128xf32>
    %slice3A_69 = vector.extract_strided_slice %slice3A_7 {offsets = [0, 1], sizes = [1024, 1], strides = [1, 1]} : vector<1024x3xf32> to vector<1024x1xf32>
    %slice3A_70 = vector.extract_strided_slice %get3A_63 {offsets = [1, 0], sizes = [1, 128], strides = [1, 1]} : vector<3x128xf32> to vector<1x128xf32>
    %mul3A_71 = vector.broadcast %slice3A_69 : vector<1024x1xf32> to vector<1024x128xf32>
    %mul3A_72 = vector.broadcast %slice3A_70 : vector<1x128xf32> to vector<1024x128xf32>
    %mul3A_73 = arith.mulf %mul3A_71, %mul3A_72 : vector<1024x128xf32>
    %add3A_74 = arith.addf %mul3A_68, %mul3A_73 : vector<1024x128xf32>
    %slice3A_75 = vector.extract_strided_slice %slice3A_7 {offsets = [0, 2], sizes = [1024, 1], strides = [1, 1]} : vector<1024x3xf32> to vector<1024x1xf32>
    %slice3A_76 = vector.extract_strided_slice %get3A_63 {offsets = [2, 0], sizes = [1, 128], strides = [1, 1]} : vector<3x128xf32> to vector<1x128xf32>
    %mul3A_77 = vector.broadcast %slice3A_75 : vector<1024x1xf32> to vector<1024x128xf32>
    %mul3A_78 = vector.broadcast %slice3A_76 : vector<1x128xf32> to vector<1024x128xf32>
    %mul3A_79 = arith.mulf %mul3A_77, %mul3A_78 : vector<1024x128xf32>
    %add3A_80 = arith.addf %add3A_74, %mul3A_79 : vector<1024x128xf32>
    %add3A_81 = arith.addf %add3A_60, %add3A_80 : vector<1024x128xf32>
    %add3A_82 = arith.addf %add3A_81, %slice3A : vector<1024x128xf32>
    %add3A_83 = arith.addf %add3A_82, %slice3A_46 : vector<1024x128xf32>
    %get3A_84 = arith.constant 0 : index
    %get3A_85 = arith.constant 0 : index
    %get3A_86 = vector.load %arg9[%get3A_84, %get3A_85] : memref<1x128xf32, #tpu.memory_space<vmem>>, vector<1x128xf32>
    %add3A_87 = vector.broadcast %get3A_86 : vector<1x128xf32> to vector<1024x128xf32>
    %add3A_88 = arith.addf %add3A_83, %add3A_87 : vector<1024x128xf32>
    %neg3A = arith.constant 0.000000e+00 : f32
    %neg3A_89 = vector.broadcast %neg3A : f32 to vector<1024x128xf32>
    %neg3A_90 = arith.subf %neg3A_89, %add3A_88 : vector<1024x128xf32>
    %exp3A = math.exp %neg3A_90 : vector<1024x128xf32>
    %add3A_91 = arith.constant 1.000000e+00 : f32
    %add3A_92 = vector.broadcast %add3A_91 : f32 to vector<1024x128xf32>
    %add3A_93 = arith.addf %add3A_92, %exp3A : vector<1024x128xf32>
    %div3A_94 = arith.constant 1.000000e+00 : f32
    %div3A_95 = vector.broadcast %div3A_94 : f32 to vector<1024x128xf32>
    %div3A_96 = arith.divf %div3A_95, %add3A_93 : vector<1024x128xf32>
    %mul3A_97 = arith.mulf %add3A_88, %div3A_96 : vector<1024x128xf32>
    %get3A_98 = arith.constant 0 : index
    %get3A_99 = arith.constant 0 : index
    %get3A_100 = vector.load %arg10[%get3A_98, %get3A_99] : memref<128x128xf32, #tpu.memory_space<vmem>>, vector<128x128xf32>
    %dot_general3A_101 = arith.constant dense<0.000000e+00> : vector<1024x128xf32>
    %dot_general3A_102 = tpu.matmul %mul3A_97, %get3A_100, %dot_general3A_101 {dimension_numbers = #tpu.dot_dimension_numbers<[1], [0], [0], [1], [0, 0, 1, 1], [], []>, transpose_lhs_hint = false} : vector<1024x128xf32>, vector<128x128xf32>, vector<1024x128xf32> -> vector<1024x128xf32>
    %get3A_103 = arith.constant 0 : index
    %get3A_104 = arith.constant 0 : index
    %get3A_105 = vector.load %arg11[%get3A_103, %get3A_104] : memref<1x128xf32, #tpu.memory_space<vmem>>, vector<1x128xf32>
    %add3A_106 = vector.broadcast %get3A_105 : vector<1x128xf32> to vector<1024x128xf32>
    %add3A_107 = arith.addf %dot_general3A_102, %add3A_106 : vector<1024x128xf32>
    %get3A_108 = arith.constant 0 : index
    %get3A_109 = arith.constant 0 : index
    %get3A_110 = vector.load %arg12[%get3A_108, %get3A_109] : memref<128x4xf32, #tpu.memory_space<vmem>>, vector<128x4xf32>
    %dot_general3A_111 = arith.constant dense<0.000000e+00> : vector<1024x4xf32>
    %dot_general3A_112 = tpu.matmul %add3A_107, %get3A_110, %dot_general3A_111 {dimension_numbers = #tpu.dot_dimension_numbers<[1], [0], [0], [1], [0, 0, 1, 1], [], []>, transpose_lhs_hint = false} : vector<1024x128xf32>, vector<128x4xf32>, vector<1024x4xf32> -> vector<1024x4xf32>
    %get3A_113 = arith.constant 0 : index
    %get3A_114 = arith.constant 0 : index
    %get3A_115 = vector.load %arg13[%get3A_113, %get3A_114] : memref<1x4xf32, #tpu.memory_space<vmem>>, vector<1x4xf32>
    %add3A_116 = vector.broadcast %get3A_115 : vector<1x4xf32> to vector<1024x4xf32>
    %add3A_117 = arith.addf %dot_general3A_112, %add3A_116 : vector<1024x4xf32>
    %neg3A_118 = arith.constant 0.000000e+00 : f32
    %neg3A_119 = vector.broadcast %neg3A_118 : f32 to vector<1024x4xf32>
    %neg3A_120 = arith.subf %neg3A_119, %add3A_117 : vector<1024x4xf32>
    %exp3A_121 = math.exp %neg3A_120 : vector<1024x4xf32>
    %add3A_122 = arith.constant 1.000000e+00 : f32
    %add3A_123 = vector.broadcast %add3A_122 : f32 to vector<1024x4xf32>
    %add3A_124 = arith.addf %add3A_123, %exp3A_121 : vector<1024x4xf32>
    %div3A_125 = arith.constant 1.000000e+00 : f32
    %div3A_126 = vector.broadcast %div3A_125 : f32 to vector<1024x4xf32>
    %div3A_127 = arith.divf %div3A_126, %add3A_124 : vector<1024x4xf32>
    %get3A_128 = arith.constant 0 : index
    %get3A_129 = arith.constant 0 : index
    %get3A_130 = vector.load %arg14[%get3A_128, %get3A_129] : memref<128x128xf32, #tpu.memory_space<vmem>>, vector<128x128xf32>
    %dot_general3A_131 = arith.constant dense<0.000000e+00> : vector<1024x128xf32>
    %dot_general3A_132 = tpu.matmul %add3A_107, %get3A_130, %dot_general3A_131 {dimension_numbers = #tpu.dot_dimension_numbers<[1], [0], [0], [1], [0, 0, 1, 1], [], []>, transpose_lhs_hint = false} : vector<1024x128xf32>, vector<128x128xf32>, vector<1024x128xf32> -> vector<1024x128xf32>
    %get3A_133 = arith.constant 0 : index
    %get3A_134 = arith.constant 0 : index
    %get3A_135 = vector.load %arg15[%get3A_133, %get3A_134] : memref<1x128xf32, #tpu.memory_space<vmem>>, vector<1x128xf32>
    %add3A_136 = vector.broadcast %get3A_135 : vector<1x128xf32> to vector<1024x128xf32>
    %add3A_137 = arith.addf %dot_general3A_132, %add3A_136 : vector<1024x128xf32>
    %neg3A_138 = arith.constant 0.000000e+00 : f32
    %neg3A_139 = vector.broadcast %neg3A_138 : f32 to vector<1024x128xf32>
    %neg3A_140 = arith.subf %neg3A_139, %add3A_137 : vector<1024x128xf32>
    %exp3A_141 = math.exp %neg3A_140 : vector<1024x128xf32>
    %add3A_142 = arith.constant 1.000000e+00 : f32
    %add3A_143 = vector.broadcast %add3A_142 : f32 to vector<1024x128xf32>
    %add3A_144 = arith.addf %add3A_143, %exp3A_141 : vector<1024x128xf32>
    %div3A_145 = arith.constant 1.000000e+00 : f32
    %div3A_146 = vector.broadcast %div3A_145 : f32 to vector<1024x128xf32>
    %div3A_147 = arith.divf %div3A_146, %add3A_144 : vector<1024x128xf32>
    %mul3A_148 = arith.mulf %add3A_137, %div3A_147 : vector<1024x128xf32>
    %get3A_149 = arith.constant 0 : index
    %get3A_150 = arith.constant 0 : index
    %get3A_151 = vector.load %arg16[%get3A_149, %get3A_150] : memref<128x4xf32, #tpu.memory_space<vmem>>, vector<128x4xf32>
    %dot_general3A_152 = arith.constant dense<0.000000e+00> : vector<1024x4xf32>
    %dot_general3A_153 = tpu.matmul %mul3A_148, %get3A_151, %dot_general3A_152 {dimension_numbers = #tpu.dot_dimension_numbers<[1], [0], [0], [1], [0, 0, 1, 1], [], []>, transpose_lhs_hint = false} : vector<1024x128xf32>, vector<128x4xf32>, vector<1024x4xf32> -> vector<1024x4xf32>
    %get3A_154 = arith.constant 0 : index
    %get3A_155 = arith.constant 0 : index
    %get3A_156 = vector.load %arg17[%get3A_154, %get3A_155] : memref<1x4xf32, #tpu.memory_space<vmem>>, vector<1x4xf32>
    %add3A_157 = vector.broadcast %get3A_156 : vector<1x4xf32> to vector<1024x4xf32>
    %add3A_158 = arith.addf %dot_general3A_153, %add3A_157 : vector<1024x4xf32>
    %mul3A_159 = arith.mulf %div3A_127, %add3A_158 : vector<1024x4xf32>
    %get3A_160 = arith.constant 0 : index
    %get3A_161 = arith.constant 0 : index
    %get3A_162 = vector.load %arg22[%get3A_160, %get3A_161] : memref<1x4xf32, #tpu.memory_space<vmem>>, vector<1x4xf32>
    %mul3A_163 = vector.broadcast %get3A_162 : vector<1x4xf32> to vector<1024x4xf32>
    %mul3A_164 = arith.mulf %mul3A_159, %mul3A_163 : vector<1024x4xf32>
    %reduce_sum3A_165 = arith.constant dense<0.000000e+00> : vector<1024xf32>
    %reduce_sum3A_166 = vector.multi_reduction <add>, %mul3A_164, %reduce_sum3A_165 [1] : vector<1024x4xf32> to vector<1024xf32>
    %broadcast_in_dim3A_167 = vector.shape_cast %reduce_sum3A_166 : vector<1024xf32> to vector<1024x1xf32>
    %get3A_168 = arith.constant 0 : index
    %get3A_169 = arith.constant 0 : index
    %get3A_170 = vector.load %arg18[%get3A_168, %get3A_169] : memref<128x128xf32, #tpu.memory_space<vmem>>, vector<128x128xf32>
    %dot_general3A_171 = arith.constant dense<0.000000e+00> : vector<1024x128xf32>
    %dot_general3A_172 = tpu.matmul %add3A_107, %get3A_170, %dot_general3A_171 {dimension_numbers = #tpu.dot_dimension_numbers<[1], [0], [0], [1], [0, 0, 1, 1], [], []>, transpose_lhs_hint = false} : vector<1024x128xf32>, vector<128x128xf32>, vector<1024x128xf32> -> vector<1024x128xf32>
    %get3A_173 = arith.constant 0 : index
    %get3A_174 = arith.constant 0 : index
    %get3A_175 = vector.load %arg19[%get3A_173, %get3A_174] : memref<1x128xf32, #tpu.memory_space<vmem>>, vector<1x128xf32>
    %add3A_176 = vector.broadcast %get3A_175 : vector<1x128xf32> to vector<1024x128xf32>
    %add3A_177 = arith.addf %dot_general3A_172, %add3A_176 : vector<1024x128xf32>
    %neg3A_178 = arith.constant 0.000000e+00 : f32
    %neg3A_179 = vector.broadcast %neg3A_178 : f32 to vector<1024x128xf32>
    %neg3A_180 = arith.subf %neg3A_179, %add3A_177 : vector<1024x128xf32>
    %exp3A_181 = math.exp %neg3A_180 : vector<1024x128xf32>
    %add3A_182 = arith.constant 1.000000e+00 : f32
    %add3A_183 = vector.broadcast %add3A_182 : f32 to vector<1024x128xf32>
    %add3A_184 = arith.addf %add3A_183, %exp3A_181 : vector<1024x128xf32>
    %div3A_185 = arith.constant 1.000000e+00 : f32
    %div3A_186 = vector.broadcast %div3A_185 : f32 to vector<1024x128xf32>
    %div3A_187 = arith.divf %div3A_186, %add3A_184 : vector<1024x128xf32>
    %mul3A_188 = arith.mulf %add3A_177, %div3A_187 : vector<1024x128xf32>
    %get3A_189 = arith.constant 0 : index
    %get3A_190 = arith.constant 0 : index
    %get3A_191 = vector.load %arg20[%get3A_189, %get3A_190] : memref<128x4xf32, #tpu.memory_space<vmem>>, vector<128x4xf32>
    %dot_general3A_192 = arith.constant dense<0.000000e+00> : vector<1024x4xf32>
    %dot_general3A_193 = tpu.matmul %mul3A_188, %get3A_191, %dot_general3A_192 {dimension_numbers = #tpu.dot_dimension_numbers<[1], [0], [0], [1], [0, 0, 1, 1], [], []>, transpose_lhs_hint = false} : vector<1024x128xf32>, vector<128x4xf32>, vector<1024x4xf32> -> vector<1024x4xf32>
    %get3A_194 = arith.constant 0 : index
    %get3A_195 = arith.constant 0 : index
    %get3A_196 = vector.load %arg21[%get3A_194, %get3A_195] : memref<1x4xf32, #tpu.memory_space<vmem>>, vector<1x4xf32>
    %add3A_197 = vector.broadcast %get3A_196 : vector<1x4xf32> to vector<1024x4xf32>
    %add3A_198 = arith.addf %dot_general3A_193, %add3A_197 : vector<1024x4xf32>
    %reduce_sum3A_199 = arith.constant dense<0.000000e+00> : vector<1024xf32>
    %reduce_sum3A_200 = vector.multi_reduction <add>, %add3A_198, %reduce_sum3A_199 [1] : vector<1024x4xf32> to vector<1024xf32>
    %broadcast_in_dim3A_201 = vector.shape_cast %reduce_sum3A_200 : vector<1024xf32> to vector<1024x1xf32>
    %mul3A_202 = arith.constant 0.899999976 : f32
    %mul3A_203 = vector.broadcast %mul3A_202 : f32 to vector<1024x3xf32>
    %mul3A_204 = arith.mulf %mul3A_203, %slice3A_7 : vector<1024x3xf32>
    %mul3A_205 = arith.constant 1.000000e-01 : f32
    %mul3A_206 = vector.broadcast %mul3A_205 : f32 to vector<1024x3xf32>
    %mul3A_207 = arith.mulf %mul3A_206, %slice3A_8 : vector<1024x3xf32>
    %add3A_208 = arith.addf %mul3A_204, %mul3A_207 : vector<1024x3xf32>
    %mul3A_209 = vector.broadcast %broadcast_in_dim3A_167 : vector<1024x1xf32> to vector<1024x3xf32>
    %mul3A_210 = arith.mulf %mul3A_209, %add3A_208 : vector<1024x3xf32>
    %mul3A_211 = vector.broadcast %broadcast_in_dim3A_201 : vector<1024x1xf32> to vector<1024x3xf32>
    %mul3A_212 = arith.mulf %mul3A_211, %concatenate3A_41 : vector<1024x3xf32>
    %add3A_213 = arith.addf %mul3A_210, %mul3A_212 : vector<1024x3xf32>
    %slice3A_214 = vector.extract_strided_slice %div3A {offsets = [0, 0], sizes = [1024, 1], strides = [1, 1]} : vector<1024x4xf32> to vector<1024x1xf32>
    %slice3A_215 = vector.extract_strided_slice %slice3A_45 {offsets = [0, 0], sizes = [1024, 64], strides = [1, 1]} : vector<1024x256xf32> to vector<1024x64xf32>
    %mul3A_216 = vector.broadcast %slice3A_214 : vector<1024x1xf32> to vector<1024x64xf32>
    %mul3A_217 = arith.mulf %mul3A_216, %slice3A_215 : vector<1024x64xf32>
    %slice3A_218 = vector.extract_strided_slice %div3A {offsets = [0, 1], sizes = [1024, 1], strides = [1, 1]} : vector<1024x4xf32> to vector<1024x1xf32>
    %slice3A_219 = vector.extract_strided_slice %slice3A_45 {offsets = [0, 64], sizes = [1024, 64], strides = [1, 1]} : vector<1024x256xf32> to vector<1024x64xf32>
    %mul3A_220 = vector.broadcast %slice3A_218 : vector<1024x1xf32> to vector<1024x64xf32>
    %mul3A_221 = arith.mulf %mul3A_220, %slice3A_219 : vector<1024x64xf32>
    %concatenate3A_222 = tpu.concatenate %mul3A_217, %mul3A_221 in 1 : vector<1024x64xf32>, vector<1024x64xf32> -> vector<1024x128xf32>
    %swap3A = arith.constant 0 : index
    %swap3A_223 = arith.constant 0 : index
    %swap3A_224 = vector.load %arg23[%swap3A, %swap3A_223] : memref<1024x128xf32, #tpu.memory_space<vmem>>, vector<1024x128xf32>
    tpu.vector_store %arg23[%swap3A, %swap3A_223], %concatenate3A_222 {strides = array<i32>} : memref<1024x128xf32, #tpu.memory_space<vmem>>, vector<1024x128xf32>,
    %slice3A_225 = vector.extract_strided_slice %div3A {offsets = [0, 2], sizes = [1024, 1], strides = [1, 1]} : vector<1024x4xf32> to vector<1024x1xf32>
    %slice3A_226 = vector.extract_strided_slice %slice3A_45 {offsets = [0, 128], sizes = [1024, 64], strides = [1, 1]} : vector<1024x256xf32> to vector<1024x64xf32>
    %mul3A_227 = vector.broadcast %slice3A_225 : vector<1024x1xf32> to vector<1024x64xf32>
    %mul3A_228 = arith.mulf %mul3A_227, %slice3A_226 : vector<1024x64xf32>
    %slice3A_229 = vector.extract_strided_slice %div3A {offsets = [0, 3], sizes = [1024, 1], strides = [1, 1]} : vector<1024x4xf32> to vector<1024x1xf32>
    %slice3A_230 = vector.extract_strided_slice %slice3A_45 {offsets = [0, 192], sizes = [1024, 64], strides = [1, 1]} : vector<1024x256xf32> to vector<1024x64xf32>
    %mul3A_231 = vector.broadcast %slice3A_229 : vector<1024x1xf32> to vector<1024x64xf32>
    %mul3A_232 = arith.mulf %mul3A_231, %slice3A_230 : vector<1024x64xf32>
    %concatenate3A_233 = tpu.concatenate %mul3A_228, %mul3A_232 in 1 : vector<1024x64xf32>, vector<1024x64xf32> -> vector<1024x128xf32>
    %swap3A_234 = arith.constant 0 : index
    %swap3A_235 = arith.constant 0 : index
    %swap3A_236 = vector.load %arg24[%swap3A_234, %swap3A_235] : memref<1024x128xf32, #tpu.memory_space<vmem>>, vector<1024x128xf32>
    tpu.vector_store %arg24[%swap3A_234, %swap3A_235], %concatenate3A_233 {strides = array<i32>} : memref<1024x128xf32, #tpu.memory_space<vmem>>, vector<1024x128xf32>,
    %broadcast_in_dim3A_237 = arith.constant 0.000000e+00 : f32
    %broadcast_in_dim3A_238 = vector.broadcast %broadcast_in_dim3A_237 : f32 to vector<1024x125xf32>
    %concatenate3A_239 = tpu.concatenate %add3A_213, %broadcast_in_dim3A_238 in 1 : vector<1024x3xf32>, vector<1024x125xf32> -> vector<1024x128xf32>
    %swap3A_240 = arith.constant 0 : index
    %swap3A_241 = arith.constant 0 : index
    %swap3A_242 = vector.load %arg25[%swap3A_240, %swap3A_241] : memref<1024x128xf32, #tpu.memory_space<vmem>>, vector<1024x128xf32>
    tpu.vector_store %arg25[%swap3A_240, %swap3A_241], %concatenate3A_239 {strides = array<i32>} : memref<1024x128xf32, #tpu.memory_space<vmem>>, vector<1024x128xf32>,
    return
  }
  func.func @transform_0(%arg0: i32) -> (i32, i32) {
    %c0_i32 = arith.constant 0 : i32
    %c0_i32_0 = arith.constant 0 : i32
    return %arg0, %c0_i32 : i32, i32
  }
  func.func @transform_1(%arg0: i32) -> (i32, i32) {
    %c0_i32 = arith.constant 0 : i32
    %c0_i32_0 = arith.constant 0 : i32
    return %arg0, %c0_i32 : i32, i32
  }
  func.func @transform_2(%arg0: i32) -> (i32, i32) {
    %c0_i32 = arith.constant 0 : i32
    %c0_i32_0 = arith.constant 0 : i32
    return %arg0, %c0_i32 : i32, i32
  }
  func.func @transform_3(%arg0: i32) -> (i32, i32) {
    %c0_i32 = arith.constant 0 : i32
    %c0_i32_0 = arith.constant 0 : i32
    return %arg0, %c0_i32 : i32, i32
  }
  func.func @transform_4(%arg0: i32) -> (i32, i32) {
    %eq3A = arith.constant 0 : i32
    %eq3A_0 = arith.cmpi eq, %arg0, %eq3A : i32
    %sub3A = arith.constant 1 : i32
    %sub3A_1 = arith.subi %arg0, %sub3A : i32
    %jit3A = arith.constant 312 : i32
    %select_n3A = arith.select %eq3A_0, %jit3A, %sub3A_1 : i32
    %c0_i32 = arith.constant 0 : i32
    %c0_i32_2 = arith.constant 0 : i32
    return %select_n3A, %c0_i32 : i32, i32
  }
  func.func @transform_5(%arg0: i32) -> (i32, i32) {
    %c0_i32 = arith.constant 0 : i32
    %c0_i32_0 = arith.constant 0 : i32
    %c0_i32_1 = arith.constant 0 : i32
    return %c0_i32, %c0_i32_0 : i32, i32
  }
  func.func @transform_6(%arg0: i32) -> (i32, i32) {
    %c0_i32 = arith.constant 0 : i32
    %c0_i32_0 = arith.constant 0 : i32
    %c0_i32_1 = arith.constant 0 : i32
    return %c0_i32, %c0_i32_0 : i32, i32
  }
  func.func @transform_7(%arg0: i32) -> (i32, i32) {
    %c0_i32 = arith.constant 0 : i32
    %c0_i32_0 = arith.constant 0 : i32
    %c0_i32_1 = arith.constant 0 : i32
    return %c0_i32, %c0_i32_0 : i32, i32
  }
  func.func @transform_8(%arg0: i32) -> (i32, i32) {
    %c0_i32 = arith.constant 0 : i32
    %c0_i32_0 = arith.constant 0 : i32
    %c0_i32_1 = arith.constant 0 : i32
    return %c0_i32, %c0_i32_0 : i32, i32
  }
  func.func @transform_9(%arg0: i32) -> (i32, i32) {
    %c0_i32 = arith.constant 0 : i32
    %c0_i32_0 = arith.constant 0 : i32
    %c0_i32_1 = arith.constant 0 : i32
    return %c0_i32, %c0_i32_0 : i32, i32
  }
  func.func @transform_10(%arg0: i32) -> (i32, i32) {
    %c0_i32 = arith.constant 0 : i32
    %c0_i32_0 = arith.constant 0 : i32
    %c0_i32_1 = arith.constant 0 : i32
    return %c0_i32, %c0_i32_0 : i32, i32
  }
  func.func @transform_11(%arg0: i32) -> (i32, i32) {
    %c0_i32 = arith.constant 0 : i32
    %c0_i32_0 = arith.constant 0 : i32
    %c0_i32_1 = arith.constant 0 : i32
    return %c0_i32, %c0_i32_0 : i32, i32
  }
  func.func @transform_12(%arg0: i32) -> (i32, i32) {
    %c0_i32 = arith.constant 0 : i32
    %c0_i32_0 = arith.constant 0 : i32
    %c0_i32_1 = arith.constant 0 : i32
    return %c0_i32, %c0_i32_0 : i32, i32
  }
  func.func @transform_13(%arg0: i32) -> (i32, i32) {
    %c0_i32 = arith.constant 0 : i32
    %c0_i32_0 = arith.constant 0 : i32
    %c0_i32_1 = arith.constant 0 : i32
    return %c0_i32, %c0_i32_0 : i32, i32
  }
  func.func @transform_14(%arg0: i32) -> (i32, i32) {
    %c0_i32 = arith.constant 0 : i32
    %c0_i32_0 = arith.constant 0 : i32
    %c0_i32_1 = arith.constant 0 : i32
    return %c0_i32, %c0_i32_0 : i32, i32
  }
  func.func @transform_15(%arg0: i32) -> (i32, i32) {
    %c0_i32 = arith.constant 0 : i32
    %c0_i32_0 = arith.constant 0 : i32
    %c0_i32_1 = arith.constant 0 : i32
    return %c0_i32, %c0_i32_0 : i32, i32
  }
  func.func @transform_16(%arg0: i32) -> (i32, i32) {
    %c0_i32 = arith.constant 0 : i32
    %c0_i32_0 = arith.constant 0 : i32
    %c0_i32_1 = arith.constant 0 : i32
    return %c0_i32, %c0_i32_0 : i32, i32
  }
  func.func @transform_17(%arg0: i32) -> (i32, i32) {
    %c0_i32 = arith.constant 0 : i32
    %c0_i32_0 = arith.constant 0 : i32
    %c0_i32_1 = arith.constant 0 : i32
    return %c0_i32, %c0_i32_0 : i32, i32
  }
  func.func @transform_18(%arg0: i32) -> (i32, i32) {
    %c0_i32 = arith.constant 0 : i32
    %c0_i32_0 = arith.constant 0 : i32
    %c0_i32_1 = arith.constant 0 : i32
    return %c0_i32, %c0_i32_0 : i32, i32
  }
  func.func @transform_19(%arg0: i32) -> (i32, i32) {
    %c0_i32 = arith.constant 0 : i32
    %c0_i32_0 = arith.constant 0 : i32
    %c0_i32_1 = arith.constant 0 : i32
    return %c0_i32, %c0_i32_0 : i32, i32
  }
  func.func @transform_20(%arg0: i32) -> (i32, i32) {
    %c0_i32 = arith.constant 0 : i32
    %c0_i32_0 = arith.constant 0 : i32
    %c0_i32_1 = arith.constant 0 : i32
    return %c0_i32, %c0_i32_0 : i32, i32
  }
  func.func @transform_21(%arg0: i32) -> (i32, i32) {
    %c0_i32 = arith.constant 0 : i32
    %c0_i32_0 = arith.constant 0 : i32
    %c0_i32_1 = arith.constant 0 : i32
    return %c0_i32, %c0_i32_0 : i32, i32
  }
  func.func @transform_22(%arg0: i32) -> (i32, i32) {
    %c0_i32 = arith.constant 0 : i32
    %c0_i32_0 = arith.constant 0 : i32
    return %arg0, %c0_i32 : i32, i32
  }
  func.func @transform_23(%arg0: i32) -> (i32, i32) {
    %c0_i32 = arith.constant 0 : i32
    %c0_i32_0 = arith.constant 0 : i32
    return %arg0, %c0_i32 : i32, i32
  }
  func.func @transform_24(%arg0: i32) -> (i32, i32) {
    %c0_i32 = arith.constant 0 : i32
    %c0_i32_0 = arith.constant 0 : i32
    return %arg0, %c0_i32 : i32, i32
  }
}

module attributes {stable_mosaic.version = 14 : i64} {
  func.func @_k8_body(%arg0: i32, %arg1: memref<1024x128xf32, #tpu.memory_space<vmem>>, %arg2: memref<1024x128xf32, #tpu.memory_space<vmem>>, %arg3: memref<1024x128xf32, #tpu.memory_space<vmem>>, %arg4: memref<1024x128xf32, #tpu.memory_space<vmem>>, %arg5: memref<128x128xf32, #tpu.memory_space<vmem>>, %arg6: memref<128x128xf32, #tpu.memory_space<vmem>>, %arg7: memref<1x128xf32, #tpu.memory_space<vmem>>, %arg8: memref<1024x128xf32, #tpu.memory_space<vmem>>, %arg9: memref<1024x128xf32, #tpu.memory_space<vmem>>) attributes {dimension_semantics = [#tpu.dimension_semantics<arbitrary>], iteration_bounds = array<i64: 10>, scalar_prefetch = 0 : i64, scratch_operands = 0 : i64, tpu.core_type = #tpu.core_type<tc>, window_params = [{transform_indices = @transform_0, window_bounds = array<i64: 1024, 128>}, {transform_indices = @transform_1, window_bounds = array<i64: 1024, 128>}, {transform_indices = @transform_2, window_bounds = array<i64: 1024, 128>}, {transform_indices = @transform_3, window_bounds = array<i64: 1024, 128>}, {pipeline_mode = #tpu.pipeline_mode<synchronous>, transform_indices = @transform_4, window_bounds = array<i64: 128, 128>}, {pipeline_mode = #tpu.pipeline_mode<synchronous>, transform_indices = @transform_5, window_bounds = array<i64: 128, 128>}, {pipeline_mode = #tpu.pipeline_mode<synchronous>, transform_indices = @transform_6, window_bounds = array<i64: 1, 128>}, {transform_indices = @transform_7, window_bounds = array<i64: 1024, 128>}, {transform_indices = @transform_8, window_bounds = array<i64: 1024, 128>}]} {
    %get3A = arith.constant 0 : index
    %get3A_0 = arith.constant 0 : index
    %get3A_1 = vector.load %arg1[%get3A, %get3A_0] : memref<1024x128xf32, #tpu.memory_space<vmem>>, vector<1024x128xf32>
    %get3A_2 = arith.constant 0 : index
    %get3A_3 = arith.constant 0 : index
    %get3A_4 = vector.load %arg5[%get3A_2, %get3A_3] : memref<128x128xf32, #tpu.memory_space<vmem>>, vector<128x128xf32>
    %dot_general3A = arith.constant dense<0.000000e+00> : vector<1024x128xf32>
    %dot_general3A_5 = tpu.matmul %get3A_1, %get3A_4, %dot_general3A {dimension_numbers = #tpu.dot_dimension_numbers<[1], [0], [0], [1], [0, 0, 1, 1], [], []>, transpose_lhs_hint = false} : vector<1024x128xf32>, vector<128x128xf32>, vector<1024x128xf32> -> vector<1024x128xf32>
    %get3A_6 = arith.constant 0 : index
    %get3A_7 = arith.constant 0 : index
    %get3A_8 = vector.load %arg2[%get3A_6, %get3A_7] : memref<1024x128xf32, #tpu.memory_space<vmem>>, vector<1024x128xf32>
    %get3A_9 = arith.constant 0 : index
    %get3A_10 = arith.constant 0 : index
    %get3A_11 = vector.load %arg6[%get3A_9, %get3A_10] : memref<128x128xf32, #tpu.memory_space<vmem>>, vector<128x128xf32>
    %dot_general3A_12 = arith.constant dense<0.000000e+00> : vector<1024x128xf32>
    %dot_general3A_13 = tpu.matmul %get3A_8, %get3A_11, %dot_general3A_12 {dimension_numbers = #tpu.dot_dimension_numbers<[1], [0], [0], [1], [0, 0, 1, 1], [], []>, transpose_lhs_hint = false} : vector<1024x128xf32>, vector<128x128xf32>, vector<1024x128xf32> -> vector<1024x128xf32>
    %add3A = arith.addf %dot_general3A_5, %dot_general3A_13 : vector<1024x128xf32>
    %get3A_14 = arith.constant 0 : index
    %get3A_15 = arith.constant 0 : index
    %get3A_16 = vector.load %arg7[%get3A_14, %get3A_15] : memref<1x128xf32, #tpu.memory_space<vmem>>, vector<1x128xf32>
    %add3A_17 = vector.broadcast %get3A_16 : vector<1x128xf32> to vector<1024x128xf32>
    %add3A_18 = arith.addf %add3A, %add3A_17 : vector<1024x128xf32>
    %swap3A = arith.constant 0 : index
    %swap3A_19 = arith.constant 0 : index
    %swap3A_20 = vector.load %arg8[%swap3A, %swap3A_19] : memref<1024x128xf32, #tpu.memory_space<vmem>>, vector<1024x128xf32>
    tpu.vector_store %arg8[%swap3A, %swap3A_19], %add3A_18 {strides = array<i32>} : memref<1024x128xf32, #tpu.memory_space<vmem>>, vector<1024x128xf32>,
    %get3A_21 = arith.constant 0 : index
    %get3A_22 = arith.constant 0 : index
    %get3A_23 = vector.load %arg3[%get3A_21, %get3A_22] : memref<1024x128xf32, #tpu.memory_space<vmem>>, vector<1024x128xf32>
    %get3A_24 = arith.constant 0 : index
    %get3A_25 = arith.constant 0 : index
    %get3A_26 = vector.load %arg4[%get3A_24, %get3A_25] : memref<1024x128xf32, #tpu.memory_space<vmem>>, vector<1024x128xf32>
    %add3A_27 = arith.addf %get3A_23, %get3A_26 : vector<1024x128xf32>
    %mul3A = arith.constant 1.000100e-04 : f32
    %mul3A_28 = vector.broadcast %mul3A : f32 to vector<1024x128xf32>
    %mul3A_29 = arith.mulf %add3A_27, %mul3A_28 : vector<1024x128xf32>
    %swap3A_30 = arith.constant 0 : index
    %swap3A_31 = arith.constant 0 : index
    %swap3A_32 = vector.load %arg9[%swap3A_30, %swap3A_31] : memref<1024x128xf32, #tpu.memory_space<vmem>>, vector<1024x128xf32>
    tpu.vector_store %arg9[%swap3A_30, %swap3A_31], %mul3A_29 {strides = array<i32>} : memref<1024x128xf32, #tpu.memory_space<vmem>>, vector<1024x128xf32>,
    return
  }
  func.func @transform_0(%arg0: i32) -> (i32, i32) {
    %c0_i32 = arith.constant 0 : i32
    %c0_i32_0 = arith.constant 0 : i32
    return %arg0, %c0_i32 : i32, i32
  }
  func.func @transform_1(%arg0: i32) -> (i32, i32) {
    %c0_i32 = arith.constant 0 : i32
    %c0_i32_0 = arith.constant 0 : i32
    return %arg0, %c0_i32 : i32, i32
  }
  func.func @transform_2(%arg0: i32) -> (i32, i32) {
    %c0_i32 = arith.constant 0 : i32
    %c0_i32_0 = arith.constant 0 : i32
    return %arg0, %c0_i32 : i32, i32
  }
  func.func @transform_3(%arg0: i32) -> (i32, i32) {
    %c0_i32 = arith.constant 0 : i32
    %c0_i32_0 = arith.constant 0 : i32
    return %arg0, %c0_i32 : i32, i32
  }
  func.func @transform_4(%arg0: i32) -> (i32, i32) {
    %c0_i32 = arith.constant 0 : i32
    %c0_i32_0 = arith.constant 0 : i32
    %c0_i32_1 = arith.constant 0 : i32
    return %c0_i32, %c0_i32_0 : i32, i32
  }
  func.func @transform_5(%arg0: i32) -> (i32, i32) {
    %c0_i32 = arith.constant 0 : i32
    %c0_i32_0 = arith.constant 0 : i32
    %c0_i32_1 = arith.constant 0 : i32
    return %c0_i32, %c0_i32_0 : i32, i32
  }
  func.func @transform_6(%arg0: i32) -> (i32, i32) {
    %c0_i32 = arith.constant 0 : i32
    %c0_i32_0 = arith.constant 0 : i32
    %c0_i32_1 = arith.constant 0 : i32
    return %c0_i32, %c0_i32_0 : i32, i32
  }
  func.func @transform_7(%arg0: i32) -> (i32, i32) {
    %c0_i32 = arith.constant 0 : i32
    %c0_i32_0 = arith.constant 0 : i32
    return %arg0, %c0_i32 : i32, i32
  }
  func.func @transform_8(%arg0: i32) -> (i32, i32) {
    %c0_i32 = arith.constant 0 : i32
    %c0_i32_0 = arith.constant 0 : i32
    return %arg0, %c0_i32 : i32, i32
  }
}

</mosaic_0001>

<sc_bundles>
// kernel: kernel.12.cloned.1.call-start
scs
__scs_entry_jumppad:
0x0: {  	(pc) =	sbr.rel $0x88, $3  }
0x1: {  	(tag) =	ssettag $0x0;
	lr =	simm.s32 $0x1  }
0x2: {  	[smem:$0x3F7D] =	sst lr;
	_ =	strace $0xD0000000  }
0x3: {  	_ = 	snop  }
0x4: {  	_ = 	snop  }
0x5: {  	_ = 	snop  }
0x6: {  	_ = 	snop  }
0x7: {  	_ = 	snop  }
__scs_overlays_trampoline_lowered:
0x8: {  	[smem:$0x3F8C] =	sst s0  }
0x9: {  	[smem:$0x3F8D] =	sst s1  }
0xa: {  	[smem:$0x3F8E] =	sst s2  }
0xb: {  	[smem:$0x3F8F] =	sst s3  }
0xc: {  	[smem:$0x3F90] =	sst s4  }
0xd: {  	[smem:$0x3F91] =	sst s5  }
0xe: {  	[smem:$0x3F92] =	sst s6  }
0xf: {  	[smem:$0x3F93] =	sst s7  }
0x10: {  	[smem:$0x3F94] =	sst s8  }
0x11: {  	[smem:$0x3F95] =	sst s9;
	s0 =	simm.s32 @!p0 $0x0  }
0x12: {  	s1 =	sld [smem:$0x3F7B];
	s0 =	simm.s32 @p0 $0x1  }
0x13: {  	[smem:$0x3F96] =	sst s0;
	s0 =	simm.s32 @!p1 $0x0  }
0x14: {  	s2 =	sld [smem:$0x3F7A];
	s0 =	simm.s32 @p1 $0x1  }
0x15: {  	[smem:$0x3F97] =	sst s0;
	s0 =	simm.s32 @!p2 $0x0  }
0x16: {  	s3 =	sld [smem:$0x3FDB];
	s0 =	simm.s32 @p2 $0x1  }
0x17: {  	s4 =	simm.s32 $0x1BF5;
	[smem:$0x3F99] =	sst s0  }
0x18: {  	s0 =	sld [smem:$0x3F7C];
	_ =	swait.ge [sflag:s4], $0x0  }
0x19: {  	s7 =	sld [smem:$0x3F7D]  }
0x1a: {  	s8 =	sadd.s32 $0xFFFFE003, lr  }
0x1b: {  	s9 =	sadd.s32 $0xFFFFFEF7, lr;
	s5 =	simm.s32 $0xFFFFFFFF;
	p2 =	slt.u32 s8, $0xFFFFF086  }
0x1c: {  	p1 =	slt.u32 s9, $0xF7A;
	s5 =	simm.s32 @!p2 $0x0  }
0x1d: {  	s5 =	simm.s32 @p1 $0x1;
	p0 =	seq.s32 s7, s2  }
0x1e: {  	s7 =	smul.u32 @!p0 $0xF7A, s2;
	p2 =	seq.s32 @!p0 s5, $0x0  }
0x1f: {  	s9 =	smul.u32 $0xF7A, s1;
	s8 =	simm.s32 @!p0 $0x1BF5;
	p2 =	por !p2, p0  }
0x20: {  	[sflag:s8] =	ssyncset.s32 @!p0 $0xFFFFF086;
	s6 =	sadd.s32 @!p0 s3, s7;
	s7 =	simm.s32 @!p0 $0x108  }
0x21: {  	s3 =	sadd.s32 s3, s9;
	s6 =	sadd.s32 @!p0 $0x88, s6;
	s7 =	simm.s32 @p2 $0x1082  }
0x22: {  	[simem:s7], [sflag:s8] =	dma.local @!p0 [hbm:s6], $0xF7A  }
0x23: {  	s9 =	sor.u32 $0xD0000000, s2;
	s6 =	simm.s32 $0x108;
	_ =	swait.ge @!p0 [sflag:s8], $0x0  }
0x24: {  	s3 =	sadd.s32 $0x88, s3;
	s6 =	simm.s32 @!p1 $0x1082;
	[sflag:s4] =	ssyncset.s32 $0xFFFFF086  }
0x25: {  	[simem:s6], [sflag:s4] =	dma.local [hbm:s3], $0xF7A  }
0x26: {  	[smem:$0x3F7D] =	sst s1;
	(tag) =	ssettag s2;
	_ =	strace s9  }
0x27: {  	s1 =	sld [smem:$0x3F8D]  }
0x28: {  	s2 =	sld [smem:$0x3F8E]  }
0x29: {  	s4 =	sld [smem:$0x3F90]  }
0x2a: {  	p0 =	seq.s32 s5, $0x0;
	s5 =	sld [smem:$0x3F91]  }
0x2b: {  	s6 =	sld [smem:$0x3F92]  }
0x2c: {  	s7 =	sld [smem:$0x3F93]  }
0x2d: {  	s3 =	simm.s32 $0x108;
	s8 =	sld [smem:$0x3F94]  }
0x2e: {  	s3 =	simm.s32 @!p0 $0x1082;
	s9 =	sld [smem:$0x3F95]  }
0x2f: {  	lr =	sadd.s32 s0, s3;
	s0 =	sld [smem:$0x3F8C]  }
0x30: {  	s3 =	sld [smem:$0x3F8F]  }
0x31: {  	[smem:$0x3F98] =	sst s10  }
0x32: {  	s10 =	sld [smem:$0x3F96];
	_ =	sdelay $0x3  }
0x33: {  	p0 =	seq.s32 s10, $0x1;
	s10 =	sld [smem:$0x3F98];
	_ =	sdelay $0x3  }
0x34: {  	[smem:$0x3F98] =	sst s10  }
0x35: {  	s10 =	sld [smem:$0x3F97];
	_ =	sdelay $0x3  }
0x36: {  	p1 =	seq.s32 s10, $0x1;
	s10 =	sld [smem:$0x3F98];
	_ =	sdelay $0x3  }
0x37: {  	[smem:$0x3F98] =	sst s10  }
0x38: {  	s10 =	sld [smem:$0x3F99]  }
0x39: {  	_ = 	snop;
	(pc) =	sbr.ind lr, $3  }
0x3a: {  	_ = 	snop  }
0x3b: {  	_ = 	snop  }
0x3c: {  	p2 =	seq.s32 s10, $0x1;
	s10 =	sld [smem:$0x3F98]  }
0x3d: {  	_ =	shalt  }
0x3e: {  	_ =	shalt  }
0x3f: {  	_ =	shalt  }
0x40: {  	_ =	shalt  }
0x41: {  	_ =	shalt  }
0x42: {  	_ =	shalt  }
0x43: {  	_ =	shalt  }
0x44: {  	_ =	shalt  }
0x45: {  	_ =	shalt  }
0x46: {  	_ =	shalt  }
0x47: {  	_ =	shalt  }
0x48: {  	_ =	shalt  }
0x49: {  	_ =	shalt  }
0x4a: {  	_ =	shalt  }
0x4b: {  	_ =	shalt  }
0x4c: {  	_ =	shalt  }
0x4d: {  	_ =	shalt  }
0x4e: {  	_ =	shalt  }
0x4f: {  	_ =	shalt  }
0x50: {  	_ =	shalt  }
0x51: {  	_ =	shalt  }
0x52: {  	_ =	shalt  }
0x53: {  	_ =	shalt  }
0x54: {  	_ =	shalt  }
0x55: {  	_ =	shalt  }
0x56: {  	_ =	shalt  }
0x57: {  	_ =	shalt  }
0x58: {  	_ =	shalt  }
0x59: {  	_ =	shalt  }
0x5a: {  	_ =	shalt  }
0x5b: {  	_ =	shalt  }
0x5c: {  	_ =	shalt  }
0x5d: {  	_ =	shalt  }
0x5e: {  	_ =	shalt  }
0x5f: {  	_ =	shalt  }
0x60: {  	_ =	shalt  }
0x61: {  	_ =	shalt  }
0x62: {  	_ =	shalt  }
0x63: {  	_ =	shalt  }
0x64: {  	_ =	shalt  }
0x65: {  	_ =	shalt  }
0x66: {  	_ =	shalt  }
0x67: {  	_ =	shalt  }
0x68: {  	_ =	shalt  }
0x69: {  	_ =	shalt  }
0x6a: {  	_ =	shalt  }
0x6b: {  	_ =	shalt  }
0x6c: {  	_ =	shalt  }
0x6d: {  	_ =	shalt  }
0x6e: {  	_ =	shalt  }
0x6f: {  	_ =	shalt  }
0x70: {  	_ =	shalt  }
0x71: {  	_ =	shalt  }
0x72: {  	_ =	shalt  }
0x73: {  	_ =	shalt  }
0x74: {  	_ =	shalt  }
0x75: {  	_ =	shalt  }
0x76: {  	_ =	shalt  }
0x77: {  	_ =	shalt  }
0x78: {  	_ =	shalt  }
0x79: {  	_ =	shalt  }
0x7a: {  	_ =	shalt  }
0x7b: {  	_ =	shalt  }
0x7c: {  	_ =	shalt  }
0x7d: {  	_ =	shalt  }
0x7e: {  	_ =	shalt  }
0x7f: {  	_ =	shalt  }
0x80: {  	_ =	shalt  }
0x81: {  	_ =	shalt  }
0x82: {  	_ =	shalt  }
0x83: {  	_ =	shalt  }
0x84: {  	_ =	shalt  }
0x85: {  	_ =	shalt  }
0x86: {  	_ =	shalt  }
0x87: {  	_ =	shalt  }
.Lfunc_end0:
.L_simem_size_0:
called_computation_lowered:
.L_overlay_start_0:
0x88: {  	s2 =	sld [smem:$0x3FD9]  }
0x89: {  	s3 =	sld [smem:$0x3FFE];
	_ =	sdelay $0x1  }
0x8a: {  	s1 =	srdreg.scid  }
0x8b: {  	s0 =	sand.u32 $0x1, s1  }
0x8c: {  	s14 =	sshll.u32 s0, $0xA;
	s2 =	sadd.s32 s3, s2  }
0x8d: {  	s2 =	sadd.s32 s2, s14  }
0x8e: {  	[smem:$0x3FA4] =	sst s2  }
0x8f: {  	_ = 	snop  }
0x90: {  	s2 =	sld [smem:$0x3FD0];
	_ =	sdelay $0x2  }
0x91: {  	s15 =	simm.s32 $0xB;
	s4 =	simm.s32 $0x10  }
0x92: {  	[smem:s4], [sflag:s15] =	dma.local [hbm:s2], $0x1  }
0x93: {  	_ =	swait.eq [sflag:s15], $0x1  }
0x94: {  	[sflag:s15] =	ssyncset.done $0x0  }
0x95: {  	[sflag:s15] =	ssyncadd.s32 $0xFFFFFFFF  }
0x96: {  	s16 =	sld [smem:$0x10];
	(tm) =	ssettm $0x1  }
0x97: {  	s17 =	sld [smem:$0x3FFB];
	_ =	sdelay $0x3  }
0x98: {  	_ =	strace s17  }
0x99: {  	s3 =	sld [smem:$0x3FFC];
	_ =	sdelay $0x3  }
0x9a: {  	_ =	strace s3  }
0x9b: {  	s3 =	sld [smem:$0x3FFD];
	_ =	sdelay $0x3  }
0x9c: {  	_ =	strace s3  }
0x9d: {  	_ =	strace $0x8FFFFFFF  }
0x9e: {  	s18 =	sld [smem:$0x3FDB];
	_ =	sdelay $0x1  }
0x9f: {  	s19 =	simm.s32 $_scs_section_size  }
0xa0: {  	s5 =	simm.s32 $_size__tile_overlayer_lowered;
	s6 =	simm.s32 $_tile_overlayer_lowered  }
0xa1: {  	s22 =	simm.s32 $0x1BFF;
	s21 =	sshll.u32 s6, $0x1;
	s3 =	sadd.s32 s19, s18  }
0xa2: {  	s7 =	simm.s32 $0x0;
	s20 =	sshll.u32 s5, $0x1;
	s5 =	sadd.s32 s21, s3  }
0xa3: {  	[timem:s7], [sflag:s22] =	dma.local [hbm:s5], s20  }
0xa4: {  	_ =	swait.ge [sflag:s22], s20  }
0xa5: {  	s4 =	ssub.s32 $0x0, s20;
	[sflag:s22] =	ssyncset.done $0x0  }
0xa6: {  	[sflag:s22] =	ssyncadd.s32 s4;
	_ =	sdelay $0x1  }
0xa7: {  	s23 =	simm.s32 $0x1B8B  }
0xa8: {  	_ =	swait.ge [sflag:s23], $0x1  }
0xa9: {  	[sflag:s23] =	ssyncset.done $0x0  }
0xaa: {  	s25 =	simm.s32 $0x1B8E;
	s24 =	sld [smem:$0x3FFE];
	[sflag:s23] =	ssyncadd.s32 $0xFFFFFFFF  }
0xab: {  	s26 =	simm.s32 $execute0_lowered;
	[smem:$0x3FD2] =	sst s25  }
0xac: {  	s5 =	sshll.u32 s26, $0x1;
	_ =	strace $0x80000046;
	[dreg:$0x1] =	wrdreg $0xFFFFFFFF  }
0xad: {  	s28 =	simm.s32 $_size_execute0_lowered;
	s3 =	sadd.s32 s3, s5;
	[dreg:$0x0] =	wrdreg $0x0  }
0xae: {  	s5 =	sshll.u32 s28, $0x1;
	[dreg:$0x2] =	wrdreg s3  }
0xaf: {  	[dreg:$0x3] =	wrdreg s5  }
0xb0: {  	[dreg:$0x4] =	wrdreg $0xC0  }
0xb1: {  	_ =	task [dreg:s7], $0x5FFFF  }
0xb2: {  	[dreg:$0x1] =	wrdreg $0xFFFFFFFF  }
0xb3: {  	[dreg:$0x0] =	wrdreg $0x60  }
0xb4: {  	[dreg:$0x2] =	wrdreg s24  }
0xb5: {  	[dreg:$0x3] =	wrdreg s16  }
0xb6: {  	[dreg:$0x4] =	wrdreg $0x9  }
0xb7: {  	_ =	task.clear_ibuf [dreg:s7], $0x5FFFF;
	_ =	strace $0x90000046  }
0xb8: {  	s29 =	simm.s32 $0x9;
	_ =	strace $0x80000048  }
0xb9: {  	_ =	swait.ge [sflag:s29], $0x1  }
0xba: {  	[sflag:s29] =	ssyncadd.s32 $0xFFFFFFFF  }
0xbb: {  	_ =	strace $0x90000048  }
0xbc: {  	_ =	sfence  }
0xbd: {  	s30 =	sld [smem:$0x0];
	_ =	sdelay $0x2  }
0xbe: {  	s31 =	sshll.u32 s1, $0xD;
	s1 =	sshrl.u32 s1, $0x2  }
0xbf: {  	s3 =	sand.u32 $0x4000, s31;
	s1 =	sadd.s32 s1, s30  }
0xc0: {  	s0 =	sor.u32 s3, s0;
	s1 =	sshll.u32 s1, $0x11  }
0xc1: {  	s0 =	sor.u32 s1, s0  }
0xc2: {  	s0 =	sadd.s32 $0x8F2B, s0  }
0xc3: {  	[sflag:s0] =	ssyncadd.remote.s32 $0x1  }
0xc4: {  	_ =	sfence.sel $0xFFFF  }
0xc5: {  	[dreg:$0x0] =	wrdreg $0xFFFFFFFF;
	(pc) =	sbr.abs _section_cstart, $3  }
0xc6: {  	[dreg:$0x1] =	wrdreg $0xFFFFFFFF  }
0xc7: {  	_ =	task.clear_ibuf [dreg:s7], $0x2FFFF;
	_ =	strace $0x9FFFFFFF  }
0xc8: {  	(tm) =	ssettm $0x7FFFFFFF  }
0xc9: {  	_ =	shalt  }
tec
execute0_lowered:
.L_overlay_start_1:
0x0: {  	(tag) =	ssettag $0x1  }
0x1: {  	s6 =	rddreg [dreg:$0x0]  }
0x2: {  	s0 =	rddreg [dreg:$0x1]  }
0x3: {  	s2 =	simm.s32 $0x0;
	[dreg:$0x3] =	wrdreg s0  }
0x4: {  	[smem:$0x7FF] =	sst s2;
	s5 =	sadd.s32 $0x1BC00, s6  }
0x5: {  	s11 =	simm.s32 $0x80;
	_ =	strace $0x80000047;
	[dreg:$0x4] =	wrdreg s5  }
0x6: {  	s12 =	simm.s32 $0x900;
	[dreg:$0x6] =	wrdreg s11  }
0x7: {  	s13 =	simm.s32 $0x1100;
	[dreg:$0x7] =	wrdreg s12  }
0x8: {  	s14 =	simm.s32 $0x1900;
	[dreg:$0x8] =	wrdreg s13  }
0x9: {  	s15 =	simm.s32 $0x2100;
	[dreg:$0x9] =	wrdreg s14  }
0xa: {  	s16 =	simm.s32 $0x2900;
	[dreg:$0xa] =	wrdreg s15  }
0xb: {  	s8 =	simm.s32 $0x3100;
	[dreg:$0xb] =	wrdreg s16  }
0xc: {  	s18 =	simm.s32 $0x3900;
	[dreg:$0xc] =	wrdreg s8  }
0xd: {  	s19 =	simm.s32 $0x4100;
	[dreg:$0xd] =	wrdreg s18  }
0xe: {  	s21 =	simm.s32 $0x4900;
	[dreg:$0xe] =	wrdreg s19  }
0xf: {  	s1 =	stileid.u32;
	s22 =	simm.s32 $0x5100;
	[dreg:$0xf] =	wrdreg s21  }
0x10: {  	s3 =	srdreg.scid;
	s23 =	simm.s32 $0x5900;
	[dreg:$0x10] =	wrdreg s22  }
0x11: {  	s24 =	simm.s32 $0x6100;
	s25 =	simm.s32 $0x6900;
	[dreg:$0x11] =	wrdreg s23  }
0x12: {  	s26 =	simm.s32 $0x7100;
	s28 =	simm.s32 $0x7900;
	[dreg:$0x12] =	wrdreg s24  }
0x13: {  	s29 =	simm.s32 $0x8900;
	s30 =	simm.s32 $0x9100;
	[dreg:$0x13] =	wrdreg s25  }
0x14: {  	s31 =	simm.s32 $0x9900;
	s10 =	smul.u32 $0x1400, s1;
	[dreg:$0x14] =	wrdreg s26  }
0x15: {  	s7 =	sand.u32 $0x1, s3;
	s17 =	smul.u32 $0x140000, s1;
	[dreg:$0x15] =	wrdreg s28  }
0x16: {  	s4 =	smul.u32 $0xA00, s7;
	s20 =	ssub.s32 $0x2, s7;
	[dreg:$0x16] =	wrdreg s29  }
0x17: {  	s5 =	sadd.s32 $0x2FD00, s6;
	s11 =	smul.u32 $0xA0000, s7;
	[dreg:$0x17] =	wrdreg s30  }
0x18: {  	[dreg:$0x18] =	wrdreg s31;
	s12 =	simm.s32 $0xA100;
	s13 =	simm.s32 $0xA900  }
0x19: {  	s14 =	simm.s32 $0xB900;
	s15 =	simm.s32 $0xC100;
	s16 =	simm.s32 $0xC900  }
0x1a: {  	s18 =	simm.s32 $0xD900;
	s19 =	simm.s32 $0xE100;
	s21 =	simm.s32 $0xF100  }
0x1b: {  	s22 =	simm.s32 $0xF900;
	s23 =	simm.s32 $0x1;
	s24 =	simm.s32 $0x2  }
0x1c: {  	s25 =	simm.s32 $0x0;
	s9 =	sadd.s32 s17, s6;
	[dreg:$0x19] =	wrdreg s12  }
0x1d: {  	s12 =	simm.s32 $0x8100;
	[dreg:$0x1a] =	wrdreg s13;
	s13 =	simm.s32 $0xB100  }
0x1e: {  	s17 =	simm.s32 $0xD100;
	s3 =	sadd.s32 s4, s10;
	s4 =	sadd.s32 $0xCFC00, s6  }
0x1f: {  	s10 =	sshrl.u32 s20, $0x1;
	s9 =	sadd.s32 s11, s9;
	s11 =	simm.s32 $0x100  }
0x20: {  	v2 =	vlaneseq.u32;
	[dreg:$0x5] =	wrdreg s3;
	s3 =	sadd.s32 $0x2FC00, s6;
	s8 =	ssub.s32 s20, s10  }
0x21: {  	vm0 =	vmmov $0xffff;
	v1 =	vshrl.u32 v2, $0x3;
	s6 =	sadd.s32 $0xCFD00, s6;
	s10 =	simm.s32 $0x3;
	s20 =	simm.s32 $0xE900  }
0x22: {  	v0 =	vand.u32 $0x7, v2;
	v2 =	vor.u32 $0x8, v2;
	v1 =	vmul.u32 $0x8, v1;
	s7 =	smax.u32 s8, $0x1;
	s8 =	sadd.s32 $0x160FC00, s9;
	s9 =	sadd.s32 $0x20FC00, s9  }
.LBB2_1:
0x23: {  	s26 =	smov.u32 s9;
	s28 =	smov.u32 s8;
	s29 =	simm.s32 $0x0  }
.LBB2_2:
0x24: {  	s30 =	rddreg [dreg:$0x5]  }
0x25: {  	s30 =	sadd.s32 s29, s30  }
0x26: {  	s0 =	sand.u32 $0x70, s29;
	s30 =	sand.u32 $0xFFFFF80, s30  }
0x27: {  	s31 =	rddreg [dreg:$0x3];
	s0 =	sor.u32 s0, s30  }
0x28: {  	s30 =	sadd.s32 s31, s0  }
0x29: {  	[tilespmem:s2], [sflag:$0x3] =	stream.linear.gather [hbm4b:s30+s2], $0x80, $0x38;
	[tilespmem:$0x10100] =	vst v63  }
0x2a: {  	_ =	swait.ge [sflag:s10], $0x80  }
0x2b: {  	s30 =	rddreg [dreg:$0x4];
	[sflag:s10] =	ssyncset.done $0x0  }
0x2c: {  	s31 =	rddreg [dreg:$0x6];
	s0 =	sadd.s32 s30, s0;
	[sflag:s10] =	ssyncadd.s32 $0xFFFFFF80  }
0x2d: {  	[tilespmem:s31], [sflag:$0x3] =	stream.linear.gather [hbm4b:s0+s2], $0x80, $0x38;
	[tilespmem:$0x10100] =	vst v63  }
0x2e: {  	_ =	swait.ge [sflag:s10], $0x80  }
0x2f: {  	[sflag:s10] =	ssyncset.done $0x0  }
0x30: {  	[sflag:s10] =	ssyncadd.s32 $0xFFFFFF80  }
0x31: {  	v3 =	vld [tilespmem:$0x0];
	_ =	sdelay $0x4  }
0x32: {  	v4 =	vshll.u32 v3, $0x2  }
0x33: {  	v3 =	vand.u32 $0x7, v3;
	v4 =	vand.u32 $0xFFFFFFE0, v4  }
0x34: {  	v3 =	vor.u32 v3, v4  }
0x35: {  	v4 =	vperm.xlane v3, v0;
	_ =	sdelay $0x1  }
0x36: {  	v4 =	vadd.s32 v1, v4;
	_ =	sdelay $0x1  }
0x37: {  	v3 =	vperm.xlane v3, v2;
	_ =	sdelay $0x1  }
0x38: {  	v3 =	vadd.s32 v1, v3  }
0x39: {  	[tilespmem:s11], [sflag:$0x1] =	stream.indirect_vreg.gather [hbm4b:s3+s2], $0x80, v4, vm0, $0xb8;
	[tilespmem:$0x10100] =	vst v63  }
0x3a: {  	s31 =	rddreg [dreg:$0x7]  }
0x3b: {  	[tilespmem:s31], [sflag:$0x1] =	stream.indirect_vreg.gather [hbm4b:s5+s2], $0x80, v4, vm0, $0xb8;
	[tilespmem:$0x10100] =	vst v63  }
0x3c: {  	s30 =	rddreg [dreg:$0x8]  }
0x3d: {  	[tilespmem:s30], [sflag:$0x1] =	stream.indirect_vreg.gather [hbm4b:s3+s2], $0x80, v3, vm0, $0xb8;
	[tilespmem:$0x10100] =	vst v63  }
0x3e: {  	s31 =	rddreg [dreg:$0x9]  }
0x3f: {  	[tilespmem:s31], [sflag:$0x1] =	stream.indirect_vreg.gather [hbm4b:s5+s2], $0x80, v3, vm0, $0xb8;
	[tilespmem:$0x10100] =	vst v63  }
0x40: {  	v3 =	vld [tilespmem:$0x10];
	_ =	sdelay $0x4  }
0x41: {  	v57 =	vshll.u32 v3, $0x2  }
0x42: {  	v3 =	vand.u32 $0x7, v3;
	v4 =	vand.u32 $0xFFFFFFE0, v57  }
0x43: {  	v3 =	vor.u32 v3, v4  }
0x44: {  	v4 =	vperm.xlane v3, v0;
	_ =	sdelay $0x1  }
0x45: {  	v4 =	vadd.s32 v1, v4;
	_ =	sdelay $0x1  }
0x46: {  	v3 =	vperm.xlane v3, v2;
	_ =	sdelay $0x1  }
0x47: {  	s0 =	rddreg [dreg:$0xa];
	v3 =	vadd.s32 v1, v3  }
0x48: {  	[tilespmem:s0], [sflag:$0x1] =	stream.indirect_vreg.gather [hbm4b:s3+s2], $0x80, v4, vm0, $0xb8;
	[tilespmem:$0x10100] =	vst v63  }
0x49: {  	s31 =	rddreg [dreg:$0xb]  }
0x4a: {  	[tilespmem:s31], [sflag:$0x1] =	stream.indirect_vreg.gather [hbm4b:s5+s2], $0x80, v4, vm0, $0xb8;
	[tilespmem:$0x10100] =	vst v63  }
0x4b: {  	s0 =	rddreg [dreg:$0xc]  }
0x4c: {  	[tilespmem:s0], [sflag:$0x1] =	stream.indirect_vreg.gather [hbm4b:s3+s2], $0x80, v3, vm0, $0xb8;
	[tilespmem:$0x10100] =	vst v63  }
0x4d: {  	s31 =	rddreg [dreg:$0xd]  }
0x4e: {  	[tilespmem:s31], [sflag:$0x1] =	stream.indirect_vreg.gather [hbm4b:s5+s2], $0x80, v3, vm0, $0xb8;
	[tilespmem:$0x10100] =	vst v63  }
0x4f: {  	v3 =	vld [tilespmem:$0x20];
	_ =	sdelay $0x4  }
0x50: {  	v58 =	vshll.u32 v3, $0x2  }
0x51: {  	v3 =	vand.u32 $0x7, v3;
	v4 =	vand.u32 $0xFFFFFFE0, v58  }
0x52: {  	v3 =	vor.u32 v3, v4  }
0x53: {  	v4 =	vperm.xlane v3, v0;
	_ =	sdelay $0x1  }
0x54: {  	v4 =	vadd.s32 v1, v4;
	_ =	sdelay $0x1  }
0x55: {  	v3 =	vperm.xlane v3, v2;
	_ =	sdelay $0x1  }
0x56: {  	s0 =	rddreg [dreg:$0xe];
	v3 =	vadd.s32 v1, v3  }
0x57: {  	[tilespmem:s0], [sflag:$0x1] =	stream.indirect_vreg.gather [hbm4b:s3+s2], $0x80, v4, vm0, $0xb8;
	[tilespmem:$0x10100] =	vst v63  }
0x58: {  	s31 =	rddreg [dreg:$0xf]  }
0x59: {  	[tilespmem:s31], [sflag:$0x1] =	stream.indirect_vreg.gather [hbm4b:s5+s2], $0x80, v4, vm0, $0xb8;
	[tilespmem:$0x10100] =	vst v63  }
0x5a: {  	s0 =	rddreg [dreg:$0x10]  }
0x5b: {  	[tilespmem:s0], [sflag:$0x1] =	stream.indirect_vreg.gather [hbm4b:s3+s2], $0x80, v3, vm0, $0xb8;
	[tilespmem:$0x10100] =	vst v63  }
0x5c: {  	s31 =	rddreg [dreg:$0x11]  }
0x5d: {  	[tilespmem:s31], [sflag:$0x1] =	stream.indirect_vreg.gather [hbm4b:s5+s2], $0x80, v3, vm0, $0xb8;
	[tilespmem:$0x10100] =	vst v63  }
0x5e: {  	v3 =	vld [tilespmem:$0x30];
	_ =	sdelay $0x4  }
0x5f: {  	v59 =	vshll.u32 v3, $0x2  }
0x60: {  	v3 =	vand.u32 $0x7, v3;
	v4 =	vand.u32 $0xFFFFFFE0, v59  }
0x61: {  	v3 =	vor.u32 v3, v4  }
0x62: {  	v4 =	vperm.xlane v3, v0;
	_ =	sdelay $0x1  }
0x63: {  	v4 =	vadd.s32 v1, v4;
	_ =	sdelay $0x1  }
0x64: {  	v3 =	vperm.xlane v3, v2;
	_ =	sdelay $0x1  }
0x65: {  	s0 =	rddreg [dreg:$0x12];
	v3 =	vadd.s32 v1, v3  }
0x66: {  	[tilespmem:s0], [sflag:$0x1] =	stream.indirect_vreg.gather [hbm4b:s3+s2], $0x80, v4, vm0, $0xb8;
	[tilespmem:$0x10100] =	vst v63  }
0x67: {  	s31 =	rddreg [dreg:$0x13]  }
0x68: {  	[tilespmem:s31], [sflag:$0x1] =	stream.indirect_vreg.gather [hbm4b:s5+s2], $0x80, v4, vm0, $0xb8;
	[tilespmem:$0x10100] =	vst v63  }
0x69: {  	s0 =	rddreg [dreg:$0x14]  }
0x6a: {  	[tilespmem:s0], [sflag:$0x1] =	stream.indirect_vreg.gather [hbm4b:s3+s2], $0x80, v3, vm0, $0xb8;
	[tilespmem:$0x10100] =	vst v63  }
0x6b: {  	s31 =	rddreg [dreg:$0x15]  }
0x6c: {  	[tilespmem:s31], [sflag:$0x1] =	stream.indirect_vreg.gather [hbm4b:s5+s2], $0x80, v3, vm0, $0xb8;
	[tilespmem:$0x10100] =	vst v63  }
0x6d: {  	v3 =	vld [tilespmem:$0x80];
	_ =	sdelay $0x4  }
0x6e: {  	v60 =	vshll.u32 v3, $0x2  }
0x6f: {  	v3 =	vand.u32 $0x7, v3;
	v4 =	vand.u32 $0xFFFFFFE0, v60  }
0x70: {  	v3 =	vor.u32 v3, v4  }
0x71: {  	v4 =	vperm.xlane v3, v0;
	_ =	sdelay $0x1  }
0x72: {  	v4 =	vadd.s32 v1, v4;
	_ =	sdelay $0x1  }
0x73: {  	v3 =	vperm.xlane v3, v2;
	_ =	sdelay $0x1  }
0x74: {  	v3 =	vadd.s32 v1, v3  }
0x75: {  	[tilespmem:s12], [sflag:$0x2] =	stream.indirect_vreg.gather [hbm4b:s4+s2], $0x80, v4, vm0, $0xb8;
	[tilespmem:$0x10100] =	vst v63  }
0x76: {  	s31 =	rddreg [dreg:$0x16]  }
0x77: {  	[tilespmem:s31], [sflag:$0x2] =	stream.indirect_vreg.gather [hbm4b:s6+s2], $0x80, v4, vm0, $0xb8;
	[tilespmem:$0x10100] =	vst v63  }
0x78: {  	s30 =	rddreg [dreg:$0x17]  }
0x79: {  	[tilespmem:s30], [sflag:$0x2] =	stream.indirect_vreg.gather [hbm4b:s4+s2], $0x80, v3, vm0, $0xb8;
	[tilespmem:$0x10100] =	vst v63  }
0x7a: {  	s31 =	rddreg [dreg:$0x18]  }
0x7b: {  	[tilespmem:s31], [sflag:$0x2] =	stream.indirect_vreg.gather [hbm4b:s6+s2], $0x80, v3, vm0, $0xb8;
	[tilespmem:$0x10100] =	vst v63  }
0x7c: {  	v3 =	vld [tilespmem:$0x90];
	_ =	sdelay $0x4  }
0x7d: {  	v61 =	vshll.u32 v3, $0x2  }
0x7e: {  	v3 =	vand.u32 $0x7, v3;
	v4 =	vand.u32 $0xFFFFFFE0, v61  }
0x7f: {  	v3 =	vor.u32 v3, v4  }
0x80: {  	v4 =	vperm.xlane v3, v0;
	_ =	sdelay $0x1  }
0x81: {  	v4 =	vadd.s32 v1, v4;
	_ =	sdelay $0x1  }
0x82: {  	v3 =	vperm.xlane v3, v2;
	_ =	sdelay $0x1  }
0x83: {  	s0 =	rddreg [dreg:$0x19];
	v3 =	vadd.s32 v1, v3  }
0x84: {  	[tilespmem:s0], [sflag:$0x2] =	stream.indirect_vreg.gather [hbm4b:s4+s2], $0x80, v4, vm0, $0xb8;
	[tilespmem:$0x10100] =	vst v63  }
0x85: {  	s31 =	rddreg [dreg:$0x1a]  }
0x86: {  	[tilespmem:s31], [sflag:$0x2] =	stream.indirect_vreg.gather [hbm4b:s6+s2], $0x80, v4, vm0, $0xb8;
	[tilespmem:$0x10100] =	vst v63  }
0x87: {  	_ = 	snop  }
0x88: {  	[tilespmem:s13], [sflag:$0x2] =	stream.indirect_vreg.gather [hbm4b:s4+s2], $0x80, v3, vm0, $0xb8;
	[tilespmem:$0x10100] =	vst v63  }
0x89: {  	_ = 	snop  }
0x8a: {  	[tilespmem:s14], [sflag:$0x2] =	stream.indirect_vreg.gather [hbm4b:s6+s2], $0x80, v3, vm0, $0xb8;
	[tilespmem:$0x10100] =	vst v63  }
0x8b: {  	v3 =	vld [tilespmem:$0xA0];
	_ =	sdelay $0x4  }
0x8c: {  	v62 =	vshll.u32 v3, $0x2  }
0x8d: {  	v3 =	vand.u32 $0x7, v3;
	v4 =	vand.u32 $0xFFFFFFE0, v62  }
0x8e: {  	v3 =	vor.u32 v3, v4  }
0x8f: {  	v4 =	vperm.xlane v3, v0;
	_ =	sdelay $0x1  }
0x90: {  	v4 =	vadd.s32 v1, v4;
	_ =	sdelay $0x1  }
0x91: {  	v3 =	vperm.xlane v3, v2;
	_ =	sdelay $0x1  }
0x92: {  	v3 =	vadd.s32 v1, v3  }
0x93: {  	[tilespmem:s15], [sflag:$0x2] =	stream.indirect_vreg.gather [hbm4b:s4+s2], $0x80, v4, vm0, $0xb8;
	[tilespmem:$0x10100] =	vst v63  }
0x94: {  	_ = 	snop  }
0x95: {  	[tilespmem:s16], [sflag:$0x2] =	stream.indirect_vreg.gather [hbm4b:s6+s2], $0x80, v4, vm0, $0xb8;
	[tilespmem:$0x10100] =	vst v63  }
0x96: {  	_ = 	snop  }
0x97: {  	[tilespmem:s17], [sflag:$0x2] =	stream.indirect_vreg.gather [hbm4b:s4+s2], $0x80, v3, vm0, $0xb8;
	[tilespmem:$0x10100] =	vst v63  }
0x98: {  	_ = 	snop  }
0x99: {  	[tilespmem:s18], [sflag:$0x2] =	stream.indirect_vreg.gather [hbm4b:s6+s2], $0x80, v3, vm0, $0xb8;
	[tilespmem:$0x10100] =	vst v63  }
0x9a: {  	v3 =	vld [tilespmem:$0xB0];
	_ =	sdelay $0x4  }
0x9b: {  	v63 =	vshll.u32 v3, $0x2  }
0x9c: {  	v3 =	vand.u32 $0x7, v3;
	v4 =	vand.u32 $0xFFFFFFE0, v63  }
0x9d: {  	v3 =	vor.u32 v3, v4  }
0x9e: {  	v4 =	vperm.xlane v3, v0;
	_ =	sdelay $0x1  }
0x9f: {  	v4 =	vadd.s32 v1, v4;
	_ =	sdelay $0x1  }
0xa0: {  	v3 =	vperm.xlane v3, v2;
	_ =	sdelay $0x1  }
0xa1: {  	v3 =	vadd.s32 v1, v3  }
0xa2: {  	[tilespmem:s19], [sflag:$0x2] =	stream.indirect_vreg.gather [hbm4b:s4+s2], $0x80, v4, vm0, $0xb8;
	[tilespmem:$0x10100] =	vst v63  }
0xa3: {  	_ = 	snop  }
0xa4: {  	[tilespmem:s20], [sflag:$0x2] =	stream.indirect_vreg.gather [hbm4b:s6+s2], $0x80, v4, vm0, $0xb8;
	[tilespmem:$0x10100] =	vst v63  }
0xa5: {  	_ = 	snop  }
0xa6: {  	[tilespmem:s21], [sflag:$0x2] =	stream.indirect_vreg.gather [hbm4b:s4+s2], $0x80, v3, vm0, $0xb8;
	[tilespmem:$0x10100] =	vst v63  }
0xa7: {  	_ = 	snop  }
0xa8: {  	[tilespmem:s22], [sflag:$0x2] =	stream.indirect_vreg.gather [hbm4b:s6+s2], $0x80, v3, vm0, $0xb8;
	[tilespmem:$0x10100] =	vst v63  }
0xa9: {  	_ =	swait.ge [sflag:s23], $0x8000  }
0xaa: {  	[sflag:s23] =	ssyncset.done $0x0  }
0xab: {  	[sflag:s23] =	ssyncadd.s32 $0xFFFF8000  }
0xac: {  	_ =	swait.ge [sflag:s24], $0x8000  }
0xad: {  	[sflag:s24] =	ssyncset.done $0x0  }
0xae: {  	[sflag:s24] =	ssyncadd.s32 $0xFFFF8000  }
0xaf: {  	[hbm4b:s26+s2] =	stream.linear.scatter [tilespmem:s11], [sflag:$0x3], $0x8000, $0x38;
	[tilespmem:$0x10100] =	vst v63  }
0xb0: {  	_ =	swait.ge [sflag:s10], $0x8000  }
0xb1: {  	p0 =	sne.s32 s29, $0x9F0;
	[sflag:s10] =	ssyncset.done $0x0  }
.Ltmp0:
0xb2: {  	[sflag:s10] =	ssyncadd.s32 $0xFFFF8000;
	(pc) =	sbr.rel @p0 .LBB2_2-.Ltmp0, $4  }
0xb3: {  	[hbm4b:s28+s2] =	stream.linear.scatter [tilespmem:s12], [sflag:$0x3], $0x8000, $0x38;
	[tilespmem:$0x10100] =	vst v63  }
0xb4: {  	_ =	swait.ge [sflag:s10], $0x8000  }
0xb5: {  	s29 =	sadd.s32 $0x10, s29;
	[sflag:s10] =	ssyncset.done $0x0  }
0xb6: {  	s26 =	sadd.s32 $0x1000, s26;
	s28 =	sadd.s32 $0x1000, s28;
	[sflag:s10] =	ssyncadd.s32 $0xFFFF8000  }
0xb7: {  	s25 =	sadd.s32 $0x1, s25  }
0xb8: {  	p0 =	sne.s32 s25, s7  }
.Ltmp1:
0xb9: {  	_ = 	snop;
	(pc) =	sbr.rel @p0 .LBB2_1-.Ltmp1, $1  }
0xba: {  	_ =	sdelay $0x3  }
0xbb: {  	_ =	sfence.sel $0x180000  }
0xbc: {  	[bflag:$0x0] =	sbarrier.arrive $0xFFFF  }
0xbd: {  	_ =	strace $0x90000047  }
0xbe: {  	[bflag:$0x2] =	sbarrier.arrive $0xFFFF  }
0xbf: {  	p0 =	sne.s32 s1, $0x0;
	s0 =	rddreg [dreg:$0x2]  }
0xc0: {  	s0 =	sadd.s32 @!p0 $0x100000, s0  }
0xc1: {  	[sflag:s0] =	ssyncadd.tile.s32 @!p0 $0x1;
	_ =	shalt  }
.Lfunc_end2:
_tile_overlayer_lowered:
.L_overlay_start_2:
0xc2: {  	(tag) =	ssettag $0x2  }
0xc3: {  	s0 =	rddreg [dreg:$0x0];
	s2 =	stileid.u32  }
0xc4: {  	s1 =	rddreg [dreg:$0x1];
	p0 =	sne.s32 s2, $0x0  }
0xc5: {  	s3 =	rddreg [dreg:$0x2];
	[bflag:$0x3] =	sbarrier.arrive $0xFFFF;
	s2 =	simm.s32 @!p0 $0x1C03  }
0xc6: {  	[timem:s3], [sflag:s2] =	dma.local @!p0 [hbm:s0], s1  }
0xc7: {  	s0 =	simm.s32 @!p0 $0x3  }
0xc8: {  	_ =	swait.ge @!p0 [sflag:s0], s1  }
0xc9: {  	s1 =	ssub.s32 @!p0 $0x0, s1;
	[sflag:s0] =	ssyncset.done @!p0 $0x0  }
0xca: {  	[sflag:s0] =	ssyncadd.s32 @!p0 s1  }
0xcb: {  	[bflag:$0x3] =	sbarrier.arrive $0xFFFF  }
0xcc: {  	_ =	shalt  }

// kernel: kernel.15.cloned.1.call-start
scs
__scs_entry_jumppad:
0x0: {  	(pc) =	sbr.rel $0x88, $3  }
0x1: {  	(tag) =	ssettag $0x0;
	lr =	simm.s32 $0x1  }
0x2: {  	[smem:$0x3F7D] =	sst lr;
	_ =	strace $0xD0000000  }
0x3: {  	_ = 	snop  }
0x4: {  	_ = 	snop  }
0x5: {  	_ = 	snop  }
0x6: {  	_ = 	snop  }
0x7: {  	_ = 	snop  }
__scs_overlays_trampoline_lowered:
0x8: {  	[smem:$0x3F8C] =	sst s0  }
0x9: {  	[smem:$0x3F8D] =	sst s1  }
0xa: {  	[smem:$0x3F8E] =	sst s2  }
0xb: {  	[smem:$0x3F8F] =	sst s3  }
0xc: {  	[smem:$0x3F90] =	sst s4  }
0xd: {  	[smem:$0x3F91] =	sst s5  }
0xe: {  	[smem:$0x3F92] =	sst s6  }
0xf: {  	[smem:$0x3F93] =	sst s7  }
0x10: {  	[smem:$0x3F94] =	sst s8  }
0x11: {  	[smem:$0x3F95] =	sst s9;
	s0 =	simm.s32 @!p0 $0x0  }
0x12: {  	s1 =	sld [smem:$0x3F7B];
	s0 =	simm.s32 @p0 $0x1  }
0x13: {  	[smem:$0x3F96] =	sst s0;
	s0 =	simm.s32 @!p1 $0x0  }
0x14: {  	s2 =	sld [smem:$0x3F7A];
	s0 =	simm.s32 @p1 $0x1  }
0x15: {  	[smem:$0x3F97] =	sst s0;
	s0 =	simm.s32 @!p2 $0x0  }
0x16: {  	s3 =	sld [smem:$0x3FDB];
	s0 =	simm.s32 @p2 $0x1  }
0x17: {  	s4 =	simm.s32 $0x1BF5;
	[smem:$0x3F99] =	sst s0  }
0x18: {  	s0 =	sld [smem:$0x3F7C];
	_ =	swait.ge [sflag:s4], $0x0  }
0x19: {  	s7 =	sld [smem:$0x3F7D]  }
0x1a: {  	s8 =	sadd.s32 $0xFFFFE003, lr  }
0x1b: {  	s9 =	sadd.s32 $0xFFFFFEF7, lr;
	s5 =	simm.s32 $0xFFFFFFFF;
	p2 =	slt.u32 s8, $0xFFFFF086  }
0x1c: {  	p1 =	slt.u32 s9, $0xF7A;
	s5 =	simm.s32 @!p2 $0x0  }
0x1d: {  	s5 =	simm.s32 @p1 $0x1;
	p0 =	seq.s32 s7, s2  }
0x1e: {  	s7 =	smul.u32 @!p0 $0xF7A, s2;
	p2 =	seq.s32 @!p0 s5, $0x0  }
0x1f: {  	s9 =	smul.u32 $0xF7A, s1;
	s8 =	simm.s32 @!p0 $0x1BF5;
	p2 =	por !p2, p0  }
0x20: {  	[sflag:s8] =	ssyncset.s32 @!p0 $0xFFFFF086;
	s6 =	sadd.s32 @!p0 s3, s7;
	s7 =	simm.s32 @!p0 $0x108  }
0x21: {  	s3 =	sadd.s32 s3, s9;
	s6 =	sadd.s32 @!p0 $0x88, s6;
	s7 =	simm.s32 @p2 $0x1082  }
0x22: {  	[simem:s7], [sflag:s8] =	dma.local @!p0 [hbm:s6], $0xF7A  }
0x23: {  	s9 =	sor.u32 $0xD0000000, s2;
	s6 =	simm.s32 $0x108;
	_ =	swait.ge @!p0 [sflag:s8], $0x0  }
0x24: {  	s3 =	sadd.s32 $0x88, s3;
	s6 =	simm.s32 @!p1 $0x1082;
	[sflag:s4] =	ssyncset.s32 $0xFFFFF086  }
0x25: {  	[simem:s6], [sflag:s4] =	dma.local [hbm:s3], $0xF7A  }
0x26: {  	[smem:$0x3F7D] =	sst s1;
	(tag) =	ssettag s2;
	_ =	strace s9  }
0x27: {  	s1 =	sld [smem:$0x3F8D]  }
0x28: {  	s2 =	sld [smem:$0x3F8E]  }
0x29: {  	s4 =	sld [smem:$0x3F90]  }
0x2a: {  	p0 =	seq.s32 s5, $0x0;
	s5 =	sld [smem:$0x3F91]  }
0x2b: {  	s6 =	sld [smem:$0x3F92]  }
0x2c: {  	s7 =	sld [smem:$0x3F93]  }
0x2d: {  	s3 =	simm.s32 $0x108;
	s8 =	sld [smem:$0x3F94]  }
0x2e: {  	s3 =	simm.s32 @!p0 $0x1082;
	s9 =	sld [smem:$0x3F95]  }
0x2f: {  	lr =	sadd.s32 s0, s3;
	s0 =	sld [smem:$0x3F8C]  }
0x30: {  	s3 =	sld [smem:$0x3F8F]  }
0x31: {  	[smem:$0x3F98] =	sst s10  }
0x32: {  	s10 =	sld [smem:$0x3F96];
	_ =	sdelay $0x3  }
0x33: {  	p0 =	seq.s32 s10, $0x1;
	s10 =	sld [smem:$0x3F98];
	_ =	sdelay $0x3  }
0x34: {  	[smem:$0x3F98] =	sst s10  }
0x35: {  	s10 =	sld [smem:$0x3F97];
	_ =	sdelay $0x3  }
0x36: {  	p1 =	seq.s32 s10, $0x1;
	s10 =	sld [smem:$0x3F98];
	_ =	sdelay $0x3  }
0x37: {  	[smem:$0x3F98] =	sst s10  }
0x38: {  	s10 =	sld [smem:$0x3F99]  }
0x39: {  	_ = 	snop;
	(pc) =	sbr.ind lr, $3  }
0x3a: {  	_ = 	snop  }
0x3b: {  	_ = 	snop  }
0x3c: {  	p2 =	seq.s32 s10, $0x1;
	s10 =	sld [smem:$0x3F98]  }
0x3d: {  	_ =	shalt  }
0x3e: {  	_ =	shalt  }
0x3f: {  	_ =	shalt  }
0x40: {  	_ =	shalt  }
0x41: {  	_ =	shalt  }
0x42: {  	_ =	shalt  }
0x43: {  	_ =	shalt  }
0x44: {  	_ =	shalt  }
0x45: {  	_ =	shalt  }
0x46: {  	_ =	shalt  }
0x47: {  	_ =	shalt  }
0x48: {  	_ =	shalt  }
0x49: {  	_ =	shalt  }
0x4a: {  	_ =	shalt  }
0x4b: {  	_ =	shalt  }
0x4c: {  	_ =	shalt  }
0x4d: {  	_ =	shalt  }
0x4e: {  	_ =	shalt  }
0x4f: {  	_ =	shalt  }
0x50: {  	_ =	shalt  }
0x51: {  	_ =	shalt  }
0x52: {  	_ =	shalt  }
0x53: {  	_ =	shalt  }
0x54: {  	_ =	shalt  }
0x55: {  	_ =	shalt  }
0x56: {  	_ =	shalt  }
0x57: {  	_ =	shalt  }
0x58: {  	_ =	shalt  }
0x59: {  	_ =	shalt  }
0x5a: {  	_ =	shalt  }
0x5b: {  	_ =	shalt  }
0x5c: {  	_ =	shalt  }
0x5d: {  	_ =	shalt  }
0x5e: {  	_ =	shalt  }
0x5f: {  	_ =	shalt  }
0x60: {  	_ =	shalt  }
0x61: {  	_ =	shalt  }
0x62: {  	_ =	shalt  }
0x63: {  	_ =	shalt  }
0x64: {  	_ =	shalt  }
0x65: {  	_ =	shalt  }
0x66: {  	_ =	shalt  }
0x67: {  	_ =	shalt  }
0x68: {  	_ =	shalt  }
0x69: {  	_ =	shalt  }
0x6a: {  	_ =	shalt  }
0x6b: {  	_ =	shalt  }
0x6c: {  	_ =	shalt  }
0x6d: {  	_ =	shalt  }
0x6e: {  	_ =	shalt  }
0x6f: {  	_ =	shalt  }
0x70: {  	_ =	shalt  }
0x71: {  	_ =	shalt  }
0x72: {  	_ =	shalt  }
0x73: {  	_ =	shalt  }
0x74: {  	_ =	shalt  }
0x75: {  	_ =	shalt  }
0x76: {  	_ =	shalt  }
0x77: {  	_ =	shalt  }
0x78: {  	_ =	shalt  }
0x79: {  	_ =	shalt  }
0x7a: {  	_ =	shalt  }
0x7b: {  	_ =	shalt  }
0x7c: {  	_ =	shalt  }
0x7d: {  	_ =	shalt  }
0x7e: {  	_ =	shalt  }
0x7f: {  	_ =	shalt  }
0x80: {  	_ =	shalt  }
0x81: {  	_ =	shalt  }
0x82: {  	_ =	shalt  }
0x83: {  	_ =	shalt  }
0x84: {  	_ =	shalt  }
0x85: {  	_ =	shalt  }
0x86: {  	_ =	shalt  }
0x87: {  	_ =	shalt  }
.Lfunc_end0:
.L_simem_size_0:
called_computation.1_lowered:
.L_overlay_start_0:
0x88: {  	s2 =	sld [smem:$0x3FD9]  }
0x89: {  	s3 =	sld [smem:$0x3FFE];
	_ =	sdelay $0x1  }
0x8a: {  	s1 =	srdreg.scid  }
0x8b: {  	s0 =	sand.u32 $0x1, s1  }
0x8c: {  	s16 =	sshll.u32 s0, $0xA;
	s2 =	sadd.s32 s3, s2  }
0x8d: {  	s2 =	sadd.s32 s2, s16  }
0x8e: {  	[smem:$0x3FA4] =	sst s2  }
0x8f: {  	_ = 	snop  }
0x90: {  	(tm) =	ssettm $0x1  }
0x91: {  	s17 =	sld [smem:$0x3FFB];
	_ =	sdelay $0x3  }
0x92: {  	_ =	strace s17  }
0x93: {  	s2 =	sld [smem:$0x3FFC];
	_ =	sdelay $0x3  }
0x94: {  	_ =	strace s2  }
0x95: {  	s2 =	sld [smem:$0x3FFD];
	_ =	sdelay $0x3  }
0x96: {  	_ =	strace s2  }
0x97: {  	_ =	strace $0x8FFFFFFF  }
0x98: {  	s18 =	sld [smem:$0x3FDB];
	_ =	sdelay $0x1  }
0x99: {  	s19 =	simm.s32 $_scs_section_size  }
0x9a: {  	s4 =	simm.s32 $_size__tile_overlayer_lowered;
	s5 =	simm.s32 $_tile_overlayer_lowered  }
0x9b: {  	s22 =	simm.s32 $0x1BFF;
	s21 =	sshll.u32 s5, $0x1;
	s2 =	sadd.s32 s19, s18  }
0x9c: {  	s6 =	simm.s32 $0x0;
	s20 =	sshll.u32 s4, $0x1;
	s4 =	sadd.s32 s21, s2  }
0x9d: {  	[timem:s6], [sflag:s22] =	dma.local [hbm:s4], s20  }
0x9e: {  	_ =	swait.ge [sflag:s22], s20  }
0x9f: {  	s3 =	ssub.s32 $0x0, s20;
	[sflag:s22] =	ssyncset.done $0x0  }
0xa0: {  	[sflag:s22] =	ssyncadd.s32 s3;
	_ =	sdelay $0x1  }
0xa1: {  	s23 =	simm.s32 $0x1B8B  }
0xa2: {  	_ =	swait.ge [sflag:s23], $0x1  }
0xa3: {  	[sflag:s23] =	ssyncset.done $0x0  }
0xa4: {  	s25 =	simm.s32 $0x1B8E;
	s24 =	sld [smem:$0x3FFE];
	[sflag:s23] =	ssyncadd.s32 $0xFFFFFFFF  }
0xa5: {  	s26 =	simm.s32 $execute0_lowered;
	[smem:$0x3FD2] =	sst s25  }
0xa6: {  	s4 =	sshll.u32 s26, $0x1;
	_ =	strace $0x80000049;
	[dreg:$0x1] =	wrdreg $0xFFFFFFFF  }
0xa7: {  	s28 =	simm.s32 $_size_execute0_lowered;
	s2 =	sadd.s32 s2, s4;
	[dreg:$0x0] =	wrdreg $0x0  }
0xa8: {  	s4 =	sshll.u32 s28, $0x1;
	[dreg:$0x2] =	wrdreg s2  }
0xa9: {  	[dreg:$0x3] =	wrdreg s4  }
0xaa: {  	[dreg:$0x4] =	wrdreg $0xC0  }
0xab: {  	_ =	task [dreg:s6], $0x5FFFF  }
0xac: {  	[dreg:$0x1] =	wrdreg $0xFFFFFFFF  }
0xad: {  	[dreg:$0x0] =	wrdreg $0x60  }
0xae: {  	[dreg:$0x2] =	wrdreg s24  }
0xaf: {  	[dreg:$0x3] =	wrdreg $0x40800  }
0xb0: {  	[dreg:$0x4] =	wrdreg $0x9  }
0xb1: {  	_ =	task.clear_ibuf [dreg:s6], $0x5FFFF;
	_ =	strace $0x90000049  }
0xb2: {  	s29 =	simm.s32 $0x9;
	_ =	strace $0x8000004B  }
0xb3: {  	_ =	swait.ge [sflag:s29], $0x1  }
0xb4: {  	[sflag:s29] =	ssyncadd.s32 $0xFFFFFFFF  }
0xb5: {  	_ =	strace $0x9000004B  }
0xb6: {  	_ =	sfence  }
0xb7: {  	s30 =	sld [smem:$0x0];
	_ =	sdelay $0x2  }
0xb8: {  	s31 =	sshll.u32 s1, $0xD;
	s1 =	sshrl.u32 s1, $0x2  }
0xb9: {  	s3 =	sand.u32 $0x4000, s31;
	s1 =	sadd.s32 s1, s30  }
0xba: {  	s0 =	sor.u32 s3, s0;
	s1 =	sshll.u32 s1, $0x11  }
0xbb: {  	s0 =	sor.u32 s1, s0  }
0xbc: {  	s0 =	sadd.s32 $0x8F2B, s0  }
0xbd: {  	[sflag:s0] =	ssyncadd.remote.s32 $0x1  }
0xbe: {  	_ =	sfence.sel $0xFFFF  }
0xbf: {  	[dreg:$0x0] =	wrdreg $0xFFFFFFFF;
	(pc) =	sbr.abs _section_cstart, $3  }
0xc0: {  	[dreg:$0x1] =	wrdreg $0xFFFFFFFF  }
0xc1: {  	_ =	task.clear_ibuf [dreg:s6], $0x2FFFF;
	_ =	strace $0x9FFFFFFF  }
0xc2: {  	(tm) =	ssettm $0x7FFFFFFF  }
0xc3: {  	_ =	shalt  }
tec
execute0_lowered:
.L_overlay_start_1:
0x0: {  	(tag) =	ssettag $0x1  }
0x1: {  	s1 =	stileid.u32  }
0x2: {  	s5 =	rddreg [dreg:$0x0];
	s7 =	smul.u32 $0x14000, s1  }
0x3: {  	s0 =	srdreg.scid;
	s11 =	smul.u32 $0x50000, s1  }
0x4: {  	s2 =	rddreg [dreg:$0x1];
	s3 =	simm.s32 $0x0;
	s30 =	smul.u32 $0x28000, s1  }
0x5: {  	s6 =	sand.u32 $0x1, s0;
	s0 =	rddreg [dreg:$0x2];
	s31 =	smul.u32 $0x500, s1  }
0x6: {  	[smem:$0x7FF] =	sst s3;
	s4 =	smul.u32 $0x280000, s6  }
0x7: {  	s13 =	sshll.u32 s1, $0x6;
	s8 =	smul.u32 $0x140000, s6;
	_ =	strace $0x8000004A  }
0x8: {  	s26 =	ssub.s32 $0x2, s6;
	s14 =	smul.u32 $0x5000, s6;
	s6 =	sor.u32 $0x1C01, s13  }
0x9: {  	s13 =	simm.s32 $0x80;
	s10 =	sshrl.u32 s7, $0x3;
	s28 =	sshrl.u32 s26, $0x1  }
0xa: {  	s29 =	sshrl.u32 s11, $0x2;
	s9 =	sadd.s32 s4, s5;
	s4 =	sadd.s32 $0x11C00, s5  }
0xb: {  	s7 =	sadd.s32 s7, s8;
	s10 =	sadd.s32 s10, s5;
	s8 =	ssub.s32 s26, s28  }
0xc: {  	s12 =	sadd.s32 s29, s2;
	s7 =	sshrl.u32 s7, $0x3;
	s8 =	smax.u32 s8, $0x1  }
0xd: {  	s9 =	sadd.s32 s30, s9;
	s11 =	sshrl.u32 s12, $0x3;
	s12 =	simm.s32 $0x1  }
0xe: {  	s7 =	sadd.s32 s7, s5;
	s5 =	sadd.s32 $0x1BC00, s10;
	s9 =	sadd.s32 $0x2F0FC00, s9  }
0xf: {  	s10 =	sadd.s32 s31, s14;
	s14 =	simm.s32 $0x0;
	s7 =	sadd.s32 $0x43C00, s7  }
.LBB2_1:
0x10: {  	[spmem:s11], [sflag:s6] =	dma.local [hbm:s5], $0x2800  }
0x11: {  	_ =	swait.ge [sflag:s12], $0x2800  }
0x12: {  	s15 =	sadd.s32 $0x0, s10;
	s16 =	sand.u32 $0x70, s3;
	[sflag:s12] =	ssyncset.done $0x0  }
0x13: {  	s15 =	sand.u32 $0x1FF80, s15;
	s16 =	sadd.s32 s4, s16;
	[sflag:s12] =	ssyncadd.s32 $0xFFFFD800  }
0x14: {  	s15 =	sadd.s32 s15, s16;
	[bflag:$0x0] =	sbarrier.arrive $0xFFFF  }
0x15: {  	[tilespmem:s3], [sflag:$0x1] =	stream.linear.gather [hbm4b:s15+s3], $0x80, $0x38;
	[tilespmem:$0x18080] =	vst v63  }
0x16: {  	_ =	swait.ge [sflag:s12], $0x80  }
0x17: {  	[sflag:s12] =	ssyncset.done $0x0  }
0x18: {  	[sflag:s12] =	ssyncadd.s32 $0xFFFFFF80  }
0x19: {  	[tilespmem:s13], [sflag:$0x1] =	stream.linear.gather [hbm4b:s9+s3], $0x4000, $0x38;
	[tilespmem:$0x18080] =	vst v63  }
0x1a: {  	_ =	swait.ge [sflag:s12], $0x4000  }
0x1b: {  	s17 =	simm.s32 $0x10;
	[sflag:s12] =	ssyncset.done $0x0  }
0x1c: {  	s18 =	sadd.s32 $0x10, s10;
	s19 =	sand.u32 $0x70, s17;
	[sflag:s12] =	ssyncadd.s32 $0xFFFFC000  }
0x1d: {  	[spmem:s2] =	stream.indirect.scatter.add.f32 [tilespmem:s13], [sflag:$0x1], $0x80, s3, s13, $0xb8;
	[tilespmem:$0x18080] =	vst v63  }
0x1e: {  	s17 =	sand.u32 $0x1FF80, s18;
	s16 =	simm.s32 $0x20;
	_ =	swait.ge [sflag:s12], $0x4000  }
0x1f: {  	s18 =	sadd.s32 s4, s19;
	s15 =	sadd.s32 $0x800, s9;
	[sflag:s12] =	ssyncset.done $0x0  }
.LBB2_2:
0x20: {  	s17 =	sadd.s32 s17, s18  }
0x21: {  	[sflag:s12] =	ssyncadd.s32 $0xFFFFC000;
	s18 =	smov.u32 s16;
	s19 =	sadd.s32 $0x10, s16  }
0x22: {  	[tilespmem:s3], [sflag:$0x1] =	stream.linear.gather [hbm4b:s17+s3], $0x80, $0x38;
	[tilespmem:$0x18080] =	vst v63  }
0x23: {  	p0 =	sne.s32 s16, $0x4F0;
	_ =	swait.ge [sflag:s12], $0x80  }
0x24: {  	[sflag:s12] =	ssyncset.done $0x0  }
0x25: {  	[sflag:s12] =	ssyncadd.s32 $0xFFFFFF80  }
0x26: {  	[tilespmem:s13], [sflag:$0x1] =	stream.linear.gather [hbm4b:s15+s3], $0x4000, $0x38;
	[tilespmem:$0x18080] =	vst v63  }
0x27: {  	_ =	swait.ge [sflag:s12], $0x4000  }
.Ltmp0:
0x28: {  	[sflag:s12] =	ssyncset.done $0x0;
	(pc) =	sbr.rel @p0 .LBB2_2-.Ltmp0, $4  }
0x29: {  	s16 =	sadd.s32 s18, s10;
	s15 =	sadd.s32 $0x800, s15;
	[sflag:s12] =	ssyncadd.s32 $0xFFFFC000  }
0x2a: {  	[spmem:s2] =	stream.indirect.scatter.add.f32 [tilespmem:s13], [sflag:$0x1], $0x80, s3, s13, $0xb8;
	[tilespmem:$0x18080] =	vst v63  }
0x2b: {  	s18 =	sand.u32 $0x70, s18;
	s17 =	sand.u32 $0x1FF80, s16;
	_ =	swait.ge [sflag:s12], $0x4000  }
0x2c: {  	s18 =	sadd.s32 s4, s18;
	s16 =	smov.u32 s19;
	[sflag:s12] =	ssyncset.done $0x0  }
0x2d: {  	s16 =	sadd.s32 s17, s18;
	[sflag:s12] =	ssyncadd.s32 $0xFFFFC000  }
0x2e: {  	[tilespmem:s3], [sflag:$0x1] =	stream.linear.gather [hbm4b:s16+s3], $0x80, $0x38;
	[tilespmem:$0x18080] =	vst v63  }
0x2f: {  	_ =	swait.ge [sflag:s12], $0x80  }
0x30: {  	[sflag:s12] =	ssyncset.done $0x0  }
0x31: {  	[sflag:s12] =	ssyncadd.s32 $0xFFFFFF80  }
0x32: {  	[tilespmem:s13], [sflag:$0x1] =	stream.linear.gather [hbm4b:s15+s3], $0x4000, $0x38;
	[tilespmem:$0x18080] =	vst v63  }
0x33: {  	_ =	swait.ge [sflag:s12], $0x4000  }
0x34: {  	[sflag:s12] =	ssyncset.done $0x0  }
0x35: {  	[sflag:s12] =	ssyncadd.s32 $0xFFFFC000  }
0x36: {  	[spmem:s2] =	stream.indirect.scatter.add.f32 [tilespmem:s13], [sflag:$0x1], $0x80, s3, s13, $0xb8;
	[tilespmem:$0x18080] =	vst v63  }
0x37: {  	_ =	swait.ge [sflag:s12], $0x4000  }
0x38: {  	s14 =	sadd.s32 $0x1, s14;
	[sflag:s12] =	ssyncset.done $0x0  }
0x39: {  	p0 =	sne.s32 s14, s8;
	[sflag:s12] =	ssyncadd.s32 $0xFFFFC000  }
.Ltmp1:
0x3a: {  	[bflag:$0x0] =	sbarrier.arrive $0xFFFF;
	(pc) =	sbr.rel @p0 .LBB2_1-.Ltmp1, $4  }
0x3b: {  	[hbm:s7], [sflag:s6] =	dma.local [spmem:s11], $0x2800  }
0x3c: {  	_ =	swait.ge [sflag:s12], $0x2800  }
0x3d: {  	[sflag:s12] =	ssyncset.done $0x0  }
0x3e: {  	[sflag:s12] =	ssyncadd.s32 $0xFFFFD800  }
0x3f: {  	_ =	sfence.sel $0x180000  }
0x40: {  	[bflag:$0x0] =	sbarrier.arrive $0xFFFF  }
0x41: {  	p0 =	sne.s32 s1, $0x0;
	_ =	strace $0x9000004A  }
0x42: {  	s0 =	sadd.s32 @!p0 $0x100000, s0;
	[bflag:$0x2] =	sbarrier.arrive $0xFFFF  }
0x43: {  	[sflag:s0] =	ssyncadd.tile.s32 @!p0 $0x1;
	_ =	shalt  }
.Lfunc_end2:
_tile_overlayer_lowered:
.L_overlay_start_2:
0x44: {  	(tag) =	ssettag $0x2  }
0x45: {  	s0 =	rddreg [dreg:$0x0];
	s2 =	stileid.u32  }
0x46: {  	s1 =	rddreg [dreg:$0x1];
	p0 =	sne.s32 s2, $0x0  }
0x47: {  	s3 =	rddreg [dreg:$0x2];
	[bflag:$0x3] =	sbarrier.arrive $0xFFFF;
	s2 =	simm.s32 @!p0 $0x1C01  }
0x48: {  	[timem:s3], [sflag:s2] =	dma.local @!p0 [hbm:s0], s1  }
0x49: {  	s0 =	simm.s32 @!p0 $0x1  }
0x4a: {  	_ =	swait.ge @!p0 [sflag:s0], s1  }
0x4b: {  	s1 =	ssub.s32 @!p0 $0x0, s1;
	[sflag:s0] =	ssyncset.done @!p0 $0x0  }
0x4c: {  	[sflag:s0] =	ssyncadd.s32 @!p0 s1  }
0x4d: {  	[bflag:$0x3] =	sbarrier.arrive $0xFFFF  }
0x4e: {  	_ =	shalt  }

// kernel: kernel.18.cloned.1.call-start
scs
__scs_entry_jumppad:
0x0: {  	(pc) =	sbr.rel $0x88, $3  }
0x1: {  	(tag) =	ssettag $0x0;
	lr =	simm.s32 $0x1  }
0x2: {  	[smem:$0x3F7D] =	sst lr;
	_ =	strace $0xD0000000  }
0x3: {  	_ = 	snop  }
0x4: {  	_ = 	snop  }
0x5: {  	_ = 	snop  }
0x6: {  	_ = 	snop  }
0x7: {  	_ = 	snop  }
__scs_overlays_trampoline_lowered:
0x8: {  	[smem:$0x3F8C] =	sst s0  }
0x9: {  	[smem:$0x3F8D] =	sst s1  }
0xa: {  	[smem:$0x3F8E] =	sst s2  }
0xb: {  	[smem:$0x3F8F] =	sst s3  }
0xc: {  	[smem:$0x3F90] =	sst s4  }
0xd: {  	[smem:$0x3F91] =	sst s5  }
0xe: {  	[smem:$0x3F92] =	sst s6  }
0xf: {  	[smem:$0x3F93] =	sst s7  }
0x10: {  	[smem:$0x3F94] =	sst s8  }
0x11: {  	[smem:$0x3F95] =	sst s9;
	s0 =	simm.s32 @!p0 $0x0  }
0x12: {  	s1 =	sld [smem:$0x3F7B];
	s0 =	simm.s32 @p0 $0x1  }
0x13: {  	[smem:$0x3F96] =	sst s0;
	s0 =	simm.s32 @!p1 $0x0  }
0x14: {  	s2 =	sld [smem:$0x3F7A];
	s0 =	simm.s32 @p1 $0x1  }
0x15: {  	[smem:$0x3F97] =	sst s0;
	s0 =	simm.s32 @!p2 $0x0  }
0x16: {  	s3 =	sld [smem:$0x3FDB];
	s0 =	simm.s32 @p2 $0x1  }
0x17: {  	s4 =	simm.s32 $0x1BF5;
	[smem:$0x3F99] =	sst s0  }
0x18: {  	s0 =	sld [smem:$0x3F7C];
	_ =	swait.ge [sflag:s4], $0x0  }
0x19: {  	s7 =	sld [smem:$0x3F7D]  }
0x1a: {  	s8 =	sadd.s32 $0xFFFFE003, lr  }
0x1b: {  	s9 =	sadd.s32 $0xFFFFFEF7, lr;
	s5 =	simm.s32 $0xFFFFFFFF;
	p2 =	slt.u32 s8, $0xFFFFF086  }
0x1c: {  	p1 =	slt.u32 s9, $0xF7A;
	s5 =	simm.s32 @!p2 $0x0  }
0x1d: {  	s5 =	simm.s32 @p1 $0x1;
	p0 =	seq.s32 s7, s2  }
0x1e: {  	s7 =	smul.u32 @!p0 $0xF7A, s2;
	p2 =	seq.s32 @!p0 s5, $0x0  }
0x1f: {  	s9 =	smul.u32 $0xF7A, s1;
	s8 =	simm.s32 @!p0 $0x1BF5;
	p2 =	por !p2, p0  }
0x20: {  	[sflag:s8] =	ssyncset.s32 @!p0 $0xFFFFF086;
	s6 =	sadd.s32 @!p0 s3, s7;
	s7 =	simm.s32 @!p0 $0x108  }
0x21: {  	s3 =	sadd.s32 s3, s9;
	s6 =	sadd.s32 @!p0 $0x88, s6;
	s7 =	simm.s32 @p2 $0x1082  }
0x22: {  	[simem:s7], [sflag:s8] =	dma.local @!p0 [hbm:s6], $0xF7A  }
0x23: {  	s9 =	sor.u32 $0xD0000000, s2;
	s6 =	simm.s32 $0x108;
	_ =	swait.ge @!p0 [sflag:s8], $0x0  }
0x24: {  	s3 =	sadd.s32 $0x88, s3;
	s6 =	simm.s32 @!p1 $0x1082;
	[sflag:s4] =	ssyncset.s32 $0xFFFFF086  }
0x25: {  	[simem:s6], [sflag:s4] =	dma.local [hbm:s3], $0xF7A  }
0x26: {  	[smem:$0x3F7D] =	sst s1;
	(tag) =	ssettag s2;
	_ =	strace s9  }
0x27: {  	s1 =	sld [smem:$0x3F8D]  }
0x28: {  	s2 =	sld [smem:$0x3F8E]  }
0x29: {  	s4 =	sld [smem:$0x3F90]  }
0x2a: {  	p0 =	seq.s32 s5, $0x0;
	s5 =	sld [smem:$0x3F91]  }
0x2b: {  	s6 =	sld [smem:$0x3F92]  }
0x2c: {  	s7 =	sld [smem:$0x3F93]  }
0x2d: {  	s3 =	simm.s32 $0x108;
	s8 =	sld [smem:$0x3F94]  }
0x2e: {  	s3 =	simm.s32 @!p0 $0x1082;
	s9 =	sld [smem:$0x3F95]  }
0x2f: {  	lr =	sadd.s32 s0, s3;
	s0 =	sld [smem:$0x3F8C]  }
0x30: {  	s3 =	sld [smem:$0x3F8F]  }
0x31: {  	[smem:$0x3F98] =	sst s10  }
0x32: {  	s10 =	sld [smem:$0x3F96];
	_ =	sdelay $0x3  }
0x33: {  	p0 =	seq.s32 s10, $0x1;
	s10 =	sld [smem:$0x3F98];
	_ =	sdelay $0x3  }
0x34: {  	[smem:$0x3F98] =	sst s10  }
0x35: {  	s10 =	sld [smem:$0x3F97];
	_ =	sdelay $0x3  }
0x36: {  	p1 =	seq.s32 s10, $0x1;
	s10 =	sld [smem:$0x3F98];
	_ =	sdelay $0x3  }
0x37: {  	[smem:$0x3F98] =	sst s10  }
0x38: {  	s10 =	sld [smem:$0x3F99]  }
0x39: {  	_ = 	snop;
	(pc) =	sbr.ind lr, $3  }
0x3a: {  	_ = 	snop  }
0x3b: {  	_ = 	snop  }
0x3c: {  	p2 =	seq.s32 s10, $0x1;
	s10 =	sld [smem:$0x3F98]  }
0x3d: {  	_ =	shalt  }
0x3e: {  	_ =	shalt  }
0x3f: {  	_ =	shalt  }
0x40: {  	_ =	shalt  }
0x41: {  	_ =	shalt  }
0x42: {  	_ =	shalt  }
0x43: {  	_ =	shalt  }
0x44: {  	_ =	shalt  }
0x45: {  	_ =	shalt  }
0x46: {  	_ =	shalt  }
0x47: {  	_ =	shalt  }
0x48: {  	_ =	shalt  }
0x49: {  	_ =	shalt  }
0x4a: {  	_ =	shalt  }
0x4b: {  	_ =	shalt  }
0x4c: {  	_ =	shalt  }
0x4d: {  	_ =	shalt  }
0x4e: {  	_ =	shalt  }
0x4f: {  	_ =	shalt  }
0x50: {  	_ =	shalt  }
0x51: {  	_ =	shalt  }
0x52: {  	_ =	shalt  }
0x53: {  	_ =	shalt  }
0x54: {  	_ =	shalt  }
0x55: {  	_ =	shalt  }
0x56: {  	_ =	shalt  }
0x57: {  	_ =	shalt  }
0x58: {  	_ =	shalt  }
0x59: {  	_ =	shalt  }
0x5a: {  	_ =	shalt  }
0x5b: {  	_ =	shalt  }
0x5c: {  	_ =	shalt  }
0x5d: {  	_ =	shalt  }
0x5e: {  	_ =	shalt  }
0x5f: {  	_ =	shalt  }
0x60: {  	_ =	shalt  }
0x61: {  	_ =	shalt  }
0x62: {  	_ =	shalt  }
0x63: {  	_ =	shalt  }
0x64: {  	_ =	shalt  }
0x65: {  	_ =	shalt  }
0x66: {  	_ =	shalt  }
0x67: {  	_ =	shalt  }
0x68: {  	_ =	shalt  }
0x69: {  	_ =	shalt  }
0x6a: {  	_ =	shalt  }
0x6b: {  	_ =	shalt  }
0x6c: {  	_ =	shalt  }
0x6d: {  	_ =	shalt  }
0x6e: {  	_ =	shalt  }
0x6f: {  	_ =	shalt  }
0x70: {  	_ =	shalt  }
0x71: {  	_ =	shalt  }
0x72: {  	_ =	shalt  }
0x73: {  	_ =	shalt  }
0x74: {  	_ =	shalt  }
0x75: {  	_ =	shalt  }
0x76: {  	_ =	shalt  }
0x77: {  	_ =	shalt  }
0x78: {  	_ =	shalt  }
0x79: {  	_ =	shalt  }
0x7a: {  	_ =	shalt  }
0x7b: {  	_ =	shalt  }
0x7c: {  	_ =	shalt  }
0x7d: {  	_ =	shalt  }
0x7e: {  	_ =	shalt  }
0x7f: {  	_ =	shalt  }
0x80: {  	_ =	shalt  }
0x81: {  	_ =	shalt  }
0x82: {  	_ =	shalt  }
0x83: {  	_ =	shalt  }
0x84: {  	_ =	shalt  }
0x85: {  	_ =	shalt  }
0x86: {  	_ =	shalt  }
0x87: {  	_ =	shalt  }
.Lfunc_end0:
.L_simem_size_0:
called_computation.2_lowered:
.L_overlay_start_0:
0x88: {  	s2 =	sld [smem:$0x3FD9]  }
0x89: {  	s3 =	sld [smem:$0x3FFE];
	_ =	sdelay $0x1  }
0x8a: {  	s1 =	srdreg.scid  }
0x8b: {  	s0 =	sand.u32 $0x1, s1  }
0x8c: {  	s16 =	sshll.u32 s0, $0xA;
	s2 =	sadd.s32 s3, s2  }
0x8d: {  	s2 =	sadd.s32 s2, s16  }
0x8e: {  	[smem:$0x3FA4] =	sst s2  }
0x8f: {  	_ = 	snop  }
0x90: {  	(tm) =	ssettm $0x1  }
0x91: {  	s17 =	sld [smem:$0x3FFB];
	_ =	sdelay $0x3  }
0x92: {  	_ =	strace s17  }
0x93: {  	s2 =	sld [smem:$0x3FFC];
	_ =	sdelay $0x3  }
0x94: {  	_ =	strace s2  }
0x95: {  	s2 =	sld [smem:$0x3FFD];
	_ =	sdelay $0x3  }
0x96: {  	_ =	strace s2  }
0x97: {  	_ =	strace $0x8FFFFFFF  }
0x98: {  	s18 =	sld [smem:$0x3FDB];
	_ =	sdelay $0x1  }
0x99: {  	s19 =	simm.s32 $_scs_section_size  }
0x9a: {  	s4 =	simm.s32 $_size__tile_overlayer_lowered;
	s5 =	simm.s32 $_tile_overlayer_lowered  }
0x9b: {  	s22 =	simm.s32 $0x1BFF;
	s21 =	sshll.u32 s5, $0x1;
	s2 =	sadd.s32 s19, s18  }
0x9c: {  	s6 =	simm.s32 $0x0;
	s20 =	sshll.u32 s4, $0x1;
	s4 =	sadd.s32 s21, s2  }
0x9d: {  	[timem:s6], [sflag:s22] =	dma.local [hbm:s4], s20  }
0x9e: {  	_ =	swait.ge [sflag:s22], s20  }
0x9f: {  	s3 =	ssub.s32 $0x0, s20;
	[sflag:s22] =	ssyncset.done $0x0  }
0xa0: {  	[sflag:s22] =	ssyncadd.s32 s3;
	_ =	sdelay $0x1  }
0xa1: {  	s23 =	simm.s32 $0x1B8B  }
0xa2: {  	_ =	swait.ge [sflag:s23], $0x1  }
0xa3: {  	[sflag:s23] =	ssyncset.done $0x0  }
0xa4: {  	s25 =	simm.s32 $0x1B8E;
	s24 =	sld [smem:$0x3FFE];
	[sflag:s23] =	ssyncadd.s32 $0xFFFFFFFF  }
0xa5: {  	s26 =	simm.s32 $execute0_lowered;
	[smem:$0x3FD2] =	sst s25  }
0xa6: {  	s4 =	sshll.u32 s26, $0x1;
	_ =	strace $0x8000004C;
	[dreg:$0x1] =	wrdreg $0xFFFFFFFF  }
0xa7: {  	s28 =	simm.s32 $_size_execute0_lowered;
	s2 =	sadd.s32 s2, s4;
	[dreg:$0x0] =	wrdreg $0x0  }
0xa8: {  	s4 =	sshll.u32 s28, $0x1;
	[dreg:$0x2] =	wrdreg s2  }
0xa9: {  	[dreg:$0x3] =	wrdreg s4  }
0xaa: {  	[dreg:$0x4] =	wrdreg $0xC0  }
0xab: {  	_ =	task [dreg:s6], $0x5FFFF  }
0xac: {  	[dreg:$0x1] =	wrdreg $0xFFFFFFFF  }
0xad: {  	[dreg:$0x0] =	wrdreg $0x60  }
0xae: {  	[dreg:$0x2] =	wrdreg s24  }
0xaf: {  	[dreg:$0x3] =	wrdreg $0x9  }
0xb0: {  	_ =	task.clear_ibuf [dreg:s6], $0x4FFFF;
	_ =	strace $0x9000004C  }
0xb1: {  	s29 =	simm.s32 $0x9;
	_ =	strace $0x8000004E  }
0xb2: {  	_ =	swait.ge [sflag:s29], $0x1  }
0xb3: {  	[sflag:s29] =	ssyncadd.s32 $0xFFFFFFFF  }
0xb4: {  	_ =	strace $0x9000004E  }
0xb5: {  	_ =	sfence  }
0xb6: {  	s30 =	sld [smem:$0x0];
	_ =	sdelay $0x2  }
0xb7: {  	s31 =	sshll.u32 s1, $0xD;
	s1 =	sshrl.u32 s1, $0x2  }
0xb8: {  	s3 =	sand.u32 $0x4000, s31;
	s1 =	sadd.s32 s1, s30  }
0xb9: {  	s0 =	sor.u32 s3, s0;
	s1 =	sshll.u32 s1, $0x11  }
0xba: {  	s0 =	sor.u32 s1, s0  }
0xbb: {  	s0 =	sadd.s32 $0x8F2B, s0  }
0xbc: {  	[sflag:s0] =	ssyncadd.remote.s32 $0x1  }
0xbd: {  	_ =	sfence.sel $0xFFFF  }
0xbe: {  	[dreg:$0x0] =	wrdreg $0xFFFFFFFF;
	(pc) =	sbr.abs _section_cstart, $3  }
0xbf: {  	[dreg:$0x1] =	wrdreg $0xFFFFFFFF  }
0xc0: {  	_ =	task.clear_ibuf [dreg:s6], $0x2FFFF;
	_ =	strace $0x9FFFFFFF  }
0xc1: {  	(tm) =	ssettm $0x7FFFFFFF  }
tec
execute0_lowered:
.L_overlay_start_1:
0x0: {  	(tag) =	ssettag $0x1  }
0x1: {  	s5 =	rddreg [dreg:$0x0];
	s2 =	simm.s32 $0x0  }
0x2: {  	[smem:$0x7FF] =	sst s2;
	s4 =	sadd.s32 $0x11C00, s5  }
0x3: {  	s19 =	sadd.s32 $0x7C00, s5;
	_ =	strace $0x8000004D;
	[dreg:$0x2] =	wrdreg s4  }
0x4: {  	s20 =	simm.s32 $0x80;
	[dreg:$0x3] =	wrdreg s19  }
0x5: {  	s21 =	simm.s32 $0x900;
	[dreg:$0x5] =	wrdreg s20  }
0x6: {  	s22 =	simm.s32 $0x1100;
	[dreg:$0x6] =	wrdreg s21  }
0x7: {  	s23 =	simm.s32 $0x1900;
	[dreg:$0x7] =	wrdreg s22  }
0x8: {  	s24 =	simm.s32 $0x2100;
	[dreg:$0x8] =	wrdreg s23  }
0x9: {  	s25 =	simm.s32 $0x2900;
	[dreg:$0x9] =	wrdreg s24  }
0xa: {  	s26 =	simm.s32 $0x3100;
	[dreg:$0xa] =	wrdreg s25  }
0xb: {  	s28 =	simm.s32 $0x3900;
	[dreg:$0xb] =	wrdreg s26  }
0xc: {  	s29 =	simm.s32 $0x4100;
	[dreg:$0xc] =	wrdreg s28  }
0xd: {  	s30 =	simm.s32 $0x4900;
	[dreg:$0xd] =	wrdreg s29  }
0xe: {  	s31 =	simm.s32 $0x5100;
	[dreg:$0xe] =	wrdreg s30  }
0xf: {  	s0 =	simm.s32 $0x5900;
	[dreg:$0xf] =	wrdreg s31  }
0x10: {  	s8 =	simm.s32 $0x7100;
	[dreg:$0x10] =	wrdreg s0  }
0x11: {  	s9 =	simm.s32 $0x7900;
	[dreg:$0x13] =	wrdreg s8  }
0x12: {  	s10 =	simm.s32 $0x8900;
	[dreg:$0x14] =	wrdreg s9  }
0x13: {  	s11 =	simm.s32 $0x8D00;
	[dreg:$0x15] =	wrdreg s10  }
0x14: {  	s12 =	simm.s32 $0x9500;
	[dreg:$0x16] =	wrdreg s11  }
0x15: {  	s13 =	simm.s32 $0x9900;
	[dreg:$0x17] =	wrdreg s12  }
0x16: {  	s1 =	stileid.u32;
	s14 =	simm.s32 $0xA100;
	[dreg:$0x18] =	wrdreg s13  }
0x17: {  	s3 =	srdreg.scid;
	s15 =	simm.s32 $0xA500;
	[dreg:$0x19] =	wrdreg s14  }
0x18: {  	s16 =	simm.s32 $0xAD00;
	s17 =	simm.s32 $0xB100;
	[dreg:$0x1a] =	wrdreg s15  }
0x19: {  	s7 =	sand.u32 $0x1, s3;
	s18 =	smul.u32 $0xA00, s1;
	[dreg:$0x1b] =	wrdreg s16  }
0x1a: {  	s6 =	smul.u32 $0x500, s7;
	s4 =	simm.s32 $0x6100;
	[dreg:$0x1c] =	wrdreg s17  }
0x1b: {  	s8 =	smul.u32 $0xA0000, s1;
	s19 =	simm.s32 $0xBD00;
	[dreg:$0x11] =	wrdreg s4  }
0x1c: {  	s9 =	smul.u32 $0xF0000, s1;
	s12 =	simm.s32 $0xC500;
	[dreg:$0x1e] =	wrdreg s19  }
0x1d: {  	s10 =	ssub.s32 $0x2, s7;
	s21 =	simm.s32 $0xC900;
	[dreg:$0x1f] =	wrdreg s12  }
0x1e: {  	s20 =	smul.u32 $0x78000, s7;
	s22 =	simm.s32 $0xD100;
	[smem:$0x7F5] =	sst s21  }
0x1f: {  	s23 =	smul.u32 $0x50000, s7;
	s24 =	simm.s32 $0xD500;
	[smem:$0x7F6] =	sst s22  }
0x20: {  	s25 =	simm.s32 $0xDD00;
	s26 =	simm.s32 $0xE100;
	[smem:$0x7F7] =	sst s24  }
0x21: {  	s28 =	simm.s32 $0xE900;
	s29 =	simm.s32 $0xED00;
	[smem:$0x7F8] =	sst s25  }
0x22: {  	s30 =	simm.s32 $0xF500;
	s31 =	simm.s32 $0xF900;
	[smem:$0x7F9] =	sst s26  }
0x23: {  	s13 =	simm.s32 $0x10500;
	s14 =	simm.s32 $0x10D00;
	[smem:$0x7FA] =	sst s28  }
0x24: {  	s15 =	simm.s32 $0x11100;
	s16 =	simm.s32 $0x11900;
	[smem:$0x7FB] =	sst s29  }
0x25: {  	s17 =	simm.s32 $0x11D00;
	s4 =	sadd.s32 $0x16FC00, s5;
	[smem:$0x7FC] =	sst s30  }
0x26: {  	s11 =	sshrl.u32 s10, $0x1;
	[smem:$0x7FD] =	sst s31;
	s12 =	simm.s32 $0x10100  }
0x27: {  	s19 =	simm.s32 $0x12900;
	s21 =	simm.s32 $0x13500;
	s22 =	simm.s32 $0x13D00  }
0x28: {  	s24 =	simm.s32 $0x2;
	s25 =	simm.s32 $0x0;
	s3 =	sadd.s32 s6, s18  }
0x29: {  	s6 =	simm.s32 $0x6900;
	s8 =	sadd.s32 s8, s5;
	s9 =	sadd.s32 s9, s5  }
0x2a: {  	s10 =	ssub.s32 s10, s11;
	s18 =	simm.s32 $0xB900;
	[dreg:$0x4] =	wrdreg s3  }
0x2b: {  	s11 =	simm.s32 $0x8100;
	[dreg:$0x12] =	wrdreg s6;
	s3 =	sadd.s32 $0x43C00, s5  }
0x2c: {  	s5 =	sadd.s32 $0x16FD00, s5;
	[dreg:$0x1d] =	wrdreg s18;
	s6 =	smax.u32 s10, $0x1  }
0x2d: {  	v2 =	vlaneseq.u32;
	s9 =	sadd.s32 s20, s9;
	s8 =	sadd.s32 s23, s8;
	s10 =	simm.s32 $0x100  }
0x2e: {  	vm0 =	vmmov $0xffff;
	vm1 =	vmmov $0xff;
	v1 =	vshrl.u32 v2, $0x3;
	s18 =	simm.s32 $0x12500;
	s20 =	simm.s32 $0x13100;
	s23 =	simm.s32 $0x1  }
0x2f: {  	v0 =	vand.u32 $0x7, v2;
	v2 =	vor.u32 $0x8, v2;
	v1 =	vmul.u32 $0x8, v1;
	s7 =	sadd.s32 $0xBE7C00, s9;
	s8 =	sadd.s32 $0x1E7C00, s8;
	s9 =	simm.s32 $0x3  }
.LBB2_1:
0x30: {  	s26 =	smov.u32 s8;
	s28 =	smov.u32 s7;
	s29 =	simm.s32 $0x0  }
.LBB2_2:
0x31: {  	s30 =	rddreg [dreg:$0x4]  }
0x32: {  	s30 =	sadd.s32 s29, s30  }
0x33: {  	s0 =	sand.u32 $0x70, s29;
	s30 =	sand.u32 $0xFFFFF80, s30  }
0x34: {  	s31 =	rddreg [dreg:$0x2];
	s0 =	sor.u32 s0, s30  }
0x35: {  	s30 =	sadd.s32 s31, s0  }
0x36: {  	[tilespmem:s2], [sflag:$0x3] =	stream.linear.gather [hbm4b:s30+s2], $0x80, $0x38;
	[tilespmem:$0x14100] =	vst v63  }
0x37: {  	_ =	swait.ge [sflag:s9], $0x80  }
0x38: {  	s30 =	rddreg [dreg:$0x3];
	[sflag:s9] =	ssyncset.done $0x0  }
0x39: {  	s31 =	rddreg [dreg:$0x5];
	s0 =	sadd.s32 s30, s0;
	[sflag:s9] =	ssyncadd.s32 $0xFFFFFF80  }
0x3a: {  	[tilespmem:s31], [sflag:$0x3] =	stream.linear.gather [hbm4b:s0+s2], $0x80, $0x38;
	[tilespmem:$0x14100] =	vst v63  }
0x3b: {  	_ =	swait.ge [sflag:s9], $0x80  }
0x3c: {  	[sflag:s9] =	ssyncset.done $0x0  }
0x3d: {  	[sflag:s9] =	ssyncadd.s32 $0xFFFFFF80  }
0x3e: {  	v3 =	vld [tilespmem:$0x0];
	_ =	sdelay $0x4  }
0x3f: {  	v4 =	vshll.u32 v3, $0x1  }
0x40: {  	v3 =	vand.u32 $0x7, v3;
	v4 =	vand.u32 $0xFFFFFFF0, v4  }
0x41: {  	v3 =	vor.u32 v3, v4  }
0x42: {  	v4 =	vperm.xlane v3, v0;
	_ =	sdelay $0x1  }
0x43: {  	v3 =	vperm.xlane v3, v2;
	v4 =	vadd.s32 v1, v4;
	_ =	sdelay $0x1  }
0x44: {  	v3 =	vadd.s32 v1, v3;
	_ =	sdelay $0x2  }
0x45: {  	[tilespmem:s10], [sflag:$0x1] =	stream.indirect_vreg.gather [hbm4b:s3+s2], $0x80, v4, vm0, $0xb8;
	[tilespmem:$0x14100] =	vst v63  }
0x46: {  	s30 =	rddreg [dreg:$0x6]  }
0x47: {  	[tilespmem:s30], [sflag:$0x1] =	stream.indirect_vreg.gather [hbm4b:s3+s2], $0x80, v3, vm0, $0xb8;
	[tilespmem:$0x14100] =	vst v63  }
0x48: {  	v3 =	vld [tilespmem:$0x10];
	_ =	sdelay $0x4  }
0x49: {  	v49 =	vshll.u32 v3, $0x1  }
0x4a: {  	v3 =	vand.u32 $0x7, v3;
	v4 =	vand.u32 $0xFFFFFFF0, v49  }
0x4b: {  	v3 =	vor.u32 v3, v4  }
0x4c: {  	v4 =	vperm.xlane v3, v0;
	_ =	sdelay $0x1  }
0x4d: {  	v3 =	vperm.xlane v3, v2;
	v4 =	vadd.s32 v1, v4;
	_ =	sdelay $0x1  }
0x4e: {  	v3 =	vadd.s32 v1, v3;
	_ =	sdelay $0x1  }
0x4f: {  	s0 =	rddreg [dreg:$0x7]  }
0x50: {  	[tilespmem:s0], [sflag:$0x1] =	stream.indirect_vreg.gather [hbm4b:s3+s2], $0x80, v4, vm0, $0xb8;
	[tilespmem:$0x14100] =	vst v63  }
0x51: {  	s31 =	rddreg [dreg:$0x8]  }
0x52: {  	[tilespmem:s31], [sflag:$0x1] =	stream.indirect_vreg.gather [hbm4b:s3+s2], $0x80, v3, vm0, $0xb8;
	[tilespmem:$0x14100] =	vst v63  }
0x53: {  	v3 =	vld [tilespmem:$0x20];
	_ =	sdelay $0x4  }
0x54: {  	v50 =	vshll.u32 v3, $0x1  }
0x55: {  	v3 =	vand.u32 $0x7, v3;
	v4 =	vand.u32 $0xFFFFFFF0, v50  }
0x56: {  	v3 =	vor.u32 v3, v4  }
0x57: {  	v4 =	vperm.xlane v3, v0;
	_ =	sdelay $0x1  }
0x58: {  	v3 =	vperm.xlane v3, v2;
	v4 =	vadd.s32 v1, v4;
	_ =	sdelay $0x1  }
0x59: {  	v3 =	vadd.s32 v1, v3;
	_ =	sdelay $0x1  }
0x5a: {  	s0 =	rddreg [dreg:$0x9]  }
0x5b: {  	[tilespmem:s0], [sflag:$0x1] =	stream.indirect_vreg.gather [hbm4b:s3+s2], $0x80, v4, vm0, $0xb8;
	[tilespmem:$0x14100] =	vst v63  }
0x5c: {  	s31 =	rddreg [dreg:$0xa]  }
0x5d: {  	[tilespmem:s31], [sflag:$0x1] =	stream.indirect_vreg.gather [hbm4b:s3+s2], $0x80, v3, vm0, $0xb8;
	[tilespmem:$0x14100] =	vst v63  }
0x5e: {  	v3 =	vld [tilespmem:$0x30];
	_ =	sdelay $0x4  }
0x5f: {  	v51 =	vshll.u32 v3, $0x1  }
0x60: {  	v3 =	vand.u32 $0x7, v3;
	v4 =	vand.u32 $0xFFFFFFF0, v51  }
0x61: {  	v3 =	vor.u32 v3, v4  }
0x62: {  	v4 =	vperm.xlane v3, v0;
	_ =	sdelay $0x1  }
0x63: {  	v3 =	vperm.xlane v3, v2;
	v4 =	vadd.s32 v1, v4;
	_ =	sdelay $0x1  }
0x64: {  	v3 =	vadd.s32 v1, v3;
	_ =	sdelay $0x1  }
0x65: {  	s0 =	rddreg [dreg:$0xb]  }
0x66: {  	[tilespmem:s0], [sflag:$0x1] =	stream.indirect_vreg.gather [hbm4b:s3+s2], $0x80, v4, vm0, $0xb8;
	[tilespmem:$0x14100] =	vst v63  }
0x67: {  	s31 =	rddreg [dreg:$0xc]  }
0x68: {  	[tilespmem:s31], [sflag:$0x1] =	stream.indirect_vreg.gather [hbm4b:s3+s2], $0x80, v3, vm0, $0xb8;
	[tilespmem:$0x14100] =	vst v63  }
0x69: {  	v3 =	vld [tilespmem:$0x40];
	_ =	sdelay $0x4  }
0x6a: {  	v52 =	vshll.u32 v3, $0x1  }
0x6b: {  	v3 =	vand.u32 $0x7, v3;
	v4 =	vand.u32 $0xFFFFFFF0, v52  }
0x6c: {  	v3 =	vor.u32 v3, v4  }
0x6d: {  	v4 =	vperm.xlane v3, v0;
	_ =	sdelay $0x1  }
0x6e: {  	v3 =	vperm.xlane v3, v2;
	v4 =	vadd.s32 v1, v4;
	_ =	sdelay $0x1  }
0x6f: {  	v3 =	vadd.s32 v1, v3;
	_ =	sdelay $0x1  }
0x70: {  	s0 =	rddreg [dreg:$0xd]  }
0x71: {  	[tilespmem:s0], [sflag:$0x1] =	stream.indirect_vreg.gather [hbm4b:s3+s2], $0x80, v4, vm0, $0xb8;
	[tilespmem:$0x14100] =	vst v63  }
0x72: {  	s31 =	rddreg [dreg:$0xe]  }
0x73: {  	[tilespmem:s31], [sflag:$0x1] =	stream.indirect_vreg.gather [hbm4b:s3+s2], $0x80, v3, vm0, $0xb8;
	[tilespmem:$0x14100] =	vst v63  }
0x74: {  	v3 =	vld [tilespmem:$0x50];
	_ =	sdelay $0x4  }
0x75: {  	v53 =	vshll.u32 v3, $0x1  }
0x76: {  	v3 =	vand.u32 $0x7, v3;
	v4 =	vand.u32 $0xFFFFFFF0, v53  }
0x77: {  	v3 =	vor.u32 v3, v4  }
0x78: {  	v4 =	vperm.xlane v3, v0;
	_ =	sdelay $0x1  }
0x79: {  	v3 =	vperm.xlane v3, v2;
	v4 =	vadd.s32 v1, v4;
	_ =	sdelay $0x1  }
0x7a: {  	v3 =	vadd.s32 v1, v3;
	_ =	sdelay $0x1  }
0x7b: {  	s0 =	rddreg [dreg:$0xf]  }
0x7c: {  	[tilespmem:s0], [sflag:$0x1] =	stream.indirect_vreg.gather [hbm4b:s3+s2], $0x80, v4, vm0, $0xb8;
	[tilespmem:$0x14100] =	vst v63  }
0x7d: {  	s31 =	rddreg [dreg:$0x10]  }
0x7e: {  	[tilespmem:s31], [sflag:$0x1] =	stream.indirect_vreg.gather [hbm4b:s3+s2], $0x80, v3, vm0, $0xb8;
	[tilespmem:$0x14100] =	vst v63  }
0x7f: {  	v3 =	vld [tilespmem:$0x60];
	_ =	sdelay $0x4  }
0x80: {  	v54 =	vshll.u32 v3, $0x1  }
0x81: {  	v3 =	vand.u32 $0x7, v3;
	v4 =	vand.u32 $0xFFFFFFF0, v54  }
0x82: {  	v3 =	vor.u32 v3, v4  }
0x83: {  	v4 =	vperm.xlane v3, v0;
	_ =	sdelay $0x1  }
0x84: {  	v3 =	vperm.xlane v3, v2;
	v4 =	vadd.s32 v1, v4;
	_ =	sdelay $0x1  }
0x85: {  	v3 =	vadd.s32 v1, v3;
	_ =	sdelay $0x1  }
0x86: {  	s0 =	rddreg [dreg:$0x11]  }
0x87: {  	[tilespmem:s0], [sflag:$0x1] =	stream.indirect_vreg.gather [hbm4b:s3+s2], $0x80, v4, vm0, $0xb8;
	[tilespmem:$0x14100] =	vst v63  }
0x88: {  	s31 =	rddreg [dreg:$0x12]  }
0x89: {  	[tilespmem:s31], [sflag:$0x1] =	stream.indirect_vreg.gather [hbm4b:s3+s2], $0x80, v3, vm0, $0xb8;
	[tilespmem:$0x14100] =	vst v63  }
0x8a: {  	v3 =	vld [tilespmem:$0x70];
	_ =	sdelay $0x4  }
0x8b: {  	v55 =	vshll.u32 v3, $0x1  }
0x8c: {  	v3 =	vand.u32 $0x7, v3;
	v4 =	vand.u32 $0xFFFFFFF0, v55  }
0x8d: {  	v3 =	vor.u32 v3, v4  }
0x8e: {  	v4 =	vperm.xlane v3, v0;
	_ =	sdelay $0x1  }
0x8f: {  	v3 =	vperm.xlane v3, v2;
	v4 =	vadd.s32 v1, v4;
	_ =	sdelay $0x1  }
0x90: {  	v3 =	vadd.s32 v1, v3;
	_ =	sdelay $0x1  }
0x91: {  	s0 =	rddreg [dreg:$0x13]  }
0x92: {  	[tilespmem:s0], [sflag:$0x1] =	stream.indirect_vreg.gather [hbm4b:s3+s2], $0x80, v4, vm0, $0xb8;
	[tilespmem:$0x14100] =	vst v63  }
0x93: {  	s31 =	rddreg [dreg:$0x14]  }
0x94: {  	[tilespmem:s31], [sflag:$0x1] =	stream.indirect_vreg.gather [hbm4b:s3+s2], $0x80, v3, vm0, $0xb8;
	[tilespmem:$0x14100] =	vst v63  }
0x95: {  	v3 =	vld [tilespmem:$0x80];
	_ =	sdelay $0x4  }
0x96: {  	v56 =	vshrl.u32 v3, $0x3  }
0x97: {  	v4 =	vmul.u32 $0x18, v56  }
0x98: {  	v3 =	vand.u32 $0x7, v3  }
0x99: {  	v3 =	vor.u32 v3, v4  }
0x9a: {  	v4 =	vperm.xlane v3, v0;
	_ =	sdelay $0x1  }
0x9b: {  	v4 =	vadd.s32 v1, v4;
	_ =	sdelay $0x1  }
0x9c: {  	v3 =	vperm.xlane v3, v2;
	_ =	sdelay $0x1  }
0x9d: {  	v3 =	vadd.s32 v1, v3  }
0x9e: {  	[tilespmem:s11], [sflag:$0x2] =	stream.indirect_vreg.gather [hbm4b:s4+s2], $0x80, v4, vm0, $0xb8;
	[tilespmem:$0x14100] =	vst v63  }
0x9f: {  	s31 =	rddreg [dreg:$0x15]  }
0xa0: {  	[tilespmem:s31], [sflag:$0x2] =	stream.indirect_vreg.gather [hbm4b:s5+s2], $0x80, v4, vm1, $0xb8;
	[tilespmem:$0x14100] =	vst v63  }
0xa1: {  	s30 =	rddreg [dreg:$0x16]  }
0xa2: {  	[tilespmem:s30], [sflag:$0x2] =	stream.indirect_vreg.gather [hbm4b:s4+s2], $0x80, v3, vm0, $0xb8;
	[tilespmem:$0x14100] =	vst v63  }
0xa3: {  	s31 =	rddreg [dreg:$0x17]  }
0xa4: {  	[tilespmem:s31], [sflag:$0x2] =	stream.indirect_vreg.gather [hbm4b:s5+s2], $0x80, v3, vm1, $0xb8;
	[tilespmem:$0x14100] =	vst v63  }
0xa5: {  	v3 =	vld [tilespmem:$0x90];
	_ =	sdelay $0x4  }
0xa6: {  	v57 =	vshrl.u32 v3, $0x3  }
0xa7: {  	v4 =	vmul.u32 $0x18, v57  }
0xa8: {  	v3 =	vand.u32 $0x7, v3  }
0xa9: {  	v3 =	vor.u32 v3, v4  }
0xaa: {  	v4 =	vperm.xlane v3, v0;
	_ =	sdelay $0x1  }
0xab: {  	v4 =	vadd.s32 v1, v4;
	_ =	sdelay $0x1  }
0xac: {  	v3 =	vperm.xlane v3, v2;
	_ =	sdelay $0x1  }
0xad: {  	s0 =	rddreg [dreg:$0x18];
	v3 =	vadd.s32 v1, v3  }
0xae: {  	[tilespmem:s0], [sflag:$0x2] =	stream.indirect_vreg.gather [hbm4b:s4+s2], $0x80, v4, vm0, $0xb8;
	[tilespmem:$0x14100] =	vst v63  }
0xaf: {  	s31 =	rddreg [dreg:$0x19]  }
0xb0: {  	[tilespmem:s31], [sflag:$0x2] =	stream.indirect_vreg.gather [hbm4b:s5+s2], $0x80, v4, vm1, $0xb8;
	[tilespmem:$0x14100] =	vst v63  }
0xb1: {  	s0 =	rddreg [dreg:$0x1a]  }
0xb2: {  	[tilespmem:s0], [sflag:$0x2] =	stream.indirect_vreg.gather [hbm4b:s4+s2], $0x80, v3, vm0, $0xb8;
	[tilespmem:$0x14100] =	vst v63  }
0xb3: {  	s31 =	rddreg [dreg:$0x1b]  }
0xb4: {  	[tilespmem:s31], [sflag:$0x2] =	stream.indirect_vreg.gather [hbm4b:s5+s2], $0x80, v3, vm1, $0xb8;
	[tilespmem:$0x14100] =	vst v63  }
0xb5: {  	v3 =	vld [tilespmem:$0xA0];
	_ =	sdelay $0x4  }
0xb6: {  	v58 =	vshrl.u32 v3, $0x3  }
0xb7: {  	v4 =	vmul.u32 $0x18, v58  }
0xb8: {  	v3 =	vand.u32 $0x7, v3  }
0xb9: {  	v3 =	vor.u32 v3, v4  }
0xba: {  	v4 =	vperm.xlane v3, v0;
	_ =	sdelay $0x1  }
0xbb: {  	v4 =	vadd.s32 v1, v4;
	_ =	sdelay $0x1  }
0xbc: {  	v3 =	vperm.xlane v3, v2;
	_ =	sdelay $0x1  }
0xbd: {  	s0 =	rddreg [dreg:$0x1c];
	v3 =	vadd.s32 v1, v3  }
0xbe: {  	[tilespmem:s0], [sflag:$0x2] =	stream.indirect_vreg.gather [hbm4b:s4+s2], $0x80, v4, vm0, $0xb8;
	[tilespmem:$0x14100] =	vst v63  }
0xbf: {  	s31 =	rddreg [dreg:$0x1d]  }
0xc0: {  	[tilespmem:s31], [sflag:$0x2] =	stream.indirect_vreg.gather [hbm4b:s5+s2], $0x80, v4, vm1, $0xb8;
	[tilespmem:$0x14100] =	vst v63  }
0xc1: {  	s0 =	rddreg [dreg:$0x1e]  }
0xc2: {  	[tilespmem:s0], [sflag:$0x2] =	stream.indirect_vreg.gather [hbm4b:s4+s2], $0x80, v3, vm0, $0xb8;
	[tilespmem:$0x14100] =	vst v63  }
0xc3: {  	s31 =	rddreg [dreg:$0x1f]  }
0xc4: {  	[tilespmem:s31], [sflag:$0x2] =	stream.indirect_vreg.gather [hbm4b:s5+s2], $0x80, v3, vm1, $0xb8;
	[tilespmem:$0x14100] =	vst v63  }
0xc5: {  	v3 =	vld [tilespmem:$0xB0];
	_ =	sdelay $0x4  }
0xc6: {  	v59 =	vshrl.u32 v3, $0x3  }
0xc7: {  	v4 =	vmul.u32 $0x18, v59  }
0xc8: {  	v3 =	vand.u32 $0x7, v3  }
0xc9: {  	v3 =	vor.u32 v3, v4  }
0xca: {  	v4 =	vperm.xlane v3, v0;
	_ =	sdelay $0x1  }
0xcb: {  	v4 =	vadd.s32 v1, v4;
	_ =	sdelay $0x1  }
0xcc: {  	s0 =	sld [smem:$0x7F5];
	v3 =	vperm.xlane v3, v2;
	_ =	sdelay $0x1  }
0xcd: {  	s31 =	sld [smem:$0x7F6];
	v3 =	vadd.s32 v1, v3  }
0xce: {  	[tilespmem:s0], [sflag:$0x2] =	stream.indirect_vreg.gather [hbm4b:s4+s2], $0x80, v4, vm0, $0xb8;
	[tilespmem:$0x14100] =	vst v63  }
0xcf: {  	s0 =	sld [smem:$0x7F7]  }
0xd0: {  	[tilespmem:s31], [sflag:$0x2] =	stream.indirect_vreg.gather [hbm4b:s5+s2], $0x80, v4, vm1, $0xb8;
	[tilespmem:$0x14100] =	vst v63  }
0xd1: {  	s31 =	sld [smem:$0x7F8]  }
0xd2: {  	[tilespmem:s0], [sflag:$0x2] =	stream.indirect_vreg.gather [hbm4b:s4+s2], $0x80, v3, vm0, $0xb8;
	[tilespmem:$0x14100] =	vst v63  }
0xd3: {  	_ = 	snop  }
0xd4: {  	[tilespmem:s31], [sflag:$0x2] =	stream.indirect_vreg.gather [hbm4b:s5+s2], $0x80, v3, vm1, $0xb8;
	[tilespmem:$0x14100] =	vst v63  }
0xd5: {  	v3 =	vld [tilespmem:$0xC0];
	_ =	sdelay $0x4  }
0xd6: {  	v60 =	vshrl.u32 v3, $0x3  }
0xd7: {  	v4 =	vmul.u32 $0x18, v60  }
0xd8: {  	v3 =	vand.u32 $0x7, v3  }
0xd9: {  	v3 =	vor.u32 v3, v4  }
0xda: {  	v4 =	vperm.xlane v3, v0;
	_ =	sdelay $0x1  }
0xdb: {  	v4 =	vadd.s32 v1, v4;
	_ =	sdelay $0x1  }
0xdc: {  	s0 =	sld [smem:$0x7F9];
	v3 =	vperm.xlane v3, v2;
	_ =	sdelay $0x1  }
0xdd: {  	s31 =	sld [smem:$0x7FA];
	v3 =	vadd.s32 v1, v3  }
0xde: {  	[tilespmem:s0], [sflag:$0x2] =	stream.indirect_vreg.gather [hbm4b:s4+s2], $0x80, v4, vm0, $0xb8;
	[tilespmem:$0x14100] =	vst v63  }
0xdf: {  	s0 =	sld [smem:$0x7FB]  }
0xe0: {  	[tilespmem:s31], [sflag:$0x2] =	stream.indirect_vreg.gather [hbm4b:s5+s2], $0x80, v4, vm1, $0xb8;
	[tilespmem:$0x14100] =	vst v63  }
0xe1: {  	s31 =	sld [smem:$0x7FC]  }
0xe2: {  	[tilespmem:s0], [sflag:$0x2] =	stream.indirect_vreg.gather [hbm4b:s4+s2], $0x80, v3, vm0, $0xb8;
	[tilespmem:$0x14100] =	vst v63  }
0xe3: {  	_ = 	snop  }
0xe4: {  	[tilespmem:s31], [sflag:$0x2] =	stream.indirect_vreg.gather [hbm4b:s5+s2], $0x80, v3, vm1, $0xb8;
	[tilespmem:$0x14100] =	vst v63  }
0xe5: {  	v3 =	vld [tilespmem:$0xD0];
	_ =	sdelay $0x4  }
0xe6: {  	v61 =	vshrl.u32 v3, $0x3  }
0xe7: {  	v4 =	vmul.u32 $0x18, v61  }
0xe8: {  	v3 =	vand.u32 $0x7, v3  }
0xe9: {  	v3 =	vor.u32 v3, v4  }
0xea: {  	v4 =	vperm.xlane v3, v0;
	_ =	sdelay $0x1  }
0xeb: {  	v4 =	vadd.s32 v1, v4;
	_ =	sdelay $0x1  }
0xec: {  	s31 =	sld [smem:$0x7FD];
	v3 =	vperm.xlane v3, v2;
	_ =	sdelay $0x1  }
0xed: {  	v3 =	vadd.s32 v1, v3  }
0xee: {  	[tilespmem:s31], [sflag:$0x2] =	stream.indirect_vreg.gather [hbm4b:s4+s2], $0x80, v4, vm0, $0xb8;
	[tilespmem:$0x14100] =	vst v63  }
0xef: {  	_ = 	snop  }
0xf0: {  	[tilespmem:s12], [sflag:$0x2] =	stream.indirect_vreg.gather [hbm4b:s5+s2], $0x80, v4, vm1, $0xb8;
	[tilespmem:$0x14100] =	vst v63  }
0xf1: {  	_ = 	snop  }
0xf2: {  	[tilespmem:s13], [sflag:$0x2] =	stream.indirect_vreg.gather [hbm4b:s4+s2], $0x80, v3, vm0, $0xb8;
	[tilespmem:$0x14100] =	vst v63  }
0xf3: {  	_ = 	snop  }
0xf4: {  	[tilespmem:s14], [sflag:$0x2] =	stream.indirect_vreg.gather [hbm4b:s5+s2], $0x80, v3, vm1, $0xb8;
	[tilespmem:$0x14100] =	vst v63  }
0xf5: {  	v3 =	vld [tilespmem:$0xE0];
	_ =	sdelay $0x4  }
0xf6: {  	v62 =	vshrl.u32 v3, $0x3  }
0xf7: {  	v4 =	vmul.u32 $0x18, v62  }
0xf8: {  	v3 =	vand.u32 $0x7, v3  }
0xf9: {  	v3 =	vor.u32 v3, v4  }
0xfa: {  	v4 =	vperm.xlane v3, v0;
	_ =	sdelay $0x1  }
0xfb: {  	v4 =	vadd.s32 v1, v4;
	_ =	sdelay $0x1  }
0xfc: {  	v3 =	vperm.xlane v3, v2;
	_ =	sdelay $0x1  }
0xfd: {  	v3 =	vadd.s32 v1, v3  }
0xfe: {  	[tilespmem:s15], [sflag:$0x2] =	stream.indirect_vreg.gather [hbm4b:s4+s2], $0x80, v4, vm0, $0xb8;
	[tilespmem:$0x14100] =	vst v63  }
0xff: {  	_ = 	snop  }
0x100: {  	[tilespmem:s16], [sflag:$0x2] =	stream.indirect_vreg.gather [hbm4b:s5+s2], $0x80, v4, vm1, $0xb8;
	[tilespmem:$0x14100] =	vst v63  }
0x101: {  	_ = 	snop  }
0x102: {  	[tilespmem:s17], [sflag:$0x2] =	stream.indirect_vreg.gather [hbm4b:s4+s2], $0x80, v3, vm0, $0xb8;
	[tilespmem:$0x14100] =	vst v63  }
0x103: {  	_ = 	snop  }
0x104: {  	[tilespmem:s18], [sflag:$0x2] =	stream.indirect_vreg.gather [hbm4b:s5+s2], $0x80, v3, vm1, $0xb8;
	[tilespmem:$0x14100] =	vst v63  }
0x105: {  	v3 =	vld [tilespmem:$0xF0];
	_ =	sdelay $0x4  }
0x106: {  	v63 =	vshrl.u32 v3, $0x3  }
0x107: {  	v4 =	vmul.u32 $0x18, v63  }
0x108: {  	v3 =	vand.u32 $0x7, v3  }
0x109: {  	v3 =	vor.u32 v3, v4  }
0x10a: {  	v4 =	vperm.xlane v3, v0;
	_ =	sdelay $0x1  }
0x10b: {  	v4 =	vadd.s32 v1, v4;
	_ =	sdelay $0x1  }
0x10c: {  	v3 =	vperm.xlane v3, v2;
	_ =	sdelay $0x1  }
0x10d: {  	v3 =	vadd.s32 v1, v3  }
0x10e: {  	[tilespmem:s19], [sflag:$0x2] =	stream.indirect_vreg.gather [hbm4b:s4+s2], $0x80, v4, vm0, $0xb8;
	[tilespmem:$0x14100] =	vst v63  }
0x10f: {  	_ = 	snop  }
0x110: {  	[tilespmem:s20], [sflag:$0x2] =	stream.indirect_vreg.gather [hbm4b:s5+s2], $0x80, v4, vm1, $0xb8;
	[tilespmem:$0x14100] =	vst v63  }
0x111: {  	_ = 	snop  }
0x112: {  	[tilespmem:s21], [sflag:$0x2] =	stream.indirect_vreg.gather [hbm4b:s4+s2], $0x80, v3, vm0, $0xb8;
	[tilespmem:$0x14100] =	vst v63  }
0x113: {  	_ = 	snop  }
0x114: {  	[tilespmem:s22], [sflag:$0x2] =	stream.indirect_vreg.gather [hbm4b:s5+s2], $0x80, v3, vm1, $0xb8;
	[tilespmem:$0x14100] =	vst v63  }
0x115: {  	_ =	swait.ge [sflag:s23], $0x8000  }
0x116: {  	[sflag:s23] =	ssyncset.done $0x0  }
0x117: {  	[sflag:s23] =	ssyncadd.s32 $0xFFFF8000  }
0x118: {  	_ =	swait.ge [sflag:s24], $0xC000  }
0x119: {  	[sflag:s24] =	ssyncset.done $0x0  }
0x11a: {  	[sflag:s24] =	ssyncadd.s32 $0xFFFF4000  }
0x11b: {  	[hbm4b:s26+s2] =	stream.linear.scatter [tilespmem:s10], [sflag:$0x3], $0x8000, $0x38;
	[tilespmem:$0x14100] =	vst v63  }
0x11c: {  	_ =	swait.ge [sflag:s9], $0x8000  }
0x11d: {  	p0 =	sne.s32 s29, $0x4F0;
	[sflag:s9] =	ssyncset.done $0x0  }
.Ltmp0:
0x11e: {  	[sflag:s9] =	ssyncadd.s32 $0xFFFF8000;
	(pc) =	sbr.rel @p0 .LBB2_2-.Ltmp0, $4  }
0x11f: {  	[hbm4b:s28+s2] =	stream.linear.scatter [tilespmem:s11], [sflag:$0x3], $0xC000, $0x38;
	[tilespmem:$0x14100] =	vst v63  }
0x120: {  	_ =	swait.ge [sflag:s9], $0xC000  }
0x121: {  	s29 =	sadd.s32 $0x10, s29;
	[sflag:s9] =	ssyncset.done $0x0  }
0x122: {  	s26 =	sadd.s32 $0x1000, s26;
	s28 =	sadd.s32 $0x1800, s28;
	[sflag:s9] =	ssyncadd.s32 $0xFFFF4000  }
0x123: {  	s25 =	sadd.s32 $0x1, s25  }
0x124: {  	p0 =	sne.s32 s25, s6  }
.Ltmp1:
0x125: {  	_ = 	snop;
	(pc) =	sbr.rel @p0 .LBB2_1-.Ltmp1, $1  }
0x126: {  	_ =	sdelay $0x3  }
0x127: {  	_ =	sfence.sel $0x180000  }
0x128: {  	[bflag:$0x0] =	sbarrier.arrive $0xFFFF  }
0x129: {  	_ =	strace $0x9000004D  }
0x12a: {  	[bflag:$0x2] =	sbarrier.arrive $0xFFFF  }
0x12b: {  	p0 =	sne.s32 s1, $0x0;
	s0 =	rddreg [dreg:$0x1]  }
0x12c: {  	s0 =	sadd.s32 @!p0 $0x100000, s0  }
0x12d: {  	[sflag:s0] =	ssyncadd.tile.s32 @!p0 $0x1;
	_ =	shalt  }
.Lfunc_end2:
_tile_overlayer_lowered:
.L_overlay_start_2:
0x12e: {  	(tag) =	ssettag $0x2  }
0x12f: {  	s0 =	rddreg [dreg:$0x0];
	s2 =	stileid.u32  }
0x130: {  	s1 =	rddreg [dreg:$0x1];
	p0 =	sne.s32 s2, $0x0  }
0x131: {  	s3 =	rddreg [dreg:$0x2];
	[bflag:$0x3] =	sbarrier.arrive $0xFFFF;
	s2 =	simm.s32 @!p0 $0x1C03  }
0x132: {  	[timem:s3], [sflag:s2] =	dma.local @!p0 [hbm:s0], s1  }
0x133: {  	s0 =	simm.s32 @!p0 $0x3  }
0x134: {  	_ =	swait.ge @!p0 [sflag:s0], s1  }
0x135: {  	s1 =	ssub.s32 @!p0 $0x0, s1;
	[sflag:s0] =	ssyncset.done @!p0 $0x0  }
0x136: {  	[sflag:s0] =	ssyncadd.s32 @!p0 s1  }
0x137: {  	[bflag:$0x3] =	sbarrier.arrive $0xFFFF  }
0x138: {  	_ =	shalt  }

// kernel: kernel.21.cloned.1.call-start
scs
__scs_entry_jumppad:
0x0: {  	(pc) =	sbr.rel $0x88, $3  }
0x1: {  	(tag) =	ssettag $0x0;
	lr =	simm.s32 $0x1  }
0x2: {  	[smem:$0x3F7D] =	sst lr;
	_ =	strace $0xD0000000  }
0x3: {  	_ = 	snop  }
0x4: {  	_ = 	snop  }
0x5: {  	_ = 	snop  }
0x6: {  	_ = 	snop  }
0x7: {  	_ = 	snop  }
__scs_overlays_trampoline_lowered:
0x8: {  	[smem:$0x3F8C] =	sst s0  }
0x9: {  	[smem:$0x3F8D] =	sst s1  }
0xa: {  	[smem:$0x3F8E] =	sst s2  }
0xb: {  	[smem:$0x3F8F] =	sst s3  }
0xc: {  	[smem:$0x3F90] =	sst s4  }
0xd: {  	[smem:$0x3F91] =	sst s5  }
0xe: {  	[smem:$0x3F92] =	sst s6  }
0xf: {  	[smem:$0x3F93] =	sst s7  }
0x10: {  	[smem:$0x3F94] =	sst s8  }
0x11: {  	[smem:$0x3F95] =	sst s9;
	s0 =	simm.s32 @!p0 $0x0  }
0x12: {  	s1 =	sld [smem:$0x3F7B];
	s0 =	simm.s32 @p0 $0x1  }
0x13: {  	[smem:$0x3F96] =	sst s0;
	s0 =	simm.s32 @!p1 $0x0  }
0x14: {  	s2 =	sld [smem:$0x3F7A];
	s0 =	simm.s32 @p1 $0x1  }
0x15: {  	[smem:$0x3F97] =	sst s0;
	s0 =	simm.s32 @!p2 $0x0  }
0x16: {  	s3 =	sld [smem:$0x3FDB];
	s0 =	simm.s32 @p2 $0x1  }
0x17: {  	s4 =	simm.s32 $0x1BF5;
	[smem:$0x3F99] =	sst s0  }
0x18: {  	s0 =	sld [smem:$0x3F7C];
	_ =	swait.ge [sflag:s4], $0x0  }
0x19: {  	s7 =	sld [smem:$0x3F7D]  }
0x1a: {  	s8 =	sadd.s32 $0xFFFFE003, lr  }
0x1b: {  	s9 =	sadd.s32 $0xFFFFFEF7, lr;
	s5 =	simm.s32 $0xFFFFFFFF;
	p2 =	slt.u32 s8, $0xFFFFF086  }
0x1c: {  	p1 =	slt.u32 s9, $0xF7A;
	s5 =	simm.s32 @!p2 $0x0  }
0x1d: {  	s5 =	simm.s32 @p1 $0x1;
	p0 =	seq.s32 s7, s2  }
0x1e: {  	s7 =	smul.u32 @!p0 $0xF7A, s2;
	p2 =	seq.s32 @!p0 s5, $0x0  }
0x1f: {  	s9 =	smul.u32 $0xF7A, s1;
	s8 =	simm.s32 @!p0 $0x1BF5;
	p2 =	por !p2, p0  }
0x20: {  	[sflag:s8] =	ssyncset.s32 @!p0 $0xFFFFF086;
	s6 =	sadd.s32 @!p0 s3, s7;
	s7 =	simm.s32 @!p0 $0x108  }
0x21: {  	s3 =	sadd.s32 s3, s9;
	s6 =	sadd.s32 @!p0 $0x88, s6;
	s7 =	simm.s32 @p2 $0x1082  }
0x22: {  	[simem:s7], [sflag:s8] =	dma.local @!p0 [hbm:s6], $0xF7A  }
0x23: {  	s9 =	sor.u32 $0xD0000000, s2;
	s6 =	simm.s32 $0x108;
	_ =	swait.ge @!p0 [sflag:s8], $0x0  }
0x24: {  	s3 =	sadd.s32 $0x88, s3;
	s6 =	simm.s32 @!p1 $0x1082;
	[sflag:s4] =	ssyncset.s32 $0xFFFFF086  }
0x25: {  	[simem:s6], [sflag:s4] =	dma.local [hbm:s3], $0xF7A  }
0x26: {  	[smem:$0x3F7D] =	sst s1;
	(tag) =	ssettag s2;
	_ =	strace s9  }
0x27: {  	s1 =	sld [smem:$0x3F8D]  }
0x28: {  	s2 =	sld [smem:$0x3F8E]  }
0x29: {  	s4 =	sld [smem:$0x3F90]  }
0x2a: {  	p0 =	seq.s32 s5, $0x0;
	s5 =	sld [smem:$0x3F91]  }
0x2b: {  	s6 =	sld [smem:$0x3F92]  }
0x2c: {  	s7 =	sld [smem:$0x3F93]  }
0x2d: {  	s3 =	simm.s32 $0x108;
	s8 =	sld [smem:$0x3F94]  }
0x2e: {  	s3 =	simm.s32 @!p0 $0x1082;
	s9 =	sld [smem:$0x3F95]  }
0x2f: {  	lr =	sadd.s32 s0, s3;
	s0 =	sld [smem:$0x3F8C]  }
0x30: {  	s3 =	sld [smem:$0x3F8F]  }
0x31: {  	[smem:$0x3F98] =	sst s10  }
0x32: {  	s10 =	sld [smem:$0x3F96];
	_ =	sdelay $0x3  }
0x33: {  	p0 =	seq.s32 s10, $0x1;
	s10 =	sld [smem:$0x3F98];
	_ =	sdelay $0x3  }
0x34: {  	[smem:$0x3F98] =	sst s10  }
0x35: {  	s10 =	sld [smem:$0x3F97];
	_ =	sdelay $0x3  }
0x36: {  	p1 =	seq.s32 s10, $0x1;
	s10 =	sld [smem:$0x3F98];
	_ =	sdelay $0x3  }
0x37: {  	[smem:$0x3F98] =	sst s10  }
0x38: {  	s10 =	sld [smem:$0x3F99]  }
0x39: {  	_ = 	snop;
	(pc) =	sbr.ind lr, $3  }
0x3a: {  	_ = 	snop  }
0x3b: {  	_ = 	snop  }
0x3c: {  	p2 =	seq.s32 s10, $0x1;
	s10 =	sld [smem:$0x3F98]  }
0x3d: {  	_ =	shalt  }
0x3e: {  	_ =	shalt  }
0x3f: {  	_ =	shalt  }
0x40: {  	_ =	shalt  }
0x41: {  	_ =	shalt  }
0x42: {  	_ =	shalt  }
0x43: {  	_ =	shalt  }
0x44: {  	_ =	shalt  }
0x45: {  	_ =	shalt  }
0x46: {  	_ =	shalt  }
0x47: {  	_ =	shalt  }
0x48: {  	_ =	shalt  }
0x49: {  	_ =	shalt  }
0x4a: {  	_ =	shalt  }
0x4b: {  	_ =	shalt  }
0x4c: {  	_ =	shalt  }
0x4d: {  	_ =	shalt  }
0x4e: {  	_ =	shalt  }
0x4f: {  	_ =	shalt  }
0x50: {  	_ =	shalt  }
0x51: {  	_ =	shalt  }
0x52: {  	_ =	shalt  }
0x53: {  	_ =	shalt  }
0x54: {  	_ =	shalt  }
0x55: {  	_ =	shalt  }
0x56: {  	_ =	shalt  }
0x57: {  	_ =	shalt  }
0x58: {  	_ =	shalt  }
0x59: {  	_ =	shalt  }
0x5a: {  	_ =	shalt  }
0x5b: {  	_ =	shalt  }
0x5c: {  	_ =	shalt  }
0x5d: {  	_ =	shalt  }
0x5e: {  	_ =	shalt  }
0x5f: {  	_ =	shalt  }
0x60: {  	_ =	shalt  }
0x61: {  	_ =	shalt  }
0x62: {  	_ =	shalt  }
0x63: {  	_ =	shalt  }
0x64: {  	_ =	shalt  }
0x65: {  	_ =	shalt  }
0x66: {  	_ =	shalt  }
0x67: {  	_ =	shalt  }
0x68: {  	_ =	shalt  }
0x69: {  	_ =	shalt  }
0x6a: {  	_ =	shalt  }
0x6b: {  	_ =	shalt  }
0x6c: {  	_ =	shalt  }
0x6d: {  	_ =	shalt  }
0x6e: {  	_ =	shalt  }
0x6f: {  	_ =	shalt  }
0x70: {  	_ =	shalt  }
0x71: {  	_ =	shalt  }
0x72: {  	_ =	shalt  }
0x73: {  	_ =	shalt  }
0x74: {  	_ =	shalt  }
0x75: {  	_ =	shalt  }
0x76: {  	_ =	shalt  }
0x77: {  	_ =	shalt  }
0x78: {  	_ =	shalt  }
0x79: {  	_ =	shalt  }
0x7a: {  	_ =	shalt  }
0x7b: {  	_ =	shalt  }
0x7c: {  	_ =	shalt  }
0x7d: {  	_ =	shalt  }
0x7e: {  	_ =	shalt  }
0x7f: {  	_ =	shalt  }
0x80: {  	_ =	shalt  }
0x81: {  	_ =	shalt  }
0x82: {  	_ =	shalt  }
0x83: {  	_ =	shalt  }
0x84: {  	_ =	shalt  }
0x85: {  	_ =	shalt  }
0x86: {  	_ =	shalt  }
0x87: {  	_ =	shalt  }
.Lfunc_end0:
.L_simem_size_0:
called_computation.3_lowered:
.L_overlay_start_0:
0x88: {  	s2 =	sld [smem:$0x3FD9]  }
0x89: {  	s3 =	sld [smem:$0x3FFE];
	_ =	sdelay $0x1  }
0x8a: {  	s1 =	srdreg.scid  }
0x8b: {  	s0 =	sand.u32 $0x1, s1  }
0x8c: {  	s17 =	sshll.u32 s0, $0xA;
	s2 =	sadd.s32 s3, s2  }
0x8d: {  	s2 =	sadd.s32 s2, s17  }
0x8e: {  	[smem:$0x3FA4] =	sst s2  }
0x8f: {  	_ = 	snop  }
0x90: {  	(tm) =	ssettm $0x1  }
0x91: {  	s18 =	sld [smem:$0x3FFB];
	_ =	sdelay $0x3  }
0x92: {  	_ =	strace s18  }
0x93: {  	s2 =	sld [smem:$0x3FFC];
	_ =	sdelay $0x3  }
0x94: {  	_ =	strace s2  }
0x95: {  	s2 =	sld [smem:$0x3FFD];
	_ =	sdelay $0x3  }
0x96: {  	_ =	strace s2  }
0x97: {  	_ =	strace $0x8FFFFFFF  }
0x98: {  	s19 =	sld [smem:$0x3FDB];
	_ =	sdelay $0x1  }
0x99: {  	s20 =	simm.s32 $_scs_section_size  }
0x9a: {  	s4 =	simm.s32 $_size__tile_overlayer_lowered;
	s5 =	simm.s32 $_tile_overlayer_lowered  }
0x9b: {  	s6 =	simm.s32 $0x1BFF;
	s21 =	sshll.u32 s5, $0x1;
	s3 =	sadd.s32 s20, s19  }
0x9c: {  	s22 =	simm.s32 $0x0;
	s4 =	sshll.u32 s4, $0x1;
	s5 =	sadd.s32 s21, s3  }
0x9d: {  	[timem:s22], [sflag:s6] =	dma.local [hbm:s5], s4  }
0x9e: {  	_ =	swait.ge [sflag:s6], s4  }
0x9f: {  	s4 =	ssub.s32 $0x0, s4;
	[sflag:s6] =	ssyncset.done $0x0  }
0xa0: {  	[sflag:s6] =	ssyncadd.s32 s4;
	_ =	sdelay $0x1  }
0xa1: {  	s23 =	simm.s32 $0x1B8B  }
0xa2: {  	_ =	swait.ge [sflag:s23], $0x1  }
0xa3: {  	[sflag:s23] =	ssyncset.done $0x0  }
0xa4: {  	[sflag:s23] =	ssyncadd.s32 $0xFFFFFFFF  }
0xa5: {  	s4 =	sld [smem:$0x0]  }
0xa6: {  	s5 =	sand.u32 $0xFFFFFFFE, s1  }
0xa7: {  	p0 =	sne.s32 s1, s5  }
0xa8: {  	s5 =	sshll.u32 @p0 s5, $0xE  }
0xa9: {  	s5 =	sadd.s32 @p0 $0x11B8D, s5;
	s6 =	sshll.u32 @p0 s4, $0x11  }
0xaa: {  	s5 =	sor.u32 @p0 s6, s5  }
0xab: {  	[sflag:s5] =	ssyncadd.remote.s32 @p0 $0x1;
	_ =	sdelay $0x1  }
0xac: {  	s5 =	simm.s32 @p0 $0x1B8D  }
0xad: {  	_ =	swait.eq @p0 [sflag:s5], $0x1  }
0xae: {  	[sflag:s5] =	ssyncadd.s32 @p0 $0xFFFFFFFF  }
0xaf: {  	s6 =	sshll.u32 @!p0 s1, $0xE  }
0xb0: {  	s6 =	sor.u32 @!p0 $0x4000, s6;
	s5 =	simm.s32 @!p0 $0x1B8D  }
0xb1: {  	s4 =	sshll.u32 @!p0 s4, $0x11;
	s6 =	sadd.s32 @!p0 $0x11B8D, s6;
	_ =	swait.eq @!p0 [sflag:s5], $0x1  }
0xb2: {  	s4 =	sor.u32 @!p0 s4, s6;
	[sflag:s5] =	ssyncadd.s32 @!p0 $0xFFFFFFFF  }
0xb3: {  	s25 =	simm.s32 $0x1B8E;
	s24 =	sld [smem:$0x3FFE];
	[sflag:s4] =	ssyncadd.remote.s32 @!p0 $0x1  }
0xb4: {  	s26 =	simm.s32 $execute0_lowered;
	[smem:$0x3FD2] =	sst s25  }
0xb5: {  	s5 =	sshll.u32 s26, $0x1;
	_ =	strace $0x80000052;
	[dreg:$0x1] =	wrdreg $0xFFFFFFFF  }
0xb6: {  	s28 =	simm.s32 $_size_execute0_lowered;
	s3 =	sadd.s32 s3, s5;
	[dreg:$0x0] =	wrdreg $0x0  }
0xb7: {  	s5 =	sshll.u32 s28, $0x1;
	[dreg:$0x2] =	wrdreg s3  }
0xb8: {  	[dreg:$0x3] =	wrdreg s5  }
0xb9: {  	[dreg:$0x4] =	wrdreg $0xC0  }
0xba: {  	_ =	task [dreg:s22], $0x5FFFF  }
0xbb: {  	[dreg:$0x1] =	wrdreg $0xFFFFFFFF  }
0xbc: {  	[dreg:$0x0] =	wrdreg $0x60  }
0xbd: {  	[dreg:$0x2] =	wrdreg s24  }
0xbe: {  	[dreg:$0x3] =	wrdreg $0x40800  }
0xbf: {  	[dreg:$0x4] =	wrdreg $0x9  }
0xc0: {  	_ =	task.clear_ibuf [dreg:s22], $0x5FFFF;
	_ =	strace $0x90000052  }
0xc1: {  	s29 =	simm.s32 $0x9;
	_ =	strace $0x80000054  }
0xc2: {  	_ =	swait.ge [sflag:s29], $0x1  }
0xc3: {  	[sflag:s29] =	ssyncadd.s32 $0xFFFFFFFF  }
0xc4: {  	_ =	strace $0x90000054  }
0xc5: {  	_ =	sfence  }
0xc6: {  	s30 =	sld [smem:$0x0];
	_ =	sdelay $0x2  }
0xc7: {  	s31 =	sshll.u32 s1, $0xD;
	s1 =	sshrl.u32 s1, $0x2  }
0xc8: {  	s4 =	sand.u32 $0x4000, s31;
	s1 =	sadd.s32 s1, s30  }
0xc9: {  	s0 =	sor.u32 s4, s0;
	s1 =	sshll.u32 s1, $0x11  }
0xca: {  	s0 =	sor.u32 s1, s0  }
0xcb: {  	s0 =	sadd.s32 $0x8F2B, s0  }
0xcc: {  	[sflag:s0] =	ssyncadd.remote.s32 $0x1  }
0xcd: {  	_ =	sfence.sel $0xFFFF  }
0xce: {  	[dreg:$0x0] =	wrdreg $0xFFFFFFFF;
	(pc) =	sbr.abs _section_cstart, $3  }
0xcf: {  	[dreg:$0x1] =	wrdreg $0xFFFFFFFF  }
0xd0: {  	_ =	task.clear_ibuf [dreg:s22], $0x2FFFF;
	_ =	strace $0x9FFFFFFF  }
0xd1: {  	(tm) =	ssettm $0x7FFFFFFF  }
tec
execute0_lowered:
.L_overlay_start_1:
0x0: {  	(tag) =	ssettag $0x1  }
0x1: {  	s5 =	rddreg [dreg:$0x0]  }
0x2: {  	s2 =	rddreg [dreg:$0x1]  }
0x3: {  	s0 =	rddreg [dreg:$0x2]  }
0x4: {  	s1 =	stileid.u32;
	s4 =	srdreg.scid  }
0x5: {  	s3 =	simm.s32 $0x0;
	s13 =	simm.s32 $0x1;
	s6 =	smul.u32 $0x50000, s1  }
0x6: {  	s14 =	simm.s32 $0x80;
	s15 =	simm.s32 $0x0;
	s7 =	smul.u32 $0x14000, s1  }
0x7: {  	s8 =	sand.u32 $0x1, s4;
	[smem:$0x7FF] =	sst s3;
	s4 =	sadd.s32 $0x11C00, s5  }
0x8: {  	s31 =	sshll.u32 s1, $0x6;
	s9 =	smul.u32 $0x140000, s8;
	_ =	strace $0x80000053  }
0x9: {  	s29 =	ssub.s32 $0x2, s8;
	p0 =	seq.s32 s8, $0x1;
	s11 =	sadd.s32 s6, s5  }
0xa: {  	s10 =	sshrl.u32 s7, $0x3;
	s30 =	sshrl.u32 s29, $0x1;
	s6 =	sshrl.u32 s6, $0x2  }
.Ltmp0:
0xb: {  	s7 =	sadd.s32 s7, s9;
	s28 =	sadd.s32 s10, s5;
	(pc) =	sbr.rel .LBB2_1-.Ltmp0, $4  }
0xc: {  	s10 =	ssub.s32 s29, s30;
	s12 =	sadd.s32 s6, s2;
	s6 =	sor.u32 $0x1C01, s31  }
0xd: {  	s9 =	sadd.s32 $0x1FE7C00, s11;
	s11 =	sadd.s32 $0x24E7C00, s11;
	s7 =	sshrl.u32 s7, $0x3  }
0xe: {  	s8 =	smax.u32 s10, $0x1;
	s10 =	smul.u32 $0xA00, s1;
	s7 =	sadd.s32 s7, s5  }
0xf: {  	s12 =	sshrl.u32 s12, $0x3;
	s5 =	sadd.s32 $0x1BC00, s28;
	s7 =	sadd.s32 $0x93C00, s7  }
.LBB2_7:
0x10: {  	s17 =	sadd.s32 s18, s19;
	[sflag:s13] =	ssyncadd.s32 $0xFFFFC000  }
0x11: {  	[tilespmem:s3], [sflag:$0x1] =	stream.linear.gather [hbm4b:s17+s3], $0x80, $0x38;
	[tilespmem:$0x18080] =	vst v63  }
0x12: {  	_ =	swait.ge [sflag:s13], $0x80  }
0x13: {  	[sflag:s13] =	ssyncset.done $0x0  }
0x14: {  	[sflag:s13] =	ssyncadd.s32 $0xFFFFFF80  }
0x15: {  	[tilespmem:s14], [sflag:$0x1] =	stream.linear.gather [hbm4b:s16+s3], $0x4000, $0x38;
	[tilespmem:$0x18080] =	vst v63  }
0x16: {  	_ =	swait.ge [sflag:s13], $0x4000  }
0x17: {  	[sflag:s13] =	ssyncset.done $0x0  }
0x18: {  	[sflag:s13] =	ssyncadd.s32 $0xFFFFC000  }
0x19: {  	[spmem:s2] =	stream.indirect.scatter.add.f32 [tilespmem:s14], [sflag:$0x1], $0x80, s3, s14, $0xb8;
	[tilespmem:$0x18080] =	vst v63  }
0x1a: {  	_ =	swait.ge [sflag:s13], $0x4000  }
0x1b: {  	[sflag:s13] =	ssyncset.done $0x0  }
0x1c: {  	[sflag:s13] =	ssyncadd.s32 $0xFFFFC000  }
.LBB2_8:
0x1d: {  	s15 =	sadd.s32 $0x1, s15  }
0x1e: {  	p1 =	sne.s32 s15, s8  }
.Ltmp1:
0x1f: {  	[bflag:$0x0] =	sbarrier.arrive $0xFFFF;
	(pc) =	sbr.rel @!p1 .LBB2_9-.Ltmp1, $4  }
0x20: {  	[hbm:s7], [sflag:s6] =	dma.local [spmem:s12], $0x2800  }
0x21: {  	_ =	swait.ge [sflag:s13], $0x2800  }
0x22: {  	[sflag:s13] =	ssyncset.done $0x0  }
0x23: {  	[sflag:s13] =	ssyncadd.s32 $0xFFFFD800  }
.LBB2_1:
0x24: {  	[spmem:s12], [sflag:s6] =	dma.local [hbm:s5], $0x2800  }
.Ltmp2:
0x25: {  	_ =	swait.ge [sflag:s13], $0x2800;
	(pc) =	sbr.rel @!p0 .LBB2_2-.Ltmp2, $4  }
0x26: {  	[sflag:s13] =	ssyncset.done $0x0  }
0x27: {  	s16 =	sadd.s32 $0x0, s10;
	s17 =	sand.u32 $0x70, s3;
	[sflag:s13] =	ssyncadd.s32 $0xFFFFD800  }
0x28: {  	s16 =	sand.u32 $0x1FF80, s16;
	s17 =	sadd.s32 s4, s17;
	[bflag:$0x0] =	sbarrier.arrive $0xFFFF  }
0x29: {  	s16 =	sadd.s32 s16, s17  }
0x2a: {  	[tilespmem:s3], [sflag:$0x1] =	stream.linear.gather [hbm4b:s16+s3], $0x80, $0x38;
	[tilespmem:$0x18080] =	vst v63  }
0x2b: {  	_ =	swait.ge [sflag:s13], $0x80  }
0x2c: {  	[sflag:s13] =	ssyncset.done $0x0  }
0x2d: {  	[sflag:s13] =	ssyncadd.s32 $0xFFFFFF80  }
0x2e: {  	[tilespmem:s14], [sflag:$0x1] =	stream.linear.gather [hbm4b:s11+s3], $0x4000, $0x38;
	[tilespmem:$0x18080] =	vst v63  }
0x2f: {  	_ =	swait.ge [sflag:s13], $0x4000  }
0x30: {  	s18 =	simm.s32 $0x10;
	[sflag:s13] =	ssyncset.done $0x0  }
0x31: {  	s17 =	simm.s32 $0x20;
	s16 =	sadd.s32 $0x800, s11;
	[sflag:s13] =	ssyncadd.s32 $0xFFFFC000  }
0x32: {  	[spmem:s2] =	stream.indirect.scatter.add.f32 [tilespmem:s14], [sflag:$0x1], $0x80, s3, s14, $0xb8;
	[tilespmem:$0x18080] =	vst v63  }
0x33: {  	s19 =	sadd.s32 $0x10, s10;
	s20 =	sand.u32 $0x70, s18;
	_ =	swait.ge [sflag:s13], $0x4000  }
0x34: {  	s18 =	sand.u32 $0x1FF80, s19;
	s19 =	sadd.s32 s4, s20;
	[sflag:s13] =	ssyncset.done $0x0  }
.LBB2_6:
0x35: {  	s18 =	sadd.s32 s18, s19  }
0x36: {  	[sflag:s13] =	ssyncadd.s32 $0xFFFFC000;
	s19 =	smov.u32 s17;
	s20 =	sadd.s32 $0x10, s17  }
0x37: {  	[tilespmem:s3], [sflag:$0x1] =	stream.linear.gather [hbm4b:s18+s3], $0x80, $0x38;
	[tilespmem:$0x18080] =	vst v63  }
0x38: {  	p1 =	sne.s32 s17, $0x9F0;
	_ =	swait.ge [sflag:s13], $0x80  }
0x39: {  	[sflag:s13] =	ssyncset.done $0x0  }
0x3a: {  	[sflag:s13] =	ssyncadd.s32 $0xFFFFFF80  }
0x3b: {  	[tilespmem:s14], [sflag:$0x1] =	stream.linear.gather [hbm4b:s16+s3], $0x4000, $0x38;
	[tilespmem:$0x18080] =	vst v63  }
0x3c: {  	_ =	swait.ge [sflag:s13], $0x4000  }
.Ltmp3:
0x3d: {  	[sflag:s13] =	ssyncset.done $0x0;
	(pc) =	sbr.rel @p1 .LBB2_6-.Ltmp3, $4  }
0x3e: {  	s17 =	sadd.s32 s19, s10;
	s16 =	sadd.s32 $0x800, s16;
	[sflag:s13] =	ssyncadd.s32 $0xFFFFC000  }
0x3f: {  	[spmem:s2] =	stream.indirect.scatter.add.f32 [tilespmem:s14], [sflag:$0x1], $0x80, s3, s14, $0xb8;
	[tilespmem:$0x18080] =	vst v63  }
0x40: {  	s19 =	sand.u32 $0x70, s19;
	s18 =	sand.u32 $0x1FF80, s17;
	_ =	swait.ge [sflag:s13], $0x4000  }
0x41: {  	s19 =	sadd.s32 s4, s19;
	s17 =	smov.u32 s20;
	[sflag:s13] =	ssyncset.done $0x0  }
.Ltmp4:
0x42: {  	_ = 	snop;
	(pc) =	sbr.rel .LBB2_7-.Ltmp4, $1  }
0x43: {  	_ =	sdelay $0x3  }
.LBB2_2:
0x44: {  	[tilespmem:s3], [sflag:$0x1] =	stream.linear.gather [hbm4b:s16+s3], $0x80, $0x38;
	[tilespmem:$0x18080] =	vst v63  }
0x45: {  	_ =	swait.ge [sflag:s13], $0x80  }
0x46: {  	[sflag:s13] =	ssyncset.done $0x0  }
0x47: {  	[sflag:s13] =	ssyncadd.s32 $0xFFFFFF80  }
0x48: {  	[tilespmem:s14], [sflag:$0x1] =	stream.linear.gather [hbm4b:s9+s3], $0x4000, $0x38;
	[tilespmem:$0x18080] =	vst v63  }
0x49: {  	_ =	swait.ge [sflag:s13], $0x4000  }
0x4a: {  	s18 =	simm.s32 $0x10;
	[sflag:s13] =	ssyncset.done $0x0  }
0x4b: {  	s17 =	simm.s32 $0x20;
	s16 =	sadd.s32 $0x800, s9;
	[sflag:s13] =	ssyncadd.s32 $0xFFFFC000  }
0x4c: {  	[spmem:s2] =	stream.indirect.scatter.add.f32 [tilespmem:s14], [sflag:$0x1], $0x80, s3, s14, $0xb8;
	[tilespmem:$0x18080] =	vst v63  }
0x4d: {  	s19 =	sadd.s32 $0x10, s10;
	s20 =	sand.u32 $0x70, s18;
	_ =	swait.ge [sflag:s13], $0x4000  }
0x4e: {  	s18 =	sand.u32 $0x1FF80, s19;
	s19 =	sadd.s32 s4, s20;
	[sflag:s13] =	ssyncset.done $0x0  }
.LBB2_3:
0x4f: {  	s18 =	sadd.s32 s18, s19  }
0x50: {  	[sflag:s13] =	ssyncadd.s32 $0xFFFFC000;
	s19 =	smov.u32 s17;
	s20 =	sadd.s32 $0x10, s17  }
0x51: {  	[tilespmem:s3], [sflag:$0x1] =	stream.linear.gather [hbm4b:s18+s3], $0x80, $0x38;
	[tilespmem:$0x18080] =	vst v63  }
0x52: {  	p1 =	seq.s32 s17, $0x9F0;
	_ =	swait.ge [sflag:s13], $0x80  }
0x53: {  	[sflag:s13] =	ssyncset.done $0x0  }
0x54: {  	[sflag:s13] =	ssyncadd.s32 $0xFFFFFF80  }
0x55: {  	[tilespmem:s14], [sflag:$0x1] =	stream.linear.gather [hbm4b:s16+s3], $0x4000, $0x38;
	[tilespmem:$0x18080] =	vst v63  }
0x56: {  	_ =	swait.ge [sflag:s13], $0x4000  }
.Ltmp5:
0x57: {  	[sflag:s13] =	ssyncset.done $0x0;
	(pc) =	sbr.rel @!p1 .LBB2_3-.Ltmp5, $4  }
0x58: {  	s17 =	sadd.s32 s19, s10;
	s16 =	sadd.s32 $0x800, s16;
	[sflag:s13] =	ssyncadd.s32 $0xFFFFC000  }
0x59: {  	[spmem:s2] =	stream.indirect.scatter.add.f32 [tilespmem:s14], [sflag:$0x1], $0x80, s3, s14, $0xb8;
	[tilespmem:$0x18080] =	vst v63  }
0x5a: {  	s19 =	sand.u32 $0x70, s19;
	s18 =	sand.u32 $0x1FF80, s17;
	_ =	swait.ge [sflag:s13], $0x4000  }
0x5b: {  	s19 =	sadd.s32 s4, s19;
	s17 =	smov.u32 s20;
	[sflag:s13] =	ssyncset.done $0x0  }
0x5c: {  	s17 =	sadd.s32 s18, s19;
	[sflag:s13] =	ssyncadd.s32 $0xFFFFC000  }
0x5d: {  	[tilespmem:s3], [sflag:$0x1] =	stream.linear.gather [hbm4b:s17+s3], $0x80, $0x38;
	[tilespmem:$0x18080] =	vst v63  }
0x5e: {  	_ =	swait.ge [sflag:s13], $0x80  }
0x5f: {  	[sflag:s13] =	ssyncset.done $0x0  }
0x60: {  	[sflag:s13] =	ssyncadd.s32 $0xFFFFFF80  }
0x61: {  	[tilespmem:s14], [sflag:$0x1] =	stream.linear.gather [hbm4b:s16+s3], $0x4000, $0x38;
	[tilespmem:$0x18080] =	vst v63  }
0x62: {  	_ =	swait.ge [sflag:s13], $0x4000  }
0x63: {  	[sflag:s13] =	ssyncset.done $0x0  }
.Ltmp6:
0x64: {  	[sflag:s13] =	ssyncadd.s32 $0xFFFFC000;
	(pc) =	sbr.rel .LBB2_8-.Ltmp6, $4  }
0x65: {  	[spmem:s2] =	stream.indirect.scatter.add.f32 [tilespmem:s14], [sflag:$0x1], $0x80, s3, s14, $0xb8;
	[tilespmem:$0x18080] =	vst v63  }
0x66: {  	_ =	swait.ge [sflag:s13], $0x4000  }
0x67: {  	[sflag:s13] =	ssyncset.done $0x0  }
0x68: {  	[sflag:s13] =	ssyncadd.s32 $0xFFFFC000  }
.LBB2_9:
0x69: {  	_ =	sfence.sel $0x180000  }
0x6a: {  	[bflag:$0x0] =	sbarrier.arrive $0xFFFF  }
0x6b: {  	p0 =	sne.s32 s1, $0x0;
	_ =	strace $0x90000053  }
0x6c: {  	s0 =	sadd.s32 @!p0 $0x100000, s0;
	[bflag:$0x2] =	sbarrier.arrive $0xFFFF  }
0x6d: {  	[sflag:s0] =	ssyncadd.tile.s32 @!p0 $0x1;
	_ =	shalt  }
.Lfunc_end2:
_tile_overlayer_lowered:
.L_overlay_start_2:
0x6e: {  	(tag) =	ssettag $0x2  }
0x6f: {  	s0 =	rddreg [dreg:$0x0];
	s2 =	stileid.u32  }
0x70: {  	s1 =	rddreg [dreg:$0x1];
	p0 =	sne.s32 s2, $0x0  }
0x71: {  	s3 =	rddreg [dreg:$0x2];
	[bflag:$0x3] =	sbarrier.arrive $0xFFFF;
	s2 =	simm.s32 @!p0 $0x1C01  }
0x72: {  	[timem:s3], [sflag:s2] =	dma.local @!p0 [hbm:s0], s1  }
0x73: {  	s0 =	simm.s32 @!p0 $0x1  }
0x74: {  	_ =	swait.ge @!p0 [sflag:s0], s1  }
0x75: {  	s1 =	ssub.s32 @!p0 $0x0, s1;
	[sflag:s0] =	ssyncset.done @!p0 $0x0  }
0x76: {  	[sflag:s0] =	ssyncadd.s32 @!p0 s1  }
0x77: {  	[bflag:$0x3] =	sbarrier.arrive $0xFFFF  }
0x78: {  	_ =	shalt  }

// kernel: kernel.24.cloned.1.call-start
scs
__scs_entry_jumppad:
0x0: {  	(pc) =	sbr.rel $0x88, $3  }
0x1: {  	(tag) =	ssettag $0x0;
	lr =	simm.s32 $0x1  }
0x2: {  	[smem:$0x3F7D] =	sst lr;
	_ =	strace $0xD0000000  }
0x3: {  	_ = 	snop  }
0x4: {  	_ = 	snop  }
0x5: {  	_ = 	snop  }
0x6: {  	_ = 	snop  }
0x7: {  	_ = 	snop  }
__scs_overlays_trampoline_lowered:
0x8: {  	[smem:$0x3F8C] =	sst s0  }
0x9: {  	[smem:$0x3F8D] =	sst s1  }
0xa: {  	[smem:$0x3F8E] =	sst s2  }
0xb: {  	[smem:$0x3F8F] =	sst s3  }
0xc: {  	[smem:$0x3F90] =	sst s4  }
0xd: {  	[smem:$0x3F91] =	sst s5  }
0xe: {  	[smem:$0x3F92] =	sst s6  }
0xf: {  	[smem:$0x3F93] =	sst s7  }
0x10: {  	[smem:$0x3F94] =	sst s8  }
0x11: {  	[smem:$0x3F95] =	sst s9;
	s0 =	simm.s32 @!p0 $0x0  }
0x12: {  	s1 =	sld [smem:$0x3F7B];
	s0 =	simm.s32 @p0 $0x1  }
0x13: {  	[smem:$0x3F96] =	sst s0;
	s0 =	simm.s32 @!p1 $0x0  }
0x14: {  	s2 =	sld [smem:$0x3F7A];
	s0 =	simm.s32 @p1 $0x1  }
0x15: {  	[smem:$0x3F97] =	sst s0;
	s0 =	simm.s32 @!p2 $0x0  }
0x16: {  	s3 =	sld [smem:$0x3FDB];
	s0 =	simm.s32 @p2 $0x1  }
0x17: {  	s4 =	simm.s32 $0x1BF5;
	[smem:$0x3F99] =	sst s0  }
0x18: {  	s0 =	sld [smem:$0x3F7C];
	_ =	swait.ge [sflag:s4], $0x0  }
0x19: {  	s7 =	sld [smem:$0x3F7D]  }
0x1a: {  	s8 =	sadd.s32 $0xFFFFE003, lr  }
0x1b: {  	s9 =	sadd.s32 $0xFFFFFEF7, lr;
	s5 =	simm.s32 $0xFFFFFFFF;
	p2 =	slt.u32 s8, $0xFFFFF086  }
0x1c: {  	p1 =	slt.u32 s9, $0xF7A;
	s5 =	simm.s32 @!p2 $0x0  }
0x1d: {  	s5 =	simm.s32 @p1 $0x1;
	p0 =	seq.s32 s7, s2  }
0x1e: {  	s7 =	smul.u32 @!p0 $0xF7A, s2;
	p2 =	seq.s32 @!p0 s5, $0x0  }
0x1f: {  	s9 =	smul.u32 $0xF7A, s1;
	s8 =	simm.s32 @!p0 $0x1BF5;
	p2 =	por !p2, p0  }
0x20: {  	[sflag:s8] =	ssyncset.s32 @!p0 $0xFFFFF086;
	s6 =	sadd.s32 @!p0 s3, s7;
	s7 =	simm.s32 @!p0 $0x108  }
0x21: {  	s3 =	sadd.s32 s3, s9;
	s6 =	sadd.s32 @!p0 $0x88, s6;
	s7 =	simm.s32 @p2 $0x1082  }
0x22: {  	[simem:s7], [sflag:s8] =	dma.local @!p0 [hbm:s6], $0xF7A  }
0x23: {  	s9 =	sor.u32 $0xD0000000, s2;
	s6 =	simm.s32 $0x108;
	_ =	swait.ge @!p0 [sflag:s8], $0x0  }
0x24: {  	s3 =	sadd.s32 $0x88, s3;
	s6 =	simm.s32 @!p1 $0x1082;
	[sflag:s4] =	ssyncset.s32 $0xFFFFF086  }
0x25: {  	[simem:s6], [sflag:s4] =	dma.local [hbm:s3], $0xF7A  }
0x26: {  	[smem:$0x3F7D] =	sst s1;
	(tag) =	ssettag s2;
	_ =	strace s9  }
0x27: {  	s1 =	sld [smem:$0x3F8D]  }
0x28: {  	s2 =	sld [smem:$0x3F8E]  }
0x29: {  	s4 =	sld [smem:$0x3F90]  }
0x2a: {  	p0 =	seq.s32 s5, $0x0;
	s5 =	sld [smem:$0x3F91]  }
0x2b: {  	s6 =	sld [smem:$0x3F92]  }
0x2c: {  	s7 =	sld [smem:$0x3F93]  }
0x2d: {  	s3 =	simm.s32 $0x108;
	s8 =	sld [smem:$0x3F94]  }
0x2e: {  	s3 =	simm.s32 @!p0 $0x1082;
	s9 =	sld [smem:$0x3F95]  }
0x2f: {  	lr =	sadd.s32 s0, s3;
	s0 =	sld [smem:$0x3F8C]  }
0x30: {  	s3 =	sld [smem:$0x3F8F]  }
0x31: {  	[smem:$0x3F98] =	sst s10  }
0x32: {  	s10 =	sld [smem:$0x3F96];
	_ =	sdelay $0x3  }
0x33: {  	p0 =	seq.s32 s10, $0x1;
	s10 =	sld [smem:$0x3F98];
	_ =	sdelay $0x3  }
0x34: {  	[smem:$0x3F98] =	sst s10  }
0x35: {  	s10 =	sld [smem:$0x3F97];
	_ =	sdelay $0x3  }
0x36: {  	p1 =	seq.s32 s10, $0x1;
	s10 =	sld [smem:$0x3F98];
	_ =	sdelay $0x3  }
0x37: {  	[smem:$0x3F98] =	sst s10  }
0x38: {  	s10 =	sld [smem:$0x3F99]  }
0x39: {  	_ = 	snop;
	(pc) =	sbr.ind lr, $3  }
0x3a: {  	_ = 	snop  }
0x3b: {  	_ = 	snop  }
0x3c: {  	p2 =	seq.s32 s10, $0x1;
	s10 =	sld [smem:$0x3F98]  }
0x3d: {  	_ =	shalt  }
0x3e: {  	_ =	shalt  }
0x3f: {  	_ =	shalt  }
0x40: {  	_ =	shalt  }
0x41: {  	_ =	shalt  }
0x42: {  	_ =	shalt  }
0x43: {  	_ =	shalt  }
0x44: {  	_ =	shalt  }
0x45: {  	_ =	shalt  }
0x46: {  	_ =	shalt  }
0x47: {  	_ =	shalt  }
0x48: {  	_ =	shalt  }
0x49: {  	_ =	shalt  }
0x4a: {  	_ =	shalt  }
0x4b: {  	_ =	shalt  }
0x4c: {  	_ =	shalt  }
0x4d: {  	_ =	shalt  }
0x4e: {  	_ =	shalt  }
0x4f: {  	_ =	shalt  }
0x50: {  	_ =	shalt  }
0x51: {  	_ =	shalt  }
0x52: {  	_ =	shalt  }
0x53: {  	_ =	shalt  }
0x54: {  	_ =	shalt  }
0x55: {  	_ =	shalt  }
0x56: {  	_ =	shalt  }
0x57: {  	_ =	shalt  }
0x58: {  	_ =	shalt  }
0x59: {  	_ =	shalt  }
0x5a: {  	_ =	shalt  }
0x5b: {  	_ =	shalt  }
0x5c: {  	_ =	shalt  }
0x5d: {  	_ =	shalt  }
0x5e: {  	_ =	shalt  }
0x5f: {  	_ =	shalt  }
0x60: {  	_ =	shalt  }
0x61: {  	_ =	shalt  }
0x62: {  	_ =	shalt  }
0x63: {  	_ =	shalt  }
0x64: {  	_ =	shalt  }
0x65: {  	_ =	shalt  }
0x66: {  	_ =	shalt  }
0x67: {  	_ =	shalt  }
0x68: {  	_ =	shalt  }
0x69: {  	_ =	shalt  }
0x6a: {  	_ =	shalt  }
0x6b: {  	_ =	shalt  }
0x6c: {  	_ =	shalt  }
0x6d: {  	_ =	shalt  }
0x6e: {  	_ =	shalt  }
0x6f: {  	_ =	shalt  }
0x70: {  	_ =	shalt  }
0x71: {  	_ =	shalt  }
0x72: {  	_ =	shalt  }
0x73: {  	_ =	shalt  }
0x74: {  	_ =	shalt  }
0x75: {  	_ =	shalt  }
0x76: {  	_ =	shalt  }
0x77: {  	_ =	shalt  }
0x78: {  	_ =	shalt  }
0x79: {  	_ =	shalt  }
0x7a: {  	_ =	shalt  }
0x7b: {  	_ =	shalt  }
0x7c: {  	_ =	shalt  }
0x7d: {  	_ =	shalt  }
0x7e: {  	_ =	shalt  }
0x7f: {  	_ =	shalt  }
0x80: {  	_ =	shalt  }
0x81: {  	_ =	shalt  }
0x82: {  	_ =	shalt  }
0x83: {  	_ =	shalt  }
0x84: {  	_ =	shalt  }
0x85: {  	_ =	shalt  }
0x86: {  	_ =	shalt  }
0x87: {  	_ =	shalt  }
.Lfunc_end0:
.L_simem_size_0:
called_computation.4_lowered:
.L_overlay_start_0:
0x88: {  	s2 =	sld [smem:$0x3FD9]  }
0x89: {  	s3 =	sld [smem:$0x3FFE];
	_ =	sdelay $0x1  }
0x8a: {  	s1 =	srdreg.scid  }
0x8b: {  	s0 =	sand.u32 $0x1, s1  }
0x8c: {  	s16 =	sshll.u32 s0, $0xA;
	s2 =	sadd.s32 s3, s2  }
0x8d: {  	s2 =	sadd.s32 s2, s16  }
0x8e: {  	[smem:$0x3FA4] =	sst s2  }
0x8f: {  	_ = 	snop  }
0x90: {  	(tm) =	ssettm $0x1  }
0x91: {  	s17 =	sld [smem:$0x3FFB];
	_ =	sdelay $0x3  }
0x92: {  	_ =	strace s17  }
0x93: {  	s2 =	sld [smem:$0x3FFC];
	_ =	sdelay $0x3  }
0x94: {  	_ =	strace s2  }
0x95: {  	s2 =	sld [smem:$0x3FFD];
	_ =	sdelay $0x3  }
0x96: {  	_ =	strace s2  }
0x97: {  	_ =	strace $0x8FFFFFFF  }
0x98: {  	s18 =	sld [smem:$0x3FDB];
	_ =	sdelay $0x1  }
0x99: {  	s19 =	simm.s32 $_scs_section_size  }
0x9a: {  	s4 =	simm.s32 $_size__tile_overlayer_lowered;
	s5 =	simm.s32 $_tile_overlayer_lowered  }
0x9b: {  	s22 =	simm.s32 $0x1BFF;
	s21 =	sshll.u32 s5, $0x1;
	s2 =	sadd.s32 s19, s18  }
0x9c: {  	s6 =	simm.s32 $0x0;
	s20 =	sshll.u32 s4, $0x1;
	s4 =	sadd.s32 s21, s2  }
0x9d: {  	[timem:s6], [sflag:s22] =	dma.local [hbm:s4], s20  }
0x9e: {  	_ =	swait.ge [sflag:s22], s20  }
0x9f: {  	s3 =	ssub.s32 $0x0, s20;
	[sflag:s22] =	ssyncset.done $0x0  }
0xa0: {  	[sflag:s22] =	ssyncadd.s32 s3;
	_ =	sdelay $0x1  }
0xa1: {  	s23 =	simm.s32 $0x1B8B  }
0xa2: {  	_ =	swait.ge [sflag:s23], $0x1  }
0xa3: {  	[sflag:s23] =	ssyncset.done $0x0  }
0xa4: {  	s25 =	simm.s32 $0x1B8E;
	s24 =	sld [smem:$0x3FFE];
	[sflag:s23] =	ssyncadd.s32 $0xFFFFFFFF  }
0xa5: {  	s26 =	simm.s32 $execute0_lowered;
	[smem:$0x3FD2] =	sst s25  }
0xa6: {  	s4 =	sshll.u32 s26, $0x1;
	_ =	strace $0x8000004F;
	[dreg:$0x1] =	wrdreg $0xFFFFFFFF  }
0xa7: {  	s28 =	simm.s32 $_size_execute0_lowered;
	s2 =	sadd.s32 s2, s4;
	[dreg:$0x0] =	wrdreg $0x0  }
0xa8: {  	s4 =	sshll.u32 s28, $0x1;
	[dreg:$0x2] =	wrdreg s2  }
0xa9: {  	[dreg:$0x3] =	wrdreg s4  }
0xaa: {  	[dreg:$0x4] =	wrdreg $0xC0  }
0xab: {  	_ =	task [dreg:s6], $0x5FFFF  }
0xac: {  	[dreg:$0x1] =	wrdreg $0xFFFFFFFF  }
0xad: {  	[dreg:$0x0] =	wrdreg $0x60  }
0xae: {  	[dreg:$0x2] =	wrdreg s24  }
0xaf: {  	[dreg:$0x3] =	wrdreg $0x40800  }
0xb0: {  	[dreg:$0x4] =	wrdreg $0xA  }
0xb1: {  	_ =	task.clear_ibuf [dreg:s6], $0x5FFFF;
	_ =	strace $0x9000004F  }
0xb2: {  	s29 =	simm.s32 $0xA;
	_ =	strace $0x80000051  }
0xb3: {  	_ =	swait.ge [sflag:s29], $0x1  }
0xb4: {  	[sflag:s29] =	ssyncadd.s32 $0xFFFFFFFF  }
0xb5: {  	_ =	strace $0x90000051  }
0xb6: {  	_ =	sfence  }
0xb7: {  	s30 =	sld [smem:$0x0];
	_ =	sdelay $0x2  }
0xb8: {  	s31 =	sshll.u32 s1, $0xD;
	s1 =	sshrl.u32 s1, $0x2  }
0xb9: {  	s3 =	sand.u32 $0x4000, s31;
	s1 =	sadd.s32 s1, s30  }
0xba: {  	s0 =	sor.u32 s3, s0;
	s1 =	sshll.u32 s1, $0x11  }
0xbb: {  	s0 =	sor.u32 s1, s0  }
0xbc: {  	s0 =	sadd.s32 $0x8F2B, s0  }
0xbd: {  	[sflag:s0] =	ssyncadd.remote.s32 $0x1  }
0xbe: {  	_ =	sfence.sel $0xFFFF  }
0xbf: {  	[dreg:$0x0] =	wrdreg $0xFFFFFFFF;
	(pc) =	sbr.abs _section_cstart, $3  }
0xc0: {  	[dreg:$0x1] =	wrdreg $0xFFFFFFFF  }
0xc1: {  	_ =	task.clear_ibuf [dreg:s6], $0x2FFFF;
	_ =	strace $0x9FFFFFFF  }
0xc2: {  	(tm) =	ssettm $0x7FFFFFFF  }
0xc3: {  	_ =	shalt  }
tec
execute0_lowered:
.L_overlay_start_1:
0x0: {  	(tag) =	ssettag $0x1  }
0x1: {  	s1 =	stileid.u32  }
0x2: {  	s5 =	rddreg [dreg:$0x0];
	s7 =	smul.u32 $0x14000, s1  }
0x3: {  	s0 =	srdreg.scid;
	s11 =	smul.u32 $0x50000, s1  }
0x4: {  	s2 =	rddreg [dreg:$0x1];
	s3 =	simm.s32 $0x0;
	s30 =	smul.u32 $0x28000, s1  }
0x5: {  	s6 =	sand.u32 $0x1, s0;
	s0 =	rddreg [dreg:$0x2];
	s31 =	smul.u32 $0x500, s1  }
0x6: {  	[smem:$0x7FF] =	sst s3;
	s4 =	smul.u32 $0x280000, s6  }
0x7: {  	s13 =	sshll.u32 s1, $0x6;
	s8 =	smul.u32 $0x140000, s6;
	_ =	strace $0x80000050  }
0x8: {  	s26 =	ssub.s32 $0x2, s6;
	s14 =	smul.u32 $0x5000, s6;
	s6 =	sor.u32 $0x1C01, s13  }
0x9: {  	s13 =	simm.s32 $0x80;
	s10 =	sshrl.u32 s7, $0x3;
	s28 =	sshrl.u32 s26, $0x1  }
0xa: {  	s29 =	sshrl.u32 s11, $0x2;
	s9 =	sadd.s32 s4, s5;
	s4 =	sadd.s32 $0x11C00, s5  }
0xb: {  	s7 =	sadd.s32 s7, s8;
	s10 =	sadd.s32 s10, s5;
	s8 =	ssub.s32 s26, s28  }
0xc: {  	s12 =	sadd.s32 s29, s2;
	s7 =	sshrl.u32 s7, $0x3;
	s8 =	smax.u32 s8, $0x1  }
0xd: {  	s9 =	sadd.s32 s30, s9;
	s11 =	sshrl.u32 s12, $0x3;
	s12 =	simm.s32 $0x1  }
0xe: {  	s7 =	sadd.s32 s7, s5;
	s5 =	sadd.s32 $0x1BC00, s10;
	s9 =	sadd.s32 $0x1AE7C00, s9  }
0xf: {  	s10 =	sadd.s32 s31, s14;
	s14 =	simm.s32 $0x0;
	s7 =	sadd.s32 $0x43C00, s7  }
.LBB2_1:
0x10: {  	[spmem:s11], [sflag:s6] =	dma.local [hbm:s5], $0x2800  }
0x11: {  	_ =	swait.ge [sflag:s12], $0x2800  }
0x12: {  	s15 =	sadd.s32 $0x0, s10;
	s16 =	sand.u32 $0x70, s3;
	[sflag:s12] =	ssyncset.done $0x0  }
0x13: {  	s15 =	sand.u32 $0x1FF80, s15;
	s16 =	sadd.s32 s4, s16;
	[sflag:s12] =	ssyncadd.s32 $0xFFFFD800  }
0x14: {  	s15 =	sadd.s32 s15, s16;
	[bflag:$0x0] =	sbarrier.arrive $0xFFFF  }
0x15: {  	[tilespmem:s3], [sflag:$0x1] =	stream.linear.gather [hbm4b:s15+s3], $0x80, $0x38;
	[tilespmem:$0x18080] =	vst v63  }
0x16: {  	_ =	swait.ge [sflag:s12], $0x80  }
0x17: {  	[sflag:s12] =	ssyncset.done $0x0  }
0x18: {  	[sflag:s12] =	ssyncadd.s32 $0xFFFFFF80  }
0x19: {  	[tilespmem:s13], [sflag:$0x1] =	stream.linear.gather [hbm4b:s9+s3], $0x4000, $0x38;
	[tilespmem:$0x18080] =	vst v63  }
0x1a: {  	_ =	swait.ge [sflag:s12], $0x4000  }
0x1b: {  	s17 =	simm.s32 $0x10;
	[sflag:s12] =	ssyncset.done $0x0  }
0x1c: {  	s18 =	sadd.s32 $0x10, s10;
	s19 =	sand.u32 $0x70, s17;
	[sflag:s12] =	ssyncadd.s32 $0xFFFFC000  }
0x1d: {  	[spmem:s2] =	stream.indirect.scatter.add.f32 [tilespmem:s13], [sflag:$0x1], $0x80, s3, s13, $0xb8;
	[tilespmem:$0x18080] =	vst v63  }
0x1e: {  	s17 =	sand.u32 $0x1FF80, s18;
	s16 =	simm.s32 $0x20;
	_ =	swait.ge [sflag:s12], $0x4000  }
0x1f: {  	s18 =	sadd.s32 s4, s19;
	s15 =	sadd.s32 $0x800, s9;
	[sflag:s12] =	ssyncset.done $0x0  }
.LBB2_2:
0x20: {  	s17 =	sadd.s32 s17, s18  }
0x21: {  	[sflag:s12] =	ssyncadd.s32 $0xFFFFC000;
	s18 =	smov.u32 s16;
	s19 =	sadd.s32 $0x10, s16  }
0x22: {  	[tilespmem:s3], [sflag:$0x1] =	stream.linear.gather [hbm4b:s17+s3], $0x80, $0x38;
	[tilespmem:$0x18080] =	vst v63  }
0x23: {  	p0 =	sne.s32 s16, $0x4F0;
	_ =	swait.ge [sflag:s12], $0x80  }
0x24: {  	[sflag:s12] =	ssyncset.done $0x0  }
0x25: {  	[sflag:s12] =	ssyncadd.s32 $0xFFFFFF80  }
0x26: {  	[tilespmem:s13], [sflag:$0x1] =	stream.linear.gather [hbm4b:s15+s3], $0x4000, $0x38;
	[tilespmem:$0x18080] =	vst v63  }
0x27: {  	_ =	swait.ge [sflag:s12], $0x4000  }
.Ltmp0:
0x28: {  	[sflag:s12] =	ssyncset.done $0x0;
	(pc) =	sbr.rel @p0 .LBB2_2-.Ltmp0, $4  }
0x29: {  	s16 =	sadd.s32 s18, s10;
	s15 =	sadd.s32 $0x800, s15;
	[sflag:s12] =	ssyncadd.s32 $0xFFFFC000  }
0x2a: {  	[spmem:s2] =	stream.indirect.scatter.add.f32 [tilespmem:s13], [sflag:$0x1], $0x80, s3, s13, $0xb8;
	[tilespmem:$0x18080] =	vst v63  }
0x2b: {  	s18 =	sand.u32 $0x70, s18;
	s17 =	sand.u32 $0x1FF80, s16;
	_ =	swait.ge [sflag:s12], $0x4000  }
0x2c: {  	s18 =	sadd.s32 s4, s18;
	s16 =	smov.u32 s19;
	[sflag:s12] =	ssyncset.done $0x0  }
0x2d: {  	s16 =	sadd.s32 s17, s18;
	[sflag:s12] =	ssyncadd.s32 $0xFFFFC000  }
0x2e: {  	[tilespmem:s3], [sflag:$0x1] =	stream.linear.gather [hbm4b:s16+s3], $0x80, $0x38;
	[tilespmem:$0x18080] =	vst v63  }
0x2f: {  	_ =	swait.ge [sflag:s12], $0x80  }
0x30: {  	[sflag:s12] =	ssyncset.done $0x0  }
0x31: {  	[sflag:s12] =	ssyncadd.s32 $0xFFFFFF80  }
0x32: {  	[tilespmem:s13], [sflag:$0x1] =	stream.linear.gather [hbm4b:s15+s3], $0x4000, $0x38;
	[tilespmem:$0x18080] =	vst v63  }
0x33: {  	_ =	swait.ge [sflag:s12], $0x4000  }
0x34: {  	[sflag:s12] =	ssyncset.done $0x0  }
0x35: {  	[sflag:s12] =	ssyncadd.s32 $0xFFFFC000  }
0x36: {  	[spmem:s2] =	stream.indirect.scatter.add.f32 [tilespmem:s13], [sflag:$0x1], $0x80, s3, s13, $0xb8;
	[tilespmem:$0x18080] =	vst v63  }
0x37: {  	_ =	swait.ge [sflag:s12], $0x4000  }
0x38: {  	s14 =	sadd.s32 $0x1, s14;
	[sflag:s12] =	ssyncset.done $0x0  }
0x39: {  	p0 =	sne.s32 s14, s8;
	[sflag:s12] =	ssyncadd.s32 $0xFFFFC000  }
.Ltmp1:
0x3a: {  	[bflag:$0x0] =	sbarrier.arrive $0xFFFF;
	(pc) =	sbr.rel @p0 .LBB2_1-.Ltmp1, $4  }
0x3b: {  	[hbm:s7], [sflag:s6] =	dma.local [spmem:s11], $0x2800  }
0x3c: {  	_ =	swait.ge [sflag:s12], $0x2800  }
0x3d: {  	[sflag:s12] =	ssyncset.done $0x0  }
0x3e: {  	[sflag:s12] =	ssyncadd.s32 $0xFFFFD800  }
0x3f: {  	_ =	sfence.sel $0x180000  }
0x40: {  	[bflag:$0x0] =	sbarrier.arrive $0xFFFF  }
0x41: {  	p0 =	sne.s32 s1, $0x0;
	_ =	strace $0x90000050  }
0x42: {  	s0 =	sadd.s32 @!p0 $0x100000, s0;
	[bflag:$0x2] =	sbarrier.arrive $0xFFFF  }
0x43: {  	[sflag:s0] =	ssyncadd.tile.s32 @!p0 $0x1;
	_ =	shalt  }
.Lfunc_end2:
_tile_overlayer_lowered:
.L_overlay_start_2:
0x44: {  	(tag) =	ssettag $0x2  }
0x45: {  	s0 =	rddreg [dreg:$0x0];
	s2 =	stileid.u32  }
0x46: {  	s1 =	rddreg [dreg:$0x1];
	p0 =	sne.s32 s2, $0x0  }
0x47: {  	s3 =	rddreg [dreg:$0x2];
	[bflag:$0x3] =	sbarrier.arrive $0xFFFF;
	s2 =	simm.s32 @!p0 $0x1C01  }
0x48: {  	[timem:s3], [sflag:s2] =	dma.local @!p0 [hbm:s0], s1  }
0x49: {  	s0 =	simm.s32 @!p0 $0x1  }
0x4a: {  	_ =	swait.ge @!p0 [sflag:s0], s1  }
0x4b: {  	s1 =	ssub.s32 @!p0 $0x0, s1;
	[sflag:s0] =	ssyncset.done @!p0 $0x0  }
0x4c: {  	[sflag:s0] =	ssyncadd.s32 @!p0 s1  }
0x4d: {  	[bflag:$0x3] =	sbarrier.arrive $0xFFFF  }
0x4e: {  	_ =	shalt  }

</sc_bundles>
